<compile_context>
chip_gen: v7x
topology: tpu7x:2x2x1
jax: 0.10.2.dev20260603
libtpu: 0.0.44.dev20260713+nightly
codegen_flags: <defaults>
</compile_context>

<pallas_src>
import functools

import jax
import jax.numpy as jnp
from jax import lax
from jax.experimental import pallas as pl
from jax.experimental.pallas import tpu as pltpu
from jax.experimental.pallas import tpu_sc as plsc

_N = 10000
_E = 320000
_S = 2
_D = 128

_NS = 16
_C = 128
_K = 160
_B = 8
_NBLK = _K // _B
_EPT = _K * _C
_EP = _NS * _EPT
_NP = 10240
_RPT = _NP // _NS


def _matmul_body(x_ref, w_ref, o_ref):
    o_ref[0] = jnp.dot(x_ref[...], w_ref[0], preferred_element_type=jnp.float32)


def _matmul(x, W):
    return pl.pallas_call(
        _matmul_body,
        grid=(_S, 10),
        in_specs=[
            pl.BlockSpec((_N // 10, _D), lambda s, j: (j, 0)),
            pl.BlockSpec((1, _D, _D), lambda s, j: (s, 0, 0)),
        ],
        out_specs=pl.BlockSpec((1, _N // 10, _D), lambda s, j: (s, j, 0)),
        out_shape=jax.ShapeDtypeStruct((_S, _N, _D), jnp.float32),
    )(x, W)


def _combine_body(p_ref, b_ref, o_ref):
    o_ref[...] = jax.nn.relu(p_ref[0] + p_ref[1] + b_ref[...])


def _combine(partial, b2d):
    return pl.pallas_call(
        _combine_body,
        grid=(10,),
        in_specs=[
            pl.BlockSpec((_S, _N // 10, _D), lambda j: (0, j, 0)),
            pl.BlockSpec((1, _D), lambda j: (0, 0)),
        ],
        out_specs=pl.BlockSpec((_N // 10, _D), lambda j: (j, 0)),
        out_shape=jax.ShapeDtypeStruct((_N, _D), jnp.float32),
    )(partial, b2d)


def _spmm_body(presup_hbm, src_hbm, dst_hbm, ev_hbm, out_hbm,
               acc, src_v, dst_v, ev_v, rows_v, sem):
    c = lax.axis_index("c")
    t = lax.axis_index("s")

    def _zero_row(r, _):
        for j in range(_D // 16):
            rows_v[r, pl.ds(j * 16, 16)] = jnp.zeros((16,), jnp.float32)
        return 0
    lax.fori_loop(0, _C, _zero_row, 0)
    for jj in range(5):
        pltpu.sync_copy(rows_v, acc.at[pl.ds(t * _RPT + jj * _C, _C)])
    plsc.subcore_barrier()

    def _block(bb, _):
        sl_b = pl.ds(bb * _B, _B)
        pltpu.sync_copy(src_hbm.at[c, t, sl_b], src_v)
        pltpu.sync_copy(dst_hbm.at[c, t, sl_b], dst_v)
        pltpu.sync_copy(ev_hbm.at[c, t, sl_b], ev_v)

        def _chunk(k, _):
            pltpu.async_copy(presup_hbm.at[src_v.at[k]], rows_v, sem).wait()

            def _group(g, _):
                evg = ev_v[k, pl.ds(g * 16, 16)]
                for l in range(16):
                    e = g * 16 + l
                    evs = jnp.full((16,), evg[l], jnp.float32)
                    for j in range(_D // 16):
                        sl = pl.ds(j * 16, 16)
                        rows_v[e, sl] = rows_v[e, sl] * evs
                return 0
            lax.fori_loop(0, _C // 16, _group, 0)

            pltpu.sync_copy(rows_v, acc.at[dst_v.at[k]], add=True)
            return 0
        lax.fori_loop(0, _B, _chunk, 0)
        return 0
    lax.fori_loop(0, _NBLK, _block, 0)

    plsc.subcore_barrier()
    for jj in range(5):
        r0 = t * _RPT + jj * _C
        pltpu.sync_copy(acc.at[pl.ds(r0, _C)], rows_v)
        pltpu.sync_copy(rows_v, out_hbm.at[c, pl.ds(r0, _C)])


_spmm = functools.partial(
    pl.kernel,
    out_type=jax.ShapeDtypeStruct((_S, _NP, _D), jnp.float32),
    mesh=plsc.VectorSubcoreMesh(core_axis_name="c", subcore_axis_name="s",
                                num_cores=_S, num_subcores=_NS),
    scratch_types=[
        pltpu.VMEM_SHARED((_NP, _D), jnp.float32),
        pltpu.VMEM((_B, _C), jnp.int32),
        pltpu.VMEM((_B, _C), jnp.int32),
        pltpu.VMEM((_B, _C), jnp.float32),
        pltpu.VMEM((_C, _D), jnp.float32),
        pltpu.SemaphoreType.DMA,
    ],
)(_spmm_body)


def kernel(x, edge_index, edge_values, W, b):
    x = x.astype(jnp.float32)
    ei = edge_index.astype(jnp.int32)
    ev = edge_values.astype(jnp.float32)
    W = W.astype(jnp.float32)

    presup = _matmul(x, W).reshape(_S * _N, _D)

    pad = _EP - _E
    dst = jnp.pad(ei[:, 0, :], ((0, 0), (0, pad))).reshape(_S, _NS, _K, _C)
    src = jnp.pad(ei[:, 1, :], ((0, 0), (0, pad)))
    src = (src + (jnp.arange(_S, dtype=jnp.int32) * _N)[:, None])
    src = src.reshape(_S, _NS, _K, _C)
    evp = jnp.pad(ev, ((0, 0), (0, pad))).reshape(_S, _NS, _K, _C)
    del pad

    partial = _spmm(presup, src, dst, evp)
    return _combine(partial, b.reshape(1, _D))

# --- scband reference (transcript-rebuilt; emitter-appended) ---
"""Pipeline reference for scband-gcn-30313879175766 (READ-ONLY COPY).

The authoritative reference and input builder live on the scoring server;
editing this copy changes nothing except your own understanding.
"""

import jax, jax.numpy as jnp
import numpy as np

N_NODES = 10000
N_EDGES = 320000
NUM_SUPPORT = 2
D_IN = 128
D_OUT = 128


def setup_inputs(seed: int = 0) -> dict:
    key = jax.random.key(seed)
    k_x, k_ei, k_ev, k_w = jax.random.split(key, 4)
    x = jax.random.normal(k_x, (N_NODES, D_IN), dtype=jnp.float32)
    edge_index = jax.random.randint(k_ei, (NUM_SUPPORT, 2, N_EDGES), 0, N_NODES, dtype=jnp.int64)
    edge_values = jax.random.uniform(k_ev, (NUM_SUPPORT, N_EDGES), dtype=jnp.float32)
    W = jax.random.normal(k_w, (NUM_SUPPORT, D_IN, D_OUT), dtype=jnp.float32) * (1.0 / np.sqrt(D_IN))
    b = jnp.zeros((D_OUT,), dtype=jnp.float32)
    return {"x": x, "edge_index": edge_index, "edge_values": edge_values, "W": W, "b": b}


def reference(x, edge_index, edge_values, W, b):
    # Faithful translation of GCN.call with dropout=0 (inference), bias=True, batch_norm=False, act=relu.
    # Each support[i] is a sparse [N, N] adjacency represented as (edge_index[i], edge_values[i]).
    # tf.sparse.sparse_dense_matmul(support[i], pre_sup) == scatter-add of
    # edge_values * pre_sup[src] into dst rows.
    n = x.shape[0]
    supports_out = []
    for i in range(NUM_SUPPORT):
        pre_sup = jnp.matmul(x, W[i])  # [N, D_OUT]
        src = edge_index[i, 1]  # column index -> gathered row of pre_sup
        dst = edge_index[i, 0]  # row index -> output row
        msgs = edge_values[i][:, None] * jnp.take(pre_sup, src, axis=0)  # [E, D_OUT]
        sup_out = jax.ops.segment_sum(msgs, dst, num_segments=n)
        supports_out.append(sup_out)
    output = supports_out[0]
    for s in supports_out[1:]:
        output = output + s
    output = output + b
    return jax.nn.relu(output)

if __name__ == "__main__":
    import jax
    _d = setup_inputs()
    print(jax.jit(kernel)(*tuple(_d.values())))

</pallas_src>

<mosaic_0001>
#map = affine_map<(d0, d1) -> (0, 0)>
#map1 = affine_map<(d0, d1) -> (0, 0, 0, 0)>
#map2 = affine_map<(d0, d1) -> (0, 0, 0)>
module attributes {stable_mosaic.version = 14 : i64} {
  func.func @_spmm_body(%arg0: i32, %arg1: i32, %arg2: memref<20000x128xf32, #tpu.memory_space<hbm>>, %arg3: memref<2x16x160x128xi32, #tpu.memory_space<hbm>>, %arg4: memref<2x16x160x128xi32, #tpu.memory_space<hbm>>, %arg5: memref<2x16x160x128xf32, #tpu.memory_space<hbm>>, %arg6: memref<2x10240x128xf32, #tpu.memory_space<hbm>>, %arg7: memref<10240x128xf32, #tpu.memory_space<vmem_shared>>, %arg8: memref<8x128xi32, #tpu.memory_space<vmem>>, %arg9: memref<8x128xi32, #tpu.memory_space<vmem>>, %arg10: memref<8x128xf32, #tpu.memory_space<vmem>>, %arg11: memref<128x128xf32, #tpu.memory_space<vmem>>, %arg12: memref<!tpu.dma_semaphore, #tpu.memory_space<semaphore_mem>>) attributes {dimension_semantics = [#tpu.dimension_semantics<core_parallel>, #tpu.dimension_semantics<subcore_parallel>], iteration_bounds = array<i64: 2, 16>, scalar_prefetch = 0 : i64, scratch_operands = 6 : i64, tpu.core_type = #tpu.core_type<sc_vector_subcore>, window_params = [{transform_indices = #map}, {transform_indices = #map1}, {transform_indices = #map1}, {transform_indices = #map1}, {transform_indices = #map2}]} {
    %scan3A = arith.constant 0 : i32
    %scan3A_0 = arith.constant 0 : i32
    %scan3A_1 = arith.constant 128 : i32
    %scan3A_2 = arith.addi %scan3A_0, %scan3A_1 : i32
    %scan3A_3 = arith.constant 1 : i32
    %scan3A_4 = scf.for %scan3A_52 = %scan3A_0 to %scan3A_2 step %scan3A_3 iter_args(%scan3A_53 = %scan3A) -> (i32)  : i32 {
      %broadcast_in_dim3A = arith.constant 0.000000e+00 : f32
      %broadcast_in_dim3A_54 = vector.broadcast %broadcast_in_dim3A : f32 to vector<16xf32>
      %swap3A = arith.index_cast %scan3A_52 : i32 to index
      %swap3A_55 = arith.constant 0 : index
      %swap3A_56 = tpu.vector_load %arg11[%swap3A, %swap3A_55] {strides = array<i32>} : memref<128x128xf32, #tpu.memory_space<vmem>>, vector<1x16xf32>,
      %swap3A_57 = vector.shape_cast %swap3A_56 : vector<1x16xf32> to vector<16xf32>
      %swap3A_58 = vector.shape_cast %broadcast_in_dim3A_54 : vector<16xf32> to vector<1x16xf32>
      tpu.vector_store %arg11[%swap3A, %swap3A_55], %swap3A_58 {strides = array<i32>} : memref<128x128xf32, #tpu.memory_space<vmem>>, vector<1x16xf32>,
      %broadcast_in_dim3A_59 = arith.constant 0.000000e+00 : f32
      %broadcast_in_dim3A_60 = vector.broadcast %broadcast_in_dim3A_59 : f32 to vector<16xf32>
      %swap3A_61 = arith.index_cast %scan3A_52 : i32 to index
      %swap3A_62 = arith.constant 16 : index
      %swap3A_63 = tpu.vector_load %arg11[%swap3A_61, %swap3A_62] {strides = array<i32>} : memref<128x128xf32, #tpu.memory_space<vmem>>, vector<1x16xf32>,
      %swap3A_64 = vector.shape_cast %swap3A_63 : vector<1x16xf32> to vector<16xf32>
      %swap3A_65 = vector.shape_cast %broadcast_in_dim3A_60 : vector<16xf32> to vector<1x16xf32>
      tpu.vector_store %arg11[%swap3A_61, %swap3A_62], %swap3A_65 {strides = array<i32>} : memref<128x128xf32, #tpu.memory_space<vmem>>, vector<1x16xf32>,
      %broadcast_in_dim3A_66 = arith.constant 0.000000e+00 : f32
      %broadcast_in_dim3A_67 = vector.broadcast %broadcast_in_dim3A_66 : f32 to vector<16xf32>
      %swap3A_68 = arith.index_cast %scan3A_52 : i32 to index
      %swap3A_69 = arith.constant 32 : index
      %swap3A_70 = tpu.vector_load %arg11[%swap3A_68, %swap3A_69] {strides = array<i32>} : memref<128x128xf32, #tpu.memory_space<vmem>>, vector<1x16xf32>,
      %swap3A_71 = vector.shape_cast %swap3A_70 : vector<1x16xf32> to vector<16xf32>
      %swap3A_72 = vector.shape_cast %broadcast_in_dim3A_67 : vector<16xf32> to vector<1x16xf32>
      tpu.vector_store %arg11[%swap3A_68, %swap3A_69], %swap3A_72 {strides = array<i32>} : memref<128x128xf32, #tpu.memory_space<vmem>>, vector<1x16xf32>,
      %broadcast_in_dim3A_73 = arith.constant 0.000000e+00 : f32
      %broadcast_in_dim3A_74 = vector.broadcast %broadcast_in_dim3A_73 : f32 to vector<16xf32>
      %swap3A_75 = arith.index_cast %scan3A_52 : i32 to index
      %swap3A_76 = arith.constant 48 : index
      %swap3A_77 = tpu.vector_load %arg11[%swap3A_75, %swap3A_76] {strides = array<i32>} : memref<128x128xf32, #tpu.memory_space<vmem>>, vector<1x16xf32>,
      %swap3A_78 = vector.shape_cast %swap3A_77 : vector<1x16xf32> to vector<16xf32>
      %swap3A_79 = vector.shape_cast %broadcast_in_dim3A_74 : vector<16xf32> to vector<1x16xf32>
      tpu.vector_store %arg11[%swap3A_75, %swap3A_76], %swap3A_79 {strides = array<i32>} : memref<128x128xf32, #tpu.memory_space<vmem>>, vector<1x16xf32>,
      %broadcast_in_dim3A_80 = arith.constant 0.000000e+00 : f32
      %broadcast_in_dim3A_81 = vector.broadcast %broadcast_in_dim3A_80 : f32 to vector<16xf32>
      %swap3A_82 = arith.index_cast %scan3A_52 : i32 to index
      %swap3A_83 = arith.constant 64 : index
      %swap3A_84 = tpu.vector_load %arg11[%swap3A_82, %swap3A_83] {strides = array<i32>} : memref<128x128xf32, #tpu.memory_space<vmem>>, vector<1x16xf32>,
      %swap3A_85 = vector.shape_cast %swap3A_84 : vector<1x16xf32> to vector<16xf32>
      %swap3A_86 = vector.shape_cast %broadcast_in_dim3A_81 : vector<16xf32> to vector<1x16xf32>
      tpu.vector_store %arg11[%swap3A_82, %swap3A_83], %swap3A_86 {strides = array<i32>} : memref<128x128xf32, #tpu.memory_space<vmem>>, vector<1x16xf32>,
      %broadcast_in_dim3A_87 = arith.constant 0.000000e+00 : f32
      %broadcast_in_dim3A_88 = vector.broadcast %broadcast_in_dim3A_87 : f32 to vector<16xf32>
      %swap3A_89 = arith.index_cast %scan3A_52 : i32 to index
      %swap3A_90 = arith.constant 80 : index
      %swap3A_91 = tpu.vector_load %arg11[%swap3A_89, %swap3A_90] {strides = array<i32>} : memref<128x128xf32, #tpu.memory_space<vmem>>, vector<1x16xf32>,
      %swap3A_92 = vector.shape_cast %swap3A_91 : vector<1x16xf32> to vector<16xf32>
      %swap3A_93 = vector.shape_cast %broadcast_in_dim3A_88 : vector<16xf32> to vector<1x16xf32>
      tpu.vector_store %arg11[%swap3A_89, %swap3A_90], %swap3A_93 {strides = array<i32>} : memref<128x128xf32, #tpu.memory_space<vmem>>, vector<1x16xf32>,
      %broadcast_in_dim3A_94 = arith.constant 0.000000e+00 : f32
      %broadcast_in_dim3A_95 = vector.broadcast %broadcast_in_dim3A_94 : f32 to vector<16xf32>
      %swap3A_96 = arith.index_cast %scan3A_52 : i32 to index
      %swap3A_97 = arith.constant 96 : index
      %swap3A_98 = tpu.vector_load %arg11[%swap3A_96, %swap3A_97] {strides = array<i32>} : memref<128x128xf32, #tpu.memory_space<vmem>>, vector<1x16xf32>,
      %swap3A_99 = vector.shape_cast %swap3A_98 : vector<1x16xf32> to vector<16xf32>
      %swap3A_100 = vector.shape_cast %broadcast_in_dim3A_95 : vector<16xf32> to vector<1x16xf32>
      tpu.vector_store %arg11[%swap3A_96, %swap3A_97], %swap3A_100 {strides = array<i32>} : memref<128x128xf32, #tpu.memory_space<vmem>>, vector<1x16xf32>,
      %broadcast_in_dim3A_101 = arith.constant 0.000000e+00 : f32
      %broadcast_in_dim3A_102 = vector.broadcast %broadcast_in_dim3A_101 : f32 to vector<16xf32>
      %swap3A_103 = arith.index_cast %scan3A_52 : i32 to index
      %swap3A_104 = arith.constant 112 : index
      %swap3A_105 = tpu.vector_load %arg11[%swap3A_103, %swap3A_104] {strides = array<i32>} : memref<128x128xf32, #tpu.memory_space<vmem>>, vector<1x16xf32>,
      %swap3A_106 = vector.shape_cast %swap3A_105 : vector<1x16xf32> to vector<16xf32>
      %swap3A_107 = vector.shape_cast %broadcast_in_dim3A_102 : vector<16xf32> to vector<1x16xf32>
      tpu.vector_store %arg11[%swap3A_103, %swap3A_104], %swap3A_107 {strides = array<i32>} : memref<128x128xf32, #tpu.memory_space<vmem>>, vector<1x16xf32>,
      %scan3A_108 = arith.constant 0 : i32
      scf.yield %scan3A_108 : i32
    }
    %scan3A_5 = arith.constant 128 : i32
    %mul3A = arith.constant 640 : i32
    %mul3A_6 = arith.muli %arg1, %mul3A : i32
    %add3A = arith.constant 0 : i32
    %add3A_7 = arith.addi %mul3A_6, %add3A : i32
    "tpu.region"() ({
      %run_scoped3A = tpu.sem_alloc : memref<!tpu.dma_semaphore, #tpu.memory_space<semaphore_mem>>
      %dma_start3A = arith.constant 0 : i32
      %dma_start3A_52 = tpu.memref_slice %arg7[%add3A_7, %dma_start3A] : memref<10240x128xf32, #tpu.memory_space<vmem_shared>> -> memref<128x128xf32, #tpu.memory_space<vmem_shared>>
      %dma_start3A_53 = arith.constant 0 : i32
      %dma_start3A_54 = tpu.memref_slice %arg7[%add3A_7, %dma_start3A_53] : memref<10240x128xf32, #tpu.memory_space<vmem_shared>> -> memref<128x128xf32, #tpu.memory_space<vmem_shared>>
      tpu.enqueue_dma source(%arg11 : memref<128x128xf32, #tpu.memory_space<vmem>>) target(%dma_start3A_54 : memref<128x128xf32, #tpu.memory_space<vmem_shared>>) target_semaphore(%run_scoped3A : memref<!tpu.dma_semaphore, #tpu.memory_space<semaphore_mem>>)
      %dma_wait3A = arith.constant 0 : i32
      %dma_wait3A_55 = tpu.memref_slice %arg7[%add3A_7, %dma_wait3A] : memref<10240x128xf32, #tpu.memory_space<vmem_shared>> -> memref<128x128xf32, #tpu.memory_space<vmem_shared>>
      %dma_wait3A_56 = arith.constant 0 : i32
      %dma_wait3A_57 = tpu.memref_slice %arg7[%add3A_7, %dma_wait3A_56] : memref<10240x128xf32, #tpu.memory_space<vmem_shared>> -> memref<128x128xf32, #tpu.memory_space<vmem_shared>>
      tpu.wait_dma2 semaphore(%run_scoped3A : memref<!tpu.dma_semaphore, #tpu.memory_space<semaphore_mem>>) src(%arg11 : memref<128x128xf32, #tpu.memory_space<vmem>>) dst(%dma_wait3A_57 : memref<128x128xf32, #tpu.memory_space<vmem_shared>>)
      tpu.yield
    }) : () -> ()
    %mul3A_8 = arith.constant 640 : i32
    %mul3A_9 = arith.muli %arg1, %mul3A_8 : i32
    %add3A_10 = arith.constant 128 : i32
    %add3A_11 = arith.addi %mul3A_9, %add3A_10 : i32
    "tpu.region"() ({
      %run_scoped3A = tpu.sem_alloc : memref<!tpu.dma_semaphore, #tpu.memory_space<semaphore_mem>>
      %dma_start3A = arith.constant 0 : i32
      %dma_start3A_52 = tpu.memref_slice %arg7[%add3A_11, %dma_start3A] : memref<10240x128xf32, #tpu.memory_space<vmem_shared>> -> memref<128x128xf32, #tpu.memory_space<vmem_shared>>
      %dma_start3A_53 = arith.constant 0 : i32
      %dma_start3A_54 = tpu.memref_slice %arg7[%add3A_11, %dma_start3A_53] : memref<10240x128xf32, #tpu.memory_space<vmem_shared>> -> memref<128x128xf32, #tpu.memory_space<vmem_shared>>
      tpu.enqueue_dma source(%arg11 : memref<128x128xf32, #tpu.memory_space<vmem>>) target(%dma_start3A_54 : memref<128x128xf32, #tpu.memory_space<vmem_shared>>) target_semaphore(%run_scoped3A : memref<!tpu.dma_semaphore, #tpu.memory_space<semaphore_mem>>)
      %dma_wait3A = arith.constant 0 : i32
      %dma_wait3A_55 = tpu.memref_slice %arg7[%add3A_11, %dma_wait3A] : memref<10240x128xf32, #tpu.memory_space<vmem_shared>> -> memref<128x128xf32, #tpu.memory_space<vmem_shared>>
      %dma_wait3A_56 = arith.constant 0 : i32
      %dma_wait3A_57 = tpu.memref_slice %arg7[%add3A_11, %dma_wait3A_56] : memref<10240x128xf32, #tpu.memory_space<vmem_shared>> -> memref<128x128xf32, #tpu.memory_space<vmem_shared>>
      tpu.wait_dma2 semaphore(%run_scoped3A : memref<!tpu.dma_semaphore, #tpu.memory_space<semaphore_mem>>) src(%arg11 : memref<128x128xf32, #tpu.memory_space<vmem>>) dst(%dma_wait3A_57 : memref<128x128xf32, #tpu.memory_space<vmem_shared>>)
      tpu.yield
    }) : () -> ()
    %mul3A_12 = arith.constant 640 : i32
    %mul3A_13 = arith.muli %arg1, %mul3A_12 : i32
    %add3A_14 = arith.constant 256 : i32
    %add3A_15 = arith.addi %mul3A_13, %add3A_14 : i32
    "tpu.region"() ({
      %run_scoped3A = tpu.sem_alloc : memref<!tpu.dma_semaphore, #tpu.memory_space<semaphore_mem>>
      %dma_start3A = arith.constant 0 : i32
      %dma_start3A_52 = tpu.memref_slice %arg7[%add3A_15, %dma_start3A] : memref<10240x128xf32, #tpu.memory_space<vmem_shared>> -> memref<128x128xf32, #tpu.memory_space<vmem_shared>>
      %dma_start3A_53 = arith.constant 0 : i32
      %dma_start3A_54 = tpu.memref_slice %arg7[%add3A_15, %dma_start3A_53] : memref<10240x128xf32, #tpu.memory_space<vmem_shared>> -> memref<128x128xf32, #tpu.memory_space<vmem_shared>>
      tpu.enqueue_dma source(%arg11 : memref<128x128xf32, #tpu.memory_space<vmem>>) target(%dma_start3A_54 : memref<128x128xf32, #tpu.memory_space<vmem_shared>>) target_semaphore(%run_scoped3A : memref<!tpu.dma_semaphore, #tpu.memory_space<semaphore_mem>>)
      %dma_wait3A = arith.constant 0 : i32
      %dma_wait3A_55 = tpu.memref_slice %arg7[%add3A_15, %dma_wait3A] : memref<10240x128xf32, #tpu.memory_space<vmem_shared>> -> memref<128x128xf32, #tpu.memory_space<vmem_shared>>
      %dma_wait3A_56 = arith.constant 0 : i32
      %dma_wait3A_57 = tpu.memref_slice %arg7[%add3A_15, %dma_wait3A_56] : memref<10240x128xf32, #tpu.memory_space<vmem_shared>> -> memref<128x128xf32, #tpu.memory_space<vmem_shared>>
      tpu.wait_dma2 semaphore(%run_scoped3A : memref<!tpu.dma_semaphore, #tpu.memory_space<semaphore_mem>>) src(%arg11 : memref<128x128xf32, #tpu.memory_space<vmem>>) dst(%dma_wait3A_57 : memref<128x128xf32, #tpu.memory_space<vmem_shared>>)
      tpu.yield
    }) : () -> ()
    %mul3A_16 = arith.constant 640 : i32
    %mul3A_17 = arith.muli %arg1, %mul3A_16 : i32
    %add3A_18 = arith.constant 384 : i32
    %add3A_19 = arith.addi %mul3A_17, %add3A_18 : i32
    "tpu.region"() ({
      %run_scoped3A = tpu.sem_alloc : memref<!tpu.dma_semaphore, #tpu.memory_space<semaphore_mem>>
      %dma_start3A = arith.constant 0 : i32
      %dma_start3A_52 = tpu.memref_slice %arg7[%add3A_19, %dma_start3A] : memref<10240x128xf32, #tpu.memory_space<vmem_shared>> -> memref<128x128xf32, #tpu.memory_space<vmem_shared>>
      %dma_start3A_53 = arith.constant 0 : i32
      %dma_start3A_54 = tpu.memref_slice %arg7[%add3A_19, %dma_start3A_53] : memref<10240x128xf32, #tpu.memory_space<vmem_shared>> -> memref<128x128xf32, #tpu.memory_space<vmem_shared>>
      tpu.enqueue_dma source(%arg11 : memref<128x128xf32, #tpu.memory_space<vmem>>) target(%dma_start3A_54 : memref<128x128xf32, #tpu.memory_space<vmem_shared>>) target_semaphore(%run_scoped3A : memref<!tpu.dma_semaphore, #tpu.memory_space<semaphore_mem>>)
      %dma_wait3A = arith.constant 0 : i32
      %dma_wait3A_55 = tpu.memref_slice %arg7[%add3A_19, %dma_wait3A] : memref<10240x128xf32, #tpu.memory_space<vmem_shared>> -> memref<128x128xf32, #tpu.memory_space<vmem_shared>>
      %dma_wait3A_56 = arith.constant 0 : i32
      %dma_wait3A_57 = tpu.memref_slice %arg7[%add3A_19, %dma_wait3A_56] : memref<10240x128xf32, #tpu.memory_space<vmem_shared>> -> memref<128x128xf32, #tpu.memory_space<vmem_shared>>
      tpu.wait_dma2 semaphore(%run_scoped3A : memref<!tpu.dma_semaphore, #tpu.memory_space<semaphore_mem>>) src(%arg11 : memref<128x128xf32, #tpu.memory_space<vmem>>) dst(%dma_wait3A_57 : memref<128x128xf32, #tpu.memory_space<vmem_shared>>)
      tpu.yield
    }) : () -> ()
    %mul3A_20 = arith.constant 640 : i32
    %mul3A_21 = arith.muli %arg1, %mul3A_20 : i32
    %add3A_22 = arith.constant 512 : i32
    %add3A_23 = arith.addi %mul3A_21, %add3A_22 : i32
    "tpu.region"() ({
      %run_scoped3A = tpu.sem_alloc : memref<!tpu.dma_semaphore, #tpu.memory_space<semaphore_mem>>
      %dma_start3A = arith.constant 0 : i32
      %dma_start3A_52 = tpu.memref_slice %arg7[%add3A_23, %dma_start3A] : memref<10240x128xf32, #tpu.memory_space<vmem_shared>> -> memref<128x128xf32, #tpu.memory_space<vmem_shared>>
      %dma_start3A_53 = arith.constant 0 : i32
      %dma_start3A_54 = tpu.memref_slice %arg7[%add3A_23, %dma_start3A_53] : memref<10240x128xf32, #tpu.memory_space<vmem_shared>> -> memref<128x128xf32, #tpu.memory_space<vmem_shared>>
      tpu.enqueue_dma source(%arg11 : memref<128x128xf32, #tpu.memory_space<vmem>>) target(%dma_start3A_54 : memref<128x128xf32, #tpu.memory_space<vmem_shared>>) target_semaphore(%run_scoped3A : memref<!tpu.dma_semaphore, #tpu.memory_space<semaphore_mem>>)
      %dma_wait3A = arith.constant 0 : i32
      %dma_wait3A_55 = tpu.memref_slice %arg7[%add3A_23, %dma_wait3A] : memref<10240x128xf32, #tpu.memory_space<vmem_shared>> -> memref<128x128xf32, #tpu.memory_space<vmem_shared>>
      %dma_wait3A_56 = arith.constant 0 : i32
      %dma_wait3A_57 = tpu.memref_slice %arg7[%add3A_23, %dma_wait3A_56] : memref<10240x128xf32, #tpu.memory_space<vmem_shared>> -> memref<128x128xf32, #tpu.memory_space<vmem_shared>>
      tpu.wait_dma2 semaphore(%run_scoped3A : memref<!tpu.dma_semaphore, #tpu.memory_space<semaphore_mem>>) src(%arg11 : memref<128x128xf32, #tpu.memory_space<vmem>>) dst(%dma_wait3A_57 : memref<128x128xf32, #tpu.memory_space<vmem_shared>>)
      tpu.yield
    }) : () -> ()
    %barrier3A = arith.constant 0 : index
    tpu.barrier barrier_id(%barrier3A)
    %scan3A_24 = arith.constant 0 : i32
    %scan3A_25 = arith.constant 0 : i32
    %scan3A_26 = arith.constant 20 : i32
    %scan3A_27 = arith.addi %scan3A_25, %scan3A_26 : i32
    %scan3A_28 = arith.constant 1 : i32
    %scan3A_29 = scf.for %scan3A_52 = %scan3A_25 to %scan3A_27 step %scan3A_28 iter_args(%scan3A_53 = %scan3A_24) -> (i32)  : i32 {
      %mul3A_54 = arith.constant 8 : i32
      %mul3A_55 = arith.muli %scan3A_52, %mul3A_54 : i32
      "tpu.region"() ({
        %run_scoped3A = tpu.sem_alloc : memref<!tpu.dma_semaphore, #tpu.memory_space<semaphore_mem>>
        %dma_start3A = arith.constant 0 : i32
        %dma_start3A_64 = tpu.memref_slice %arg3[%arg0, %arg1, %mul3A_55, %dma_start3A] : memref<2x16x160x128xi32, #tpu.memory_space<hbm>> -> memref<1x1x8x128xi32, #tpu.memory_space<hbm>>
        %dma_start3A_65 = tpu.memref_squeeze %dma_start3A_64 : memref<1x1x8x128xi32, #tpu.memory_space<hbm>> -> memref<8x128xi32, #tpu.memory_space<hbm>>
        %dma_start3A_66 = arith.constant 0 : i32
        %dma_start3A_67 = tpu.memref_slice %arg3[%arg0, %arg1, %mul3A_55, %dma_start3A_66] : memref<2x16x160x128xi32, #tpu.memory_space<hbm>> -> memref<1x1x8x128xi32, #tpu.memory_space<hbm>>
        %dma_start3A_68 = tpu.memref_squeeze %dma_start3A_67 : memref<1x1x8x128xi32, #tpu.memory_space<hbm>> -> memref<8x128xi32, #tpu.memory_space<hbm>>
        tpu.enqueue_dma source(%dma_start3A_68 : memref<8x128xi32, #tpu.memory_space<hbm>>) target(%arg8 : memref<8x128xi32, #tpu.memory_space<vmem>>) target_semaphore(%run_scoped3A : memref<!tpu.dma_semaphore, #tpu.memory_space<semaphore_mem>>)
        %dma_wait3A = arith.constant 0 : i32
        %dma_wait3A_69 = tpu.memref_slice %arg3[%arg0, %arg1, %mul3A_55, %dma_wait3A] : memref<2x16x160x128xi32, #tpu.memory_space<hbm>> -> memref<1x1x8x128xi32, #tpu.memory_space<hbm>>
        %dma_wait3A_70 = tpu.memref_squeeze %dma_wait3A_69 : memref<1x1x8x128xi32, #tpu.memory_space<hbm>> -> memref<8x128xi32, #tpu.memory_space<hbm>>
        %dma_wait3A_71 = arith.constant 0 : i32
        %dma_wait3A_72 = tpu.memref_slice %arg3[%arg0, %arg1, %mul3A_55, %dma_wait3A_71] : memref<2x16x160x128xi32, #tpu.memory_space<hbm>> -> memref<1x1x8x128xi32, #tpu.memory_space<hbm>>
        %dma_wait3A_73 = tpu.memref_squeeze %dma_wait3A_72 : memref<1x1x8x128xi32, #tpu.memory_space<hbm>> -> memref<8x128xi32, #tpu.memory_space<hbm>>
        tpu.wait_dma2 semaphore(%run_scoped3A : memref<!tpu.dma_semaphore, #tpu.memory_space<semaphore_mem>>) src(%dma_wait3A_73 : memref<8x128xi32, #tpu.memory_space<hbm>>) dst(%arg8 : memref<8x128xi32, #tpu.memory_space<vmem>>)
        tpu.yield
      }) : () -> ()
      "tpu.region"() ({
        %run_scoped3A = tpu.sem_alloc : memref<!tpu.dma_semaphore, #tpu.memory_space<semaphore_mem>>
        %dma_start3A = arith.constant 0 : i32
        %dma_start3A_64 = tpu.memref_slice %arg4[%arg0, %arg1, %mul3A_55, %dma_start3A] : memref<2x16x160x128xi32, #tpu.memory_space<hbm>> -> memref<1x1x8x128xi32, #tpu.memory_space<hbm>>
        %dma_start3A_65 = tpu.memref_squeeze %dma_start3A_64 : memref<1x1x8x128xi32, #tpu.memory_space<hbm>> -> memref<8x128xi32, #tpu.memory_space<hbm>>
        %dma_start3A_66 = arith.constant 0 : i32
        %dma_start3A_67 = tpu.memref_slice %arg4[%arg0, %arg1, %mul3A_55, %dma_start3A_66] : memref<2x16x160x128xi32, #tpu.memory_space<hbm>> -> memref<1x1x8x128xi32, #tpu.memory_space<hbm>>
        %dma_start3A_68 = tpu.memref_squeeze %dma_start3A_67 : memref<1x1x8x128xi32, #tpu.memory_space<hbm>> -> memref<8x128xi32, #tpu.memory_space<hbm>>
        tpu.enqueue_dma source(%dma_start3A_68 : memref<8x128xi32, #tpu.memory_space<hbm>>) target(%arg9 : memref<8x128xi32, #tpu.memory_space<vmem>>) target_semaphore(%run_scoped3A : memref<!tpu.dma_semaphore, #tpu.memory_space<semaphore_mem>>)
        %dma_wait3A = arith.constant 0 : i32
        %dma_wait3A_69 = tpu.memref_slice %arg4[%arg0, %arg1, %mul3A_55, %dma_wait3A] : memref<2x16x160x128xi32, #tpu.memory_space<hbm>> -> memref<1x1x8x128xi32, #tpu.memory_space<hbm>>
        %dma_wait3A_70 = tpu.memref_squeeze %dma_wait3A_69 : memref<1x1x8x128xi32, #tpu.memory_space<hbm>> -> memref<8x128xi32, #tpu.memory_space<hbm>>
        %dma_wait3A_71 = arith.constant 0 : i32
        %dma_wait3A_72 = tpu.memref_slice %arg4[%arg0, %arg1, %mul3A_55, %dma_wait3A_71] : memref<2x16x160x128xi32, #tpu.memory_space<hbm>> -> memref<1x1x8x128xi32, #tpu.memory_space<hbm>>
        %dma_wait3A_73 = tpu.memref_squeeze %dma_wait3A_72 : memref<1x1x8x128xi32, #tpu.memory_space<hbm>> -> memref<8x128xi32, #tpu.memory_space<hbm>>
        tpu.wait_dma2 semaphore(%run_scoped3A : memref<!tpu.dma_semaphore, #tpu.memory_space<semaphore_mem>>) src(%dma_wait3A_73 : memref<8x128xi32, #tpu.memory_space<hbm>>) dst(%arg9 : memref<8x128xi32, #tpu.memory_space<vmem>>)
        tpu.yield
      }) : () -> ()
      "tpu.region"() ({
        %run_scoped3A = tpu.sem_alloc : memref<!tpu.dma_semaphore, #tpu.memory_space<semaphore_mem>>
        %dma_start3A = arith.constant 0 : i32
        %dma_start3A_64 = tpu.memref_slice %arg5[%arg0, %arg1, %mul3A_55, %dma_start3A] : memref<2x16x160x128xf32, #tpu.memory_space<hbm>> -> memref<1x1x8x128xf32, #tpu.memory_space<hbm>>
        %dma_start3A_65 = tpu.memref_squeeze %dma_start3A_64 : memref<1x1x8x128xf32, #tpu.memory_space<hbm>> -> memref<8x128xf32, #tpu.memory_space<hbm>>
        %dma_start3A_66 = arith.constant 0 : i32
        %dma_start3A_67 = tpu.memref_slice %arg5[%arg0, %arg1, %mul3A_55, %dma_start3A_66] : memref<2x16x160x128xf32, #tpu.memory_space<hbm>> -> memref<1x1x8x128xf32, #tpu.memory_space<hbm>>
        %dma_start3A_68 = tpu.memref_squeeze %dma_start3A_67 : memref<1x1x8x128xf32, #tpu.memory_space<hbm>> -> memref<8x128xf32, #tpu.memory_space<hbm>>
        tpu.enqueue_dma source(%dma_start3A_68 : memref<8x128xf32, #tpu.memory_space<hbm>>) target(%arg10 : memref<8x128xf32, #tpu.memory_space<vmem>>) target_semaphore(%run_scoped3A : memref<!tpu.dma_semaphore, #tpu.memory_space<semaphore_mem>>)
        %dma_wait3A = arith.constant 0 : i32
        %dma_wait3A_69 = tpu.memref_slice %arg5[%arg0, %arg1, %mul3A_55, %dma_wait3A] : memref<2x16x160x128xf32, #tpu.memory_space<hbm>> -> memref<1x1x8x128xf32, #tpu.memory_space<hbm>>
        %dma_wait3A_70 = tpu.memref_squeeze %dma_wait3A_69 : memref<1x1x8x128xf32, #tpu.memory_space<hbm>> -> memref<8x128xf32, #tpu.memory_space<hbm>>
        %dma_wait3A_71 = arith.constant 0 : i32
        %dma_wait3A_72 = tpu.memref_slice %arg5[%arg0, %arg1, %mul3A_55, %dma_wait3A_71] : memref<2x16x160x128xf32, #tpu.memory_space<hbm>> -> memref<1x1x8x128xf32, #tpu.memory_space<hbm>>
        %dma_wait3A_73 = tpu.memref_squeeze %dma_wait3A_72 : memref<1x1x8x128xf32, #tpu.memory_space<hbm>> -> memref<8x128xf32, #tpu.memory_space<hbm>>
        tpu.wait_dma2 semaphore(%run_scoped3A : memref<!tpu.dma_semaphore, #tpu.memory_space<semaphore_mem>>) src(%dma_wait3A_73 : memref<8x128xf32, #tpu.memory_space<hbm>>) dst(%arg10 : memref<8x128xf32, #tpu.memory_space<vmem>>)
        tpu.yield
      }) : () -> ()
      %scan3A_56 = arith.constant 0 : i32
      %scan3A_57 = arith.constant 0 : i32
      %scan3A_58 = arith.constant 8 : i32
      %scan3A_59 = arith.addi %scan3A_57, %scan3A_58 : i32
      %scan3A_60 = arith.constant 1 : i32
      %scan3A_61 = scf.for %scan3A_64 = %scan3A_57 to %scan3A_59 step %scan3A_60 iter_args(%scan3A_65 = %scan3A_56) -> (i32)  : i32 {
        %dma_start3A = arith.constant 0 : i32
        %dma_start3A_66 = tpu.memref_slice %arg8[%scan3A_64, %dma_start3A] : memref<8x128xi32, #tpu.memory_space<vmem>> -> memref<1x128xi32, #tpu.memory_space<vmem>>
        %dma_start3A_67 = tpu.memref_squeeze %dma_start3A_66 : memref<1x128xi32, #tpu.memory_space<vmem>> -> memref<128xi32, #tpu.memory_space<vmem>>
        %dma_start3A_68 = arith.constant 0 : i32
        %dma_start3A_69 = arith.constant 0 : i32
        %dma_start3A_70 = tpu.memref_slice %arg2[%dma_start3A_68, %dma_start3A_69] : memref<20000x128xf32, #tpu.memory_space<hbm>> -> memref<20000x128xf32, #tpu.memory_space<hbm>>
        tpu.enqueue_indirect_dma source(%dma_start3A_70 : memref<20000x128xf32, #tpu.memory_space<hbm>>) target(%arg11 : memref<128x128xf32, #tpu.memory_space<vmem>>) offsets(%dma_start3A_67 : memref<128xi32, #tpu.memory_space<vmem>>) semaphore(%arg12 : memref<!tpu.dma_semaphore, #tpu.memory_space<semaphore_mem>>)
        %dma_wait3A = arith.constant 0 : i32
        %dma_wait3A_71 = tpu.memref_slice %arg8[%scan3A_64, %dma_wait3A] : memref<8x128xi32, #tpu.memory_space<vmem>> -> memref<1x128xi32, #tpu.memory_space<vmem>>
        %dma_wait3A_72 = tpu.memref_squeeze %dma_wait3A_71 : memref<1x128xi32, #tpu.memory_space<vmem>> -> memref<128xi32, #tpu.memory_space<vmem>>
        %dma_wait3A_73 = arith.constant 0 : i32
        %dma_wait3A_74 = arith.constant 0 : i32
        %dma_wait3A_75 = tpu.memref_slice %arg2[%dma_wait3A_73, %dma_wait3A_74] : memref<20000x128xf32, #tpu.memory_space<hbm>> -> memref<20000x128xf32, #tpu.memory_space<hbm>>
        tpu.wait_indirect_dma semaphore(%arg12 : memref<!tpu.dma_semaphore, #tpu.memory_space<semaphore_mem>>) src(%dma_wait3A_75 : memref<20000x128xf32, #tpu.memory_space<hbm>>) dst(%arg11 : memref<128x128xf32, #tpu.memory_space<vmem>>)
        %scan3A_76 = arith.constant 0 : i32
        %scan3A_77 = arith.constant 0 : i32
        %scan3A_78 = arith.constant 8 : i32
        %scan3A_79 = arith.addi %scan3A_77, %scan3A_78 : i32
        %scan3A_80 = arith.constant 1 : i32
        %scan3A_81 = scf.for %scan3A_84 = %scan3A_77 to %scan3A_79 step %scan3A_80 iter_args(%scan3A_85 = %scan3A_76) -> (i32)  : i32 {
          %mul3A_86 = arith.constant 16 : i32
          %mul3A_87 = arith.muli %scan3A_84, %mul3A_86 : i32
          %get3A = arith.index_cast %scan3A_64 : i32 to index
          %get3A_88 = arith.index_cast %mul3A_87 : i32 to index
          %get3A_89 = tpu.vector_load %arg10[%get3A, %get3A_88] {strides = array<i32>} : memref<8x128xf32, #tpu.memory_space<vmem>>, vector<1x16xf32>,
          %get3A_90 = vector.shape_cast %get3A_89 : vector<1x16xf32> to vector<16xf32>
          %mul3A_91 = arith.constant 16 : i32
          %mul3A_92 = arith.muli %scan3A_84, %mul3A_91 : i32
          %add3A_93 = arith.constant 0 : i32
          %add3A_94 = arith.addi %mul3A_92, %add3A_93 : i32
          %slice3A = vector.extract_strided_slice %get3A_90 {offsets = [0], sizes = [1], strides = [1]} : vector<16xf32> to vector<1xf32>
          %squeeze3A = vector.extract %slice3A[0] : f32 from vector<1xf32>
          %broadcast_in_dim3A = vector.broadcast %squeeze3A : f32 to vector<16xf32>
          %get3A_95 = arith.index_cast %add3A_94 : i32 to index
          %get3A_96 = arith.constant 0 : index
          %get3A_97 = tpu.vector_load %arg11[%get3A_95, %get3A_96] {strides = array<i32>} : memref<128x128xf32, #tpu.memory_space<vmem>>, vector<1x16xf32>,
          %get3A_98 = vector.shape_cast %get3A_97 : vector<1x16xf32> to vector<16xf32>
          %mul3A_99 = arith.mulf %get3A_98, %broadcast_in_dim3A : vector<16xf32>
          %swap3A = arith.index_cast %add3A_94 : i32 to index
          %swap3A_100 = arith.constant 0 : index
          %swap3A_101 = tpu.vector_load %arg11[%swap3A, %swap3A_100] {strides = array<i32>} : memref<128x128xf32, #tpu.memory_space<vmem>>, vector<1x16xf32>,
          %swap3A_102 = vector.shape_cast %swap3A_101 : vector<1x16xf32> to vector<16xf32>
          %swap3A_103 = vector.shape_cast %mul3A_99 : vector<16xf32> to vector<1x16xf32>
          tpu.vector_store %arg11[%swap3A, %swap3A_100], %swap3A_103 {strides = array<i32>} : memref<128x128xf32, #tpu.memory_space<vmem>>, vector<1x16xf32>,
          %get3A_104 = arith.index_cast %add3A_94 : i32 to index
          %get3A_105 = arith.constant 16 : index
          %get3A_106 = tpu.vector_load %arg11[%get3A_104, %get3A_105] {strides = array<i32>} : memref<128x128xf32, #tpu.memory_space<vmem>>, vector<1x16xf32>,
          %get3A_107 = vector.shape_cast %get3A_106 : vector<1x16xf32> to vector<16xf32>
          %mul3A_108 = arith.mulf %get3A_107, %broadcast_in_dim3A : vector<16xf32>
          %swap3A_109 = arith.index_cast %add3A_94 : i32 to index
          %swap3A_110 = arith.constant 16 : index
          %swap3A_111 = tpu.vector_load %arg11[%swap3A_109, %swap3A_110] {strides = array<i32>} : memref<128x128xf32, #tpu.memory_space<vmem>>, vector<1x16xf32>,
          %swap3A_112 = vector.shape_cast %swap3A_111 : vector<1x16xf32> to vector<16xf32>
          %swap3A_113 = vector.shape_cast %mul3A_108 : vector<16xf32> to vector<1x16xf32>
          tpu.vector_store %arg11[%swap3A_109, %swap3A_110], %swap3A_113 {strides = array<i32>} : memref<128x128xf32, #tpu.memory_space<vmem>>, vector<1x16xf32>,
          %get3A_114 = arith.index_cast %add3A_94 : i32 to index
          %get3A_115 = arith.constant 32 : index
          %get3A_116 = tpu.vector_load %arg11[%get3A_114, %get3A_115] {strides = array<i32>} : memref<128x128xf32, #tpu.memory_space<vmem>>, vector<1x16xf32>,
          %get3A_117 = vector.shape_cast %get3A_116 : vector<1x16xf32> to vector<16xf32>
          %mul3A_118 = arith.mulf %get3A_117, %broadcast_in_dim3A : vector<16xf32>
          %swap3A_119 = arith.index_cast %add3A_94 : i32 to index
          %swap3A_120 = arith.constant 32 : index
          %swap3A_121 = tpu.vector_load %arg11[%swap3A_119, %swap3A_120] {strides = array<i32>} : memref<128x128xf32, #tpu.memory_space<vmem>>, vector<1x16xf32>,
          %swap3A_122 = vector.shape_cast %swap3A_121 : vector<1x16xf32> to vector<16xf32>
          %swap3A_123 = vector.shape_cast %mul3A_118 : vector<16xf32> to vector<1x16xf32>
          tpu.vector_store %arg11[%swap3A_119, %swap3A_120], %swap3A_123 {strides = array<i32>} : memref<128x128xf32, #tpu.memory_space<vmem>>, vector<1x16xf32>,
          %get3A_124 = arith.index_cast %add3A_94 : i32 to index
          %get3A_125 = arith.constant 48 : index
          %get3A_126 = tpu.vector_load %arg11[%get3A_124, %get3A_125] {strides = array<i32>} : memref<128x128xf32, #tpu.memory_space<vmem>>, vector<1x16xf32>,
          %get3A_127 = vector.shape_cast %get3A_126 : vector<1x16xf32> to vector<16xf32>
          %mul3A_128 = arith.mulf %get3A_127, %broadcast_in_dim3A : vector<16xf32>
          %swap3A_129 = arith.index_cast %add3A_94 : i32 to index
          %swap3A_130 = arith.constant 48 : index
          %swap3A_131 = tpu.vector_load %arg11[%swap3A_129, %swap3A_130] {strides = array<i32>} : memref<128x128xf32, #tpu.memory_space<vmem>>, vector<1x16xf32>,
          %swap3A_132 = vector.shape_cast %swap3A_131 : vector<1x16xf32> to vector<16xf32>
          %swap3A_133 = vector.shape_cast %mul3A_128 : vector<16xf32> to vector<1x16xf32>
          tpu.vector_store %arg11[%swap3A_129, %swap3A_130], %swap3A_133 {strides = array<i32>} : memref<128x128xf32, #tpu.memory_space<vmem>>, vector<1x16xf32>,
          %get3A_134 = arith.index_cast %add3A_94 : i32 to index
          %get3A_135 = arith.constant 64 : index
          %get3A_136 = tpu.vector_load %arg11[%get3A_134, %get3A_135] {strides = array<i32>} : memref<128x128xf32, #tpu.memory_space<vmem>>, vector<1x16xf32>,
          %get3A_137 = vector.shape_cast %get3A_136 : vector<1x16xf32> to vector<16xf32>
          %mul3A_138 = arith.mulf %get3A_137, %broadcast_in_dim3A : vector<16xf32>
          %swap3A_139 = arith.index_cast %add3A_94 : i32 to index
          %swap3A_140 = arith.constant 64 : index
          %swap3A_141 = tpu.vector_load %arg11[%swap3A_139, %swap3A_140] {strides = array<i32>} : memref<128x128xf32, #tpu.memory_space<vmem>>, vector<1x16xf32>,
          %swap3A_142 = vector.shape_cast %swap3A_141 : vector<1x16xf32> to vector<16xf32>
          %swap3A_143 = vector.shape_cast %mul3A_138 : vector<16xf32> to vector<1x16xf32>
          tpu.vector_store %arg11[%swap3A_139, %swap3A_140], %swap3A_143 {strides = array<i32>} : memref<128x128xf32, #tpu.memory_space<vmem>>, vector<1x16xf32>,
          %get3A_144 = arith.index_cast %add3A_94 : i32 to index
          %get3A_145 = arith.constant 80 : index
          %get3A_146 = tpu.vector_load %arg11[%get3A_144, %get3A_145] {strides = array<i32>} : memref<128x128xf32, #tpu.memory_space<vmem>>, vector<1x16xf32>,
          %get3A_147 = vector.shape_cast %get3A_146 : vector<1x16xf32> to vector<16xf32>
          %mul3A_148 = arith.mulf %get3A_147, %broadcast_in_dim3A : vector<16xf32>
          %swap3A_149 = arith.index_cast %add3A_94 : i32 to index
          %swap3A_150 = arith.constant 80 : index
          %swap3A_151 = tpu.vector_load %arg11[%swap3A_149, %swap3A_150] {strides = array<i32>} : memref<128x128xf32, #tpu.memory_space<vmem>>, vector<1x16xf32>,
          %swap3A_152 = vector.shape_cast %swap3A_151 : vector<1x16xf32> to vector<16xf32>
          %swap3A_153 = vector.shape_cast %mul3A_148 : vector<16xf32> to vector<1x16xf32>
          tpu.vector_store %arg11[%swap3A_149, %swap3A_150], %swap3A_153 {strides = array<i32>} : memref<128x128xf32, #tpu.memory_space<vmem>>, vector<1x16xf32>,
          %get3A_154 = arith.index_cast %add3A_94 : i32 to index
          %get3A_155 = arith.constant 96 : index
          %get3A_156 = tpu.vector_load %arg11[%get3A_154, %get3A_155] {strides = array<i32>} : memref<128x128xf32, #tpu.memory_space<vmem>>, vector<1x16xf32>,
          %get3A_157 = vector.shape_cast %get3A_156 : vector<1x16xf32> to vector<16xf32>
          %mul3A_158 = arith.mulf %get3A_157, %broadcast_in_dim3A : vector<16xf32>
          %swap3A_159 = arith.index_cast %add3A_94 : i32 to index
          %swap3A_160 = arith.constant 96 : index
          %swap3A_161 = tpu.vector_load %arg11[%swap3A_159, %swap3A_160] {strides = array<i32>} : memref<128x128xf32, #tpu.memory_space<vmem>>, vector<1x16xf32>,
          %swap3A_162 = vector.shape_cast %swap3A_161 : vector<1x16xf32> to vector<16xf32>
          %swap3A_163 = vector.shape_cast %mul3A_158 : vector<16xf32> to vector<1x16xf32>
          tpu.vector_store %arg11[%swap3A_159, %swap3A_160], %swap3A_163 {strides = array<i32>} : memref<128x128xf32, #tpu.memory_space<vmem>>, vector<1x16xf32>,
          %get3A_164 = arith.index_cast %add3A_94 : i32 to index
          %get3A_165 = arith.constant 112 : index
          %get3A_166 = tpu.vector_load %arg11[%get3A_164, %get3A_165] {strides = array<i32>} : memref<128x128xf32, #tpu.memory_space<vmem>>, vector<1x16xf32>,
          %get3A_167 = vector.shape_cast %get3A_166 : vector<1x16xf32> to vector<16xf32>
          %mul3A_168 = arith.mulf %get3A_167, %broadcast_in_dim3A : vector<16xf32>
          %swap3A_169 = arith.index_cast %add3A_94 : i32 to index
          %swap3A_170 = arith.constant 112 : index
          %swap3A_171 = tpu.vector_load %arg11[%swap3A_169, %swap3A_170] {strides = array<i32>} : memref<128x128xf32, #tpu.memory_space<vmem>>, vector<1x16xf32>,
          %swap3A_172 = vector.shape_cast %swap3A_171 : vector<1x16xf32> to vector<16xf32>
          %swap3A_173 = vector.shape_cast %mul3A_168 : vector<16xf32> to vector<1x16xf32>
          tpu.vector_store %arg11[%swap3A_169, %swap3A_170], %swap3A_173 {strides = array<i32>} : memref<128x128xf32, #tpu.memory_space<vmem>>, vector<1x16xf32>,
          %mul3A_174 = arith.constant 16 : i32
          %mul3A_175 = arith.muli %scan3A_84, %mul3A_174 : i32
          %add3A_176 = arith.constant 1 : i32
          %add3A_177 = arith.addi %mul3A_175, %add3A_176 : i32
          %slice3A_178 = vector.extract_strided_slice %get3A_90 {offsets = [1], sizes = [1], strides = [1]} : vector<16xf32> to vector<1xf32>
          %squeeze3A_179 = vector.extract %slice3A_178[0] : f32 from vector<1xf32>
          %broadcast_in_dim3A_180 = vector.broadcast %squeeze3A_179 : f32 to vector<16xf32>
          %get3A_181 = arith.index_cast %add3A_177 : i32 to index
          %get3A_182 = arith.constant 0 : index
          %get3A_183 = tpu.vector_load %arg11[%get3A_181, %get3A_182] {strides = array<i32>} : memref<128x128xf32, #tpu.memory_space<vmem>>, vector<1x16xf32>,
          %get3A_184 = vector.shape_cast %get3A_183 : vector<1x16xf32> to vector<16xf32>
          %mul3A_185 = arith.mulf %get3A_184, %broadcast_in_dim3A_180 : vector<16xf32>
          %swap3A_186 = arith.index_cast %add3A_177 : i32 to index
          %swap3A_187 = arith.constant 0 : index
          %swap3A_188 = tpu.vector_load %arg11[%swap3A_186, %swap3A_187] {strides = array<i32>} : memref<128x128xf32, #tpu.memory_space<vmem>>, vector<1x16xf32>,
          %swap3A_189 = vector.shape_cast %swap3A_188 : vector<1x16xf32> to vector<16xf32>
          %swap3A_190 = vector.shape_cast %mul3A_185 : vector<16xf32> to vector<1x16xf32>
          tpu.vector_store %arg11[%swap3A_186, %swap3A_187], %swap3A_190 {strides = array<i32>} : memref<128x128xf32, #tpu.memory_space<vmem>>, vector<1x16xf32>,
          %get3A_191 = arith.index_cast %add3A_177 : i32 to index
          %get3A_192 = arith.constant 16 : index
          %get3A_193 = tpu.vector_load %arg11[%get3A_191, %get3A_192] {strides = array<i32>} : memref<128x128xf32, #tpu.memory_space<vmem>>, vector<1x16xf32>,
          %get3A_194 = vector.shape_cast %get3A_193 : vector<1x16xf32> to vector<16xf32>
          %mul3A_195 = arith.mulf %get3A_194, %broadcast_in_dim3A_180 : vector<16xf32>
          %swap3A_196 = arith.index_cast %add3A_177 : i32 to index
          %swap3A_197 = arith.constant 16 : index
          %swap3A_198 = tpu.vector_load %arg11[%swap3A_196, %swap3A_197] {strides = array<i32>} : memref<128x128xf32, #tpu.memory_space<vmem>>, vector<1x16xf32>,
          %swap3A_199 = vector.shape_cast %swap3A_198 : vector<1x16xf32> to vector<16xf32>
          %swap3A_200 = vector.shape_cast %mul3A_195 : vector<16xf32> to vector<1x16xf32>
          tpu.vector_store %arg11[%swap3A_196, %swap3A_197], %swap3A_200 {strides = array<i32>} : memref<128x128xf32, #tpu.memory_space<vmem>>, vector<1x16xf32>,
          %get3A_201 = arith.index_cast %add3A_177 : i32 to index
          %get3A_202 = arith.constant 32 : index
          %get3A_203 = tpu.vector_load %arg11[%get3A_201, %get3A_202] {strides = array<i32>} : memref<128x128xf32, #tpu.memory_space<vmem>>, vector<1x16xf32>,
          %get3A_204 = vector.shape_cast %get3A_203 : vector<1x16xf32> to vector<16xf32>
          %mul3A_205 = arith.mulf %get3A_204, %broadcast_in_dim3A_180 : vector<16xf32>
          %swap3A_206 = arith.index_cast %add3A_177 : i32 to index
          %swap3A_207 = arith.constant 32 : index
          %swap3A_208 = tpu.vector_load %arg11[%swap3A_206, %swap3A_207] {strides = array<i32>} : memref<128x128xf32, #tpu.memory_space<vmem>>, vector<1x16xf32>,
          %swap3A_209 = vector.shape_cast %swap3A_208 : vector<1x16xf32> to vector<16xf32>
          %swap3A_210 = vector.shape_cast %mul3A_205 : vector<16xf32> to vector<1x16xf32>
          tpu.vector_store %arg11[%swap3A_206, %swap3A_207], %swap3A_210 {strides = array<i32>} : memref<128x128xf32, #tpu.memory_space<vmem>>, vector<1x16xf32>,
          %get3A_211 = arith.index_cast %add3A_177 : i32 to index
          %get3A_212 = arith.constant 48 : index
          %get3A_213 = tpu.vector_load %arg11[%get3A_211, %get3A_212] {strides = array<i32>} : memref<128x128xf32, #tpu.memory_space<vmem>>, vector<1x16xf32>,
          %get3A_214 = vector.shape_cast %get3A_213 : vector<1x16xf32> to vector<16xf32>
          %mul3A_215 = arith.mulf %get3A_214, %broadcast_in_dim3A_180 : vector<16xf32>
          %swap3A_216 = arith.index_cast %add3A_177 : i32 to index
          %swap3A_217 = arith.constant 48 : index
          %swap3A_218 = tpu.vector_load %arg11[%swap3A_216, %swap3A_217] {strides = array<i32>} : memref<128x128xf32, #tpu.memory_space<vmem>>, vector<1x16xf32>,
          %swap3A_219 = vector.shape_cast %swap3A_218 : vector<1x16xf32> to vector<16xf32>
          %swap3A_220 = vector.shape_cast %mul3A_215 : vector<16xf32> to vector<1x16xf32>
          tpu.vector_store %arg11[%swap3A_216, %swap3A_217], %swap3A_220 {strides = array<i32>} : memref<128x128xf32, #tpu.memory_space<vmem>>, vector<1x16xf32>,
          %get3A_221 = arith.index_cast %add3A_177 : i32 to index
          %get3A_222 = arith.constant 64 : index
          %get3A_223 = tpu.vector_load %arg11[%get3A_221, %get3A_222] {strides = array<i32>} : memref<128x128xf32, #tpu.memory_space<vmem>>, vector<1x16xf32>,
          %get3A_224 = vector.shape_cast %get3A_223 : vector<1x16xf32> to vector<16xf32>
          %mul3A_225 = arith.mulf %get3A_224, %broadcast_in_dim3A_180 : vector<16xf32>
          %swap3A_226 = arith.index_cast %add3A_177 : i32 to index
          %swap3A_227 = arith.constant 64 : index
          %swap3A_228 = tpu.vector_load %arg11[%swap3A_226, %swap3A_227] {strides = array<i32>} : memref<128x128xf32, #tpu.memory_space<vmem>>, vector<1x16xf32>,
          %swap3A_229 = vector.shape_cast %swap3A_228 : vector<1x16xf32> to vector<16xf32>
          %swap3A_230 = vector.shape_cast %mul3A_225 : vector<16xf32> to vector<1x16xf32>
          tpu.vector_store %arg11[%swap3A_226, %swap3A_227], %swap3A_230 {strides = array<i32>} : memref<128x128xf32, #tpu.memory_space<vmem>>, vector<1x16xf32>,
          %get3A_231 = arith.index_cast %add3A_177 : i32 to index
          %get3A_232 = arith.constant 80 : index
          %get3A_233 = tpu.vector_load %arg11[%get3A_231, %get3A_232] {strides = array<i32>} : memref<128x128xf32, #tpu.memory_space<vmem>>, vector<1x16xf32>,
          %get3A_234 = vector.shape_cast %get3A_233 : vector<1x16xf32> to vector<16xf32>
          %mul3A_235 = arith.mulf %get3A_234, %broadcast_in_dim3A_180 : vector<16xf32>
          %swap3A_236 = arith.index_cast %add3A_177 : i32 to index
          %swap3A_237 = arith.constant 80 : index
          %swap3A_238 = tpu.vector_load %arg11[%swap3A_236, %swap3A_237] {strides = array<i32>} : memref<128x128xf32, #tpu.memory_space<vmem>>, vector<1x16xf32>,
          %swap3A_239 = vector.shape_cast %swap3A_238 : vector<1x16xf32> to vector<16xf32>
          %swap3A_240 = vector.shape_cast %mul3A_235 : vector<16xf32> to vector<1x16xf32>
          tpu.vector_store %arg11[%swap3A_236, %swap3A_237], %swap3A_240 {strides = array<i32>} : memref<128x128xf32, #tpu.memory_space<vmem>>, vector<1x16xf32>,
          %get3A_241 = arith.index_cast %add3A_177 : i32 to index
          %get3A_242 = arith.constant 96 : index
          %get3A_243 = tpu.vector_load %arg11[%get3A_241, %get3A_242] {strides = array<i32>} : memref<128x128xf32, #tpu.memory_space<vmem>>, vector<1x16xf32>,
          %get3A_244 = vector.shape_cast %get3A_243 : vector<1x16xf32> to vector<16xf32>
          %mul3A_245 = arith.mulf %get3A_244, %broadcast_in_dim3A_180 : vector<16xf32>
          %swap3A_246 = arith.index_cast %add3A_177 : i32 to index
          %swap3A_247 = arith.constant 96 : index
          %swap3A_248 = tpu.vector_load %arg11[%swap3A_246, %swap3A_247] {strides = array<i32>} : memref<128x128xf32, #tpu.memory_space<vmem>>, vector<1x16xf32>,
          %swap3A_249 = vector.shape_cast %swap3A_248 : vector<1x16xf32> to vector<16xf32>
          %swap3A_250 = vector.shape_cast %mul3A_245 : vector<16xf32> to vector<1x16xf32>
          tpu.vector_store %arg11[%swap3A_246, %swap3A_247], %swap3A_250 {strides = array<i32>} : memref<128x128xf32, #tpu.memory_space<vmem>>, vector<1x16xf32>,
          %get3A_251 = arith.index_cast %add3A_177 : i32 to index
          %get3A_252 = arith.constant 112 : index
          %get3A_253 = tpu.vector_load %arg11[%get3A_251, %get3A_252] {strides = array<i32>} : memref<128x128xf32, #tpu.memory_space<vmem>>, vector<1x16xf32>,
          %get3A_254 = vector.shape_cast %get3A_253 : vector<1x16xf32> to vector<16xf32>
          %mul3A_255 = arith.mulf %get3A_254, %broadcast_in_dim3A_180 : vector<16xf32>
          %swap3A_256 = arith.index_cast %add3A_177 : i32 to index
          %swap3A_257 = arith.constant 112 : index
          %swap3A_258 = tpu.vector_load %arg11[%swap3A_256, %swap3A_257] {strides = array<i32>} : memref<128x128xf32, #tpu.memory_space<vmem>>, vector<1x16xf32>,
          %swap3A_259 = vector.shape_cast %swap3A_258 : vector<1x16xf32> to vector<16xf32>
          %swap3A_260 = vector.shape_cast %mul3A_255 : vector<16xf32> to vector<1x16xf32>
          tpu.vector_store %arg11[%swap3A_256, %swap3A_257], %swap3A_260 {strides = array<i32>} : memref<128x128xf32, #tpu.memory_space<vmem>>, vector<1x16xf32>,
          %mul3A_261 = arith.constant 16 : i32
          %mul3A_262 = arith.muli %scan3A_84, %mul3A_261 : i32
          %add3A_263 = arith.constant 2 : i32
          %add3A_264 = arith.addi %mul3A_262, %add3A_263 : i32
          %slice3A_265 = vector.extract_strided_slice %get3A_90 {offsets = [2], sizes = [1], strides = [1]} : vector<16xf32> to vector<1xf32>
          %squeeze3A_266 = vector.extract %slice3A_265[0] : f32 from vector<1xf32>
          %broadcast_in_dim3A_267 = vector.broadcast %squeeze3A_266 : f32 to vector<16xf32>
          %get3A_268 = arith.index_cast %add3A_264 : i32 to index
          %get3A_269 = arith.constant 0 : index
          %get3A_270 = tpu.vector_load %arg11[%get3A_268, %get3A_269] {strides = array<i32>} : memref<128x128xf32, #tpu.memory_space<vmem>>, vector<1x16xf32>,
          %get3A_271 = vector.shape_cast %get3A_270 : vector<1x16xf32> to vector<16xf32>
          %mul3A_272 = arith.mulf %get3A_271, %broadcast_in_dim3A_267 : vector<16xf32>
          %swap3A_273 = arith.index_cast %add3A_264 : i32 to index
          %swap3A_274 = arith.constant 0 : index
          %swap3A_275 = tpu.vector_load %arg11[%swap3A_273, %swap3A_274] {strides = array<i32>} : memref<128x128xf32, #tpu.memory_space<vmem>>, vector<1x16xf32>,
          %swap3A_276 = vector.shape_cast %swap3A_275 : vector<1x16xf32> to vector<16xf32>
          %swap3A_277 = vector.shape_cast %mul3A_272 : vector<16xf32> to vector<1x16xf32>
          tpu.vector_store %arg11[%swap3A_273, %swap3A_274], %swap3A_277 {strides = array<i32>} : memref<128x128xf32, #tpu.memory_space<vmem>>, vector<1x16xf32>,
          %get3A_278 = arith.index_cast %add3A_264 : i32 to index
          %get3A_279 = arith.constant 16 : index
          %get3A_280 = tpu.vector_load %arg11[%get3A_278, %get3A_279] {strides = array<i32>} : memref<128x128xf32, #tpu.memory_space<vmem>>, vector<1x16xf32>,
          %get3A_281 = vector.shape_cast %get3A_280 : vector<1x16xf32> to vector<16xf32>
          %mul3A_282 = arith.mulf %get3A_281, %broadcast_in_dim3A_267 : vector<16xf32>
          %swap3A_283 = arith.index_cast %add3A_264 : i32 to index
          %swap3A_284 = arith.constant 16 : index
          %swap3A_285 = tpu.vector_load %arg11[%swap3A_283, %swap3A_284] {strides = array<i32>} : memref<128x128xf32, #tpu.memory_space<vmem>>, vector<1x16xf32>,
          %swap3A_286 = vector.shape_cast %swap3A_285 : vector<1x16xf32> to vector<16xf32>
          %swap3A_287 = vector.shape_cast %mul3A_282 : vector<16xf32> to vector<1x16xf32>
          tpu.vector_store %arg11[%swap3A_283, %swap3A_284], %swap3A_287 {strides = array<i32>} : memref<128x128xf32, #tpu.memory_space<vmem>>, vector<1x16xf32>,
          %get3A_288 = arith.index_cast %add3A_264 : i32 to index
          %get3A_289 = arith.constant 32 : index
          %get3A_290 = tpu.vector_load %arg11[%get3A_288, %get3A_289] {strides = array<i32>} : memref<128x128xf32, #tpu.memory_space<vmem>>, vector<1x16xf32>,
          %get3A_291 = vector.shape_cast %get3A_290 : vector<1x16xf32> to vector<16xf32>
          %mul3A_292 = arith.mulf %get3A_291, %broadcast_in_dim3A_267 : vector<16xf32>
          %swap3A_293 = arith.index_cast %add3A_264 : i32 to index
          %swap3A_294 = arith.constant 32 : index
          %swap3A_295 = tpu.vector_load %arg11[%swap3A_293, %swap3A_294] {strides = array<i32>} : memref<128x128xf32, #tpu.memory_space<vmem>>, vector<1x16xf32>,
          %swap3A_296 = vector.shape_cast %swap3A_295 : vector<1x16xf32> to vector<16xf32>
          %swap3A_297 = vector.shape_cast %mul3A_292 : vector<16xf32> to vector<1x16xf32>
          tpu.vector_store %arg11[%swap3A_293, %swap3A_294], %swap3A_297 {strides = array<i32>} : memref<128x128xf32, #tpu.memory_space<vmem>>, vector<1x16xf32>,
          %get3A_298 = arith.index_cast %add3A_264 : i32 to index
          %get3A_299 = arith.constant 48 : index
          %get3A_300 = tpu.vector_load %arg11[%get3A_298, %get3A_299] {strides = array<i32>} : memref<128x128xf32, #tpu.memory_space<vmem>>, vector<1x16xf32>,
          %get3A_301 = vector.shape_cast %get3A_300 : vector<1x16xf32> to vector<16xf32>
          %mul3A_302 = arith.mulf %get3A_301, %broadcast_in_dim3A_267 : vector<16xf32>
          %swap3A_303 = arith.index_cast %add3A_264 : i32 to index
          %swap3A_304 = arith.constant 48 : index
          %swap3A_305 = tpu.vector_load %arg11[%swap3A_303, %swap3A_304] {strides = array<i32>} : memref<128x128xf32, #tpu.memory_space<vmem>>, vector<1x16xf32>,
          %swap3A_306 = vector.shape_cast %swap3A_305 : vector<1x16xf32> to vector<16xf32>
          %swap3A_307 = vector.shape_cast %mul3A_302 : vector<16xf32> to vector<1x16xf32>
          tpu.vector_store %arg11[%swap3A_303, %swap3A_304], %swap3A_307 {strides = array<i32>} : memref<128x128xf32, #tpu.memory_space<vmem>>, vector<1x16xf32>,
          %get3A_308 = arith.index_cast %add3A_264 : i32 to index
          %get3A_309 = arith.constant 64 : index
          %get3A_310 = tpu.vector_load %arg11[%get3A_308, %get3A_309] {strides = array<i32>} : memref<128x128xf32, #tpu.memory_space<vmem>>, vector<1x16xf32>,
          %get3A_311 = vector.shape_cast %get3A_310 : vector<1x16xf32> to vector<16xf32>
          %mul3A_312 = arith.mulf %get3A_311, %broadcast_in_dim3A_267 : vector<16xf32>
          %swap3A_313 = arith.index_cast %add3A_264 : i32 to index
          %swap3A_314 = arith.constant 64 : index
          %swap3A_315 = tpu.vector_load %arg11[%swap3A_313, %swap3A_314] {strides = array<i32>} : memref<128x128xf32, #tpu.memory_space<vmem>>, vector<1x16xf32>,
          %swap3A_316 = vector.shape_cast %swap3A_315 : vector<1x16xf32> to vector<16xf32>
          %swap3A_317 = vector.shape_cast %mul3A_312 : vector<16xf32> to vector<1x16xf32>
          tpu.vector_store %arg11[%swap3A_313, %swap3A_314], %swap3A_317 {strides = array<i32>} : memref<128x128xf32, #tpu.memory_space<vmem>>, vector<1x16xf32>,
          %get3A_318 = arith.index_cast %add3A_264 : i32 to index
          %get3A_319 = arith.constant 80 : index
          %get3A_320 = tpu.vector_load %arg11[%get3A_318, %get3A_319] {strides = array<i32>} : memref<128x128xf32, #tpu.memory_space<vmem>>, vector<1x16xf32>,
          %get3A_321 = vector.shape_cast %get3A_320 : vector<1x16xf32> to vector<16xf32>
          %mul3A_322 = arith.mulf %get3A_321, %broadcast_in_dim3A_267 : vector<16xf32>
          %swap3A_323 = arith.index_cast %add3A_264 : i32 to index
          %swap3A_324 = arith.constant 80 : index
          %swap3A_325 = tpu.vector_load %arg11[%swap3A_323, %swap3A_324] {strides = array<i32>} : memref<128x128xf32, #tpu.memory_space<vmem>>, vector<1x16xf32>,
          %swap3A_326 = vector.shape_cast %swap3A_325 : vector<1x16xf32> to vector<16xf32>
          %swap3A_327 = vector.shape_cast %mul3A_322 : vector<16xf32> to vector<1x16xf32>
          tpu.vector_store %arg11[%swap3A_323, %swap3A_324], %swap3A_327 {strides = array<i32>} : memref<128x128xf32, #tpu.memory_space<vmem>>, vector<1x16xf32>,
          %get3A_328 = arith.index_cast %add3A_264 : i32 to index
          %get3A_329 = arith.constant 96 : index
          %get3A_330 = tpu.vector_load %arg11[%get3A_328, %get3A_329] {strides = array<i32>} : memref<128x128xf32, #tpu.memory_space<vmem>>, vector<1x16xf32>,
          %get3A_331 = vector.shape_cast %get3A_330 : vector<1x16xf32> to vector<16xf32>
          %mul3A_332 = arith.mulf %get3A_331, %broadcast_in_dim3A_267 : vector<16xf32>
          %swap3A_333 = arith.index_cast %add3A_264 : i32 to index
          %swap3A_334 = arith.constant 96 : index
          %swap3A_335 = tpu.vector_load %arg11[%swap3A_333, %swap3A_334] {strides = array<i32>} : memref<128x128xf32, #tpu.memory_space<vmem>>, vector<1x16xf32>,
          %swap3A_336 = vector.shape_cast %swap3A_335 : vector<1x16xf32> to vector<16xf32>
          %swap3A_337 = vector.shape_cast %mul3A_332 : vector<16xf32> to vector<1x16xf32>
          tpu.vector_store %arg11[%swap3A_333, %swap3A_334], %swap3A_337 {strides = array<i32>} : memref<128x128xf32, #tpu.memory_space<vmem>>, vector<1x16xf32>,
          %get3A_338 = arith.index_cast %add3A_264 : i32 to index
          %get3A_339 = arith.constant 112 : index
          %get3A_340 = tpu.vector_load %arg11[%get3A_338, %get3A_339] {strides = array<i32>} : memref<128x128xf32, #tpu.memory_space<vmem>>, vector<1x16xf32>,
          %get3A_341 = vector.shape_cast %get3A_340 : vector<1x16xf32> to vector<16xf32>
          %mul3A_342 = arith.mulf %get3A_341, %broadcast_in_dim3A_267 : vector<16xf32>
          %swap3A_343 = arith.index_cast %add3A_264 : i32 to index
          %swap3A_344 = arith.constant 112 : index
          %swap3A_345 = tpu.vector_load %arg11[%swap3A_343, %swap3A_344] {strides = array<i32>} : memref<128x128xf32, #tpu.memory_space<vmem>>, vector<1x16xf32>,
          %swap3A_346 = vector.shape_cast %swap3A_345 : vector<1x16xf32> to vector<16xf32>
          %swap3A_347 = vector.shape_cast %mul3A_342 : vector<16xf32> to vector<1x16xf32>
          tpu.vector_store %arg11[%swap3A_343, %swap3A_344], %swap3A_347 {strides = array<i32>} : memref<128x128xf32, #tpu.memory_space<vmem>>, vector<1x16xf32>,
          %mul3A_348 = arith.constant 16 : i32
          %mul3A_349 = arith.muli %scan3A_84, %mul3A_348 : i32
          %add3A_350 = arith.constant 3 : i32
          %add3A_351 = arith.addi %mul3A_349, %add3A_350 : i32
          %slice3A_352 = vector.extract_strided_slice %get3A_90 {offsets = [3], sizes = [1], strides = [1]} : vector<16xf32> to vector<1xf32>
          %squeeze3A_353 = vector.extract %slice3A_352[0] : f32 from vector<1xf32>
          %broadcast_in_dim3A_354 = vector.broadcast %squeeze3A_353 : f32 to vector<16xf32>
          %get3A_355 = arith.index_cast %add3A_351 : i32 to index
          %get3A_356 = arith.constant 0 : index
          %get3A_357 = tpu.vector_load %arg11[%get3A_355, %get3A_356] {strides = array<i32>} : memref<128x128xf32, #tpu.memory_space<vmem>>, vector<1x16xf32>,
          %get3A_358 = vector.shape_cast %get3A_357 : vector<1x16xf32> to vector<16xf32>
          %mul3A_359 = arith.mulf %get3A_358, %broadcast_in_dim3A_354 : vector<16xf32>
          %swap3A_360 = arith.index_cast %add3A_351 : i32 to index
          %swap3A_361 = arith.constant 0 : index
          %swap3A_362 = tpu.vector_load %arg11[%swap3A_360, %swap3A_361] {strides = array<i32>} : memref<128x128xf32, #tpu.memory_space<vmem>>, vector<1x16xf32>,
          %swap3A_363 = vector.shape_cast %swap3A_362 : vector<1x16xf32> to vector<16xf32>
          %swap3A_364 = vector.shape_cast %mul3A_359 : vector<16xf32> to vector<1x16xf32>
          tpu.vector_store %arg11[%swap3A_360, %swap3A_361], %swap3A_364 {strides = array<i32>} : memref<128x128xf32, #tpu.memory_space<vmem>>, vector<1x16xf32>,
          %get3A_365 = arith.index_cast %add3A_351 : i32 to index
          %get3A_366 = arith.constant 16 : index
          %get3A_367 = tpu.vector_load %arg11[%get3A_365, %get3A_366] {strides = array<i32>} : memref<128x128xf32, #tpu.memory_space<vmem>>, vector<1x16xf32>,
          %get3A_368 = vector.shape_cast %get3A_367 : vector<1x16xf32> to vector<16xf32>
          %mul3A_369 = arith.mulf %get3A_368, %broadcast_in_dim3A_354 : vector<16xf32>
          %swap3A_370 = arith.index_cast %add3A_351 : i32 to index
          %swap3A_371 = arith.constant 16 : index
          %swap3A_372 = tpu.vector_load %arg11[%swap3A_370, %swap3A_371] {strides = array<i32>} : memref<128x128xf32, #tpu.memory_space<vmem>>, vector<1x16xf32>,
          %swap3A_373 = vector.shape_cast %swap3A_372 : vector<1x16xf32> to vector<16xf32>
          %swap3A_374 = vector.shape_cast %mul3A_369 : vector<16xf32> to vector<1x16xf32>
          tpu.vector_store %arg11[%swap3A_370, %swap3A_371], %swap3A_374 {strides = array<i32>} : memref<128x128xf32, #tpu.memory_space<vmem>>, vector<1x16xf32>,
          %get3A_375 = arith.index_cast %add3A_351 : i32 to index
          %get3A_376 = arith.constant 32 : index
          %get3A_377 = tpu.vector_load %arg11[%get3A_375, %get3A_376] {strides = array<i32>} : memref<128x128xf32, #tpu.memory_space<vmem>>, vector<1x16xf32>,
          %get3A_378 = vector.shape_cast %get3A_377 : vector<1x16xf32> to vector<16xf32>
          %mul3A_379 = arith.mulf %get3A_378, %broadcast_in_dim3A_354 : vector<16xf32>
          %swap3A_380 = arith.index_cast %add3A_351 : i32 to index
          %swap3A_381 = arith.constant 32 : index
          %swap3A_382 = tpu.vector_load %arg11[%swap3A_380, %swap3A_381] {strides = array<i32>} : memref<128x128xf32, #tpu.memory_space<vmem>>, vector<1x16xf32>,
          %swap3A_383 = vector.shape_cast %swap3A_382 : vector<1x16xf32> to vector<16xf32>
          %swap3A_384 = vector.shape_cast %mul3A_379 : vector<16xf32> to vector<1x16xf32>
          tpu.vector_store %arg11[%swap3A_380, %swap3A_381], %swap3A_384 {strides = array<i32>} : memref<128x128xf32, #tpu.memory_space<vmem>>, vector<1x16xf32>,
          %get3A_385 = arith.index_cast %add3A_351 : i32 to index
          %get3A_386 = arith.constant 48 : index
          %get3A_387 = tpu.vector_load %arg11[%get3A_385, %get3A_386] {strides = array<i32>} : memref<128x128xf32, #tpu.memory_space<vmem>>, vector<1x16xf32>,
          %get3A_388 = vector.shape_cast %get3A_387 : vector<1x16xf32> to vector<16xf32>
          %mul3A_389 = arith.mulf %get3A_388, %broadcast_in_dim3A_354 : vector<16xf32>
          %swap3A_390 = arith.index_cast %add3A_351 : i32 to index
          %swap3A_391 = arith.constant 48 : index
          %swap3A_392 = tpu.vector_load %arg11[%swap3A_390, %swap3A_391] {strides = array<i32>} : memref<128x128xf32, #tpu.memory_space<vmem>>, vector<1x16xf32>,
          %swap3A_393 = vector.shape_cast %swap3A_392 : vector<1x16xf32> to vector<16xf32>
          %swap3A_394 = vector.shape_cast %mul3A_389 : vector<16xf32> to vector<1x16xf32>
          tpu.vector_store %arg11[%swap3A_390, %swap3A_391], %swap3A_394 {strides = array<i32>} : memref<128x128xf32, #tpu.memory_space<vmem>>, vector<1x16xf32>,
          %get3A_395 = arith.index_cast %add3A_351 : i32 to index
          %get3A_396 = arith.constant 64 : index
          %get3A_397 = tpu.vector_load %arg11[%get3A_395, %get3A_396] {strides = array<i32>} : memref<128x128xf32, #tpu.memory_space<vmem>>, vector<1x16xf32>,
          %get3A_398 = vector.shape_cast %get3A_397 : vector<1x16xf32> to vector<16xf32>
          %mul3A_399 = arith.mulf %get3A_398, %broadcast_in_dim3A_354 : vector<16xf32>
          %swap3A_400 = arith.index_cast %add3A_351 : i32 to index
          %swap3A_401 = arith.constant 64 : index
          %swap3A_402 = tpu.vector_load %arg11[%swap3A_400, %swap3A_401] {strides = array<i32>} : memref<128x128xf32, #tpu.memory_space<vmem>>, vector<1x16xf32>,
          %swap3A_403 = vector.shape_cast %swap3A_402 : vector<1x16xf32> to vector<16xf32>
          %swap3A_404 = vector.shape_cast %mul3A_399 : vector<16xf32> to vector<1x16xf32>
          tpu.vector_store %arg11[%swap3A_400, %swap3A_401], %swap3A_404 {strides = array<i32>} : memref<128x128xf32, #tpu.memory_space<vmem>>, vector<1x16xf32>,
          %get3A_405 = arith.index_cast %add3A_351 : i32 to index
          %get3A_406 = arith.constant 80 : index
          %get3A_407 = tpu.vector_load %arg11[%get3A_405, %get3A_406] {strides = array<i32>} : memref<128x128xf32, #tpu.memory_space<vmem>>, vector<1x16xf32>,
          %get3A_408 = vector.shape_cast %get3A_407 : vector<1x16xf32> to vector<16xf32>
          %mul3A_409 = arith.mulf %get3A_408, %broadcast_in_dim3A_354 : vector<16xf32>
          %swap3A_410 = arith.index_cast %add3A_351 : i32 to index
          %swap3A_411 = arith.constant 80 : index
          %swap3A_412 = tpu.vector_load %arg11[%swap3A_410, %swap3A_411] {strides = array<i32>} : memref<128x128xf32, #tpu.memory_space<vmem>>, vector<1x16xf32>,
          %swap3A_413 = vector.shape_cast %swap3A_412 : vector<1x16xf32> to vector<16xf32>
          %swap3A_414 = vector.shape_cast %mul3A_409 : vector<16xf32> to vector<1x16xf32>
          tpu.vector_store %arg11[%swap3A_410, %swap3A_411], %swap3A_414 {strides = array<i32>} : memref<128x128xf32, #tpu.memory_space<vmem>>, vector<1x16xf32>,
          %get3A_415 = arith.index_cast %add3A_351 : i32 to index
          %get3A_416 = arith.constant 96 : index
          %get3A_417 = tpu.vector_load %arg11[%get3A_415, %get3A_416] {strides = array<i32>} : memref<128x128xf32, #tpu.memory_space<vmem>>, vector<1x16xf32>,
          %get3A_418 = vector.shape_cast %get3A_417 : vector<1x16xf32> to vector<16xf32>
          %mul3A_419 = arith.mulf %get3A_418, %broadcast_in_dim3A_354 : vector<16xf32>
          %swap3A_420 = arith.index_cast %add3A_351 : i32 to index
          %swap3A_421 = arith.constant 96 : index
          %swap3A_422 = tpu.vector_load %arg11[%swap3A_420, %swap3A_421] {strides = array<i32>} : memref<128x128xf32, #tpu.memory_space<vmem>>, vector<1x16xf32>,
          %swap3A_423 = vector.shape_cast %swap3A_422 : vector<1x16xf32> to vector<16xf32>
          %swap3A_424 = vector.shape_cast %mul3A_419 : vector<16xf32> to vector<1x16xf32>
          tpu.vector_store %arg11[%swap3A_420, %swap3A_421], %swap3A_424 {strides = array<i32>} : memref<128x128xf32, #tpu.memory_space<vmem>>, vector<1x16xf32>,
          %get3A_425 = arith.index_cast %add3A_351 : i32 to index
          %get3A_426 = arith.constant 112 : index
          %get3A_427 = tpu.vector_load %arg11[%get3A_425, %get3A_426] {strides = array<i32>} : memref<128x128xf32, #tpu.memory_space<vmem>>, vector<1x16xf32>,
          %get3A_428 = vector.shape_cast %get3A_427 : vector<1x16xf32> to vector<16xf32>
          %mul3A_429 = arith.mulf %get3A_428, %broadcast_in_dim3A_354 : vector<16xf32>
          %swap3A_430 = arith.index_cast %add3A_351 : i32 to index
          %swap3A_431 = arith.constant 112 : index
          %swap3A_432 = tpu.vector_load %arg11[%swap3A_430, %swap3A_431] {strides = array<i32>} : memref<128x128xf32, #tpu.memory_space<vmem>>, vector<1x16xf32>,
          %swap3A_433 = vector.shape_cast %swap3A_432 : vector<1x16xf32> to vector<16xf32>
          %swap3A_434 = vector.shape_cast %mul3A_429 : vector<16xf32> to vector<1x16xf32>
          tpu.vector_store %arg11[%swap3A_430, %swap3A_431], %swap3A_434 {strides = array<i32>} : memref<128x128xf32, #tpu.memory_space<vmem>>, vector<1x16xf32>,
          %mul3A_435 = arith.constant 16 : i32
          %mul3A_436 = arith.muli %scan3A_84, %mul3A_435 : i32
          %add3A_437 = arith.constant 4 : i32
          %add3A_438 = arith.addi %mul3A_436, %add3A_437 : i32
          %slice3A_439 = vector.extract_strided_slice %get3A_90 {offsets = [4], sizes = [1], strides = [1]} : vector<16xf32> to vector<1xf32>
          %squeeze3A_440 = vector.extract %slice3A_439[0] : f32 from vector<1xf32>
          %broadcast_in_dim3A_441 = vector.broadcast %squeeze3A_440 : f32 to vector<16xf32>
          %get3A_442 = arith.index_cast %add3A_438 : i32 to index
          %get3A_443 = arith.constant 0 : index
          %get3A_444 = tpu.vector_load %arg11[%get3A_442, %get3A_443] {strides = array<i32>} : memref<128x128xf32, #tpu.memory_space<vmem>>, vector<1x16xf32>,
          %get3A_445 = vector.shape_cast %get3A_444 : vector<1x16xf32> to vector<16xf32>
          %mul3A_446 = arith.mulf %get3A_445, %broadcast_in_dim3A_441 : vector<16xf32>
          %swap3A_447 = arith.index_cast %add3A_438 : i32 to index
          %swap3A_448 = arith.constant 0 : index
          %swap3A_449 = tpu.vector_load %arg11[%swap3A_447, %swap3A_448] {strides = array<i32>} : memref<128x128xf32, #tpu.memory_space<vmem>>, vector<1x16xf32>,
          %swap3A_450 = vector.shape_cast %swap3A_449 : vector<1x16xf32> to vector<16xf32>
          %swap3A_451 = vector.shape_cast %mul3A_446 : vector<16xf32> to vector<1x16xf32>
          tpu.vector_store %arg11[%swap3A_447, %swap3A_448], %swap3A_451 {strides = array<i32>} : memref<128x128xf32, #tpu.memory_space<vmem>>, vector<1x16xf32>,
          %get3A_452 = arith.index_cast %add3A_438 : i32 to index
          %get3A_453 = arith.constant 16 : index
          %get3A_454 = tpu.vector_load %arg11[%get3A_452, %get3A_453] {strides = array<i32>} : memref<128x128xf32, #tpu.memory_space<vmem>>, vector<1x16xf32>,
          %get3A_455 = vector.shape_cast %get3A_454 : vector<1x16xf32> to vector<16xf32>
          %mul3A_456 = arith.mulf %get3A_455, %broadcast_in_dim3A_441 : vector<16xf32>
          %swap3A_457 = arith.index_cast %add3A_438 : i32 to index
          %swap3A_458 = arith.constant 16 : index
          %swap3A_459 = tpu.vector_load %arg11[%swap3A_457, %swap3A_458] {strides = array<i32>} : memref<128x128xf32, #tpu.memory_space<vmem>>, vector<1x16xf32>,
          %swap3A_460 = vector.shape_cast %swap3A_459 : vector<1x16xf32> to vector<16xf32>
          %swap3A_461 = vector.shape_cast %mul3A_456 : vector<16xf32> to vector<1x16xf32>
          tpu.vector_store %arg11[%swap3A_457, %swap3A_458], %swap3A_461 {strides = array<i32>} : memref<128x128xf32, #tpu.memory_space<vmem>>, vector<1x16xf32>,
          %get3A_462 = arith.index_cast %add3A_438 : i32 to index
          %get3A_463 = arith.constant 32 : index
          %get3A_464 = tpu.vector_load %arg11[%get3A_462, %get3A_463] {strides = array<i32>} : memref<128x128xf32, #tpu.memory_space<vmem>>, vector<1x16xf32>,
          %get3A_465 = vector.shape_cast %get3A_464 : vector<1x16xf32> to vector<16xf32>
          %mul3A_466 = arith.mulf %get3A_465, %broadcast_in_dim3A_441 : vector<16xf32>
          %swap3A_467 = arith.index_cast %add3A_438 : i32 to index
          %swap3A_468 = arith.constant 32 : index
          %swap3A_469 = tpu.vector_load %arg11[%swap3A_467, %swap3A_468] {strides = array<i32>} : memref<128x128xf32, #tpu.memory_space<vmem>>, vector<1x16xf32>,
          %swap3A_470 = vector.shape_cast %swap3A_469 : vector<1x16xf32> to vector<16xf32>
          %swap3A_471 = vector.shape_cast %mul3A_466 : vector<16xf32> to vector<1x16xf32>
          tpu.vector_store %arg11[%swap3A_467, %swap3A_468], %swap3A_471 {strides = array<i32>} : memref<128x128xf32, #tpu.memory_space<vmem>>, vector<1x16xf32>,
          %get3A_472 = arith.index_cast %add3A_438 : i32 to index
          %get3A_473 = arith.constant 48 : index
          %get3A_474 = tpu.vector_load %arg11[%get3A_472, %get3A_473] {strides = array<i32>} : memref<128x128xf32, #tpu.memory_space<vmem>>, vector<1x16xf32>,
          %get3A_475 = vector.shape_cast %get3A_474 : vector<1x16xf32> to vector<16xf32>
          %mul3A_476 = arith.mulf %get3A_475, %broadcast_in_dim3A_441 : vector<16xf32>
          %swap3A_477 = arith.index_cast %add3A_438 : i32 to index
          %swap3A_478 = arith.constant 48 : index
          %swap3A_479 = tpu.vector_load %arg11[%swap3A_477, %swap3A_478] {strides = array<i32>} : memref<128x128xf32, #tpu.memory_space<vmem>>, vector<1x16xf32>,
          %swap3A_480 = vector.shape_cast %swap3A_479 : vector<1x16xf32> to vector<16xf32>
          %swap3A_481 = vector.shape_cast %mul3A_476 : vector<16xf32> to vector<1x16xf32>
          tpu.vector_store %arg11[%swap3A_477, %swap3A_478], %swap3A_481 {strides = array<i32>} : memref<128x128xf32, #tpu.memory_space<vmem>>, vector<1x16xf32>,
          %get3A_482 = arith.index_cast %add3A_438 : i32 to index
          %get3A_483 = arith.constant 64 : index
          %get3A_484 = tpu.vector_load %arg11[%get3A_482, %get3A_483] {strides = array<i32>} : memref<128x128xf32, #tpu.memory_space<vmem>>, vector<1x16xf32>,
          %get3A_485 = vector.shape_cast %get3A_484 : vector<1x16xf32> to vector<16xf32>
          %mul3A_486 = arith.mulf %get3A_485, %broadcast_in_dim3A_441 : vector<16xf32>
          %swap3A_487 = arith.index_cast %add3A_438 : i32 to index
          %swap3A_488 = arith.constant 64 : index
          %swap3A_489 = tpu.vector_load %arg11[%swap3A_487, %swap3A_488] {strides = array<i32>} : memref<128x128xf32, #tpu.memory_space<vmem>>, vector<1x16xf32>,
          %swap3A_490 = vector.shape_cast %swap3A_489 : vector<1x16xf32> to vector<16xf32>
          %swap3A_491 = vector.shape_cast %mul3A_486 : vector<16xf32> to vector<1x16xf32>
          tpu.vector_store %arg11[%swap3A_487, %swap3A_488], %swap3A_491 {strides = array<i32>} : memref<128x128xf32, #tpu.memory_space<vmem>>, vector<1x16xf32>,
          %get3A_492 = arith.index_cast %add3A_438 : i32 to index
          %get3A_493 = arith.constant 80 : index
          %get3A_494 = tpu.vector_load %arg11[%get3A_492, %get3A_493] {strides = array<i32>} : memref<128x128xf32, #tpu.memory_space<vmem>>, vector<1x16xf32>,
          %get3A_495 = vector.shape_cast %get3A_494 : vector<1x16xf32> to vector<16xf32>
          %mul3A_496 = arith.mulf %get3A_495, %broadcast_in_dim3A_441 : vector<16xf32>
          %swap3A_497 = arith.index_cast %add3A_438 : i32 to index
          %swap3A_498 = arith.constant 80 : index
          %swap3A_499 = tpu.vector_load %arg11[%swap3A_497, %swap3A_498] {strides = array<i32>} : memref<128x128xf32, #tpu.memory_space<vmem>>, vector<1x16xf32>,
          %swap3A_500 = vector.shape_cast %swap3A_499 : vector<1x16xf32> to vector<16xf32>
          %swap3A_501 = vector.shape_cast %mul3A_496 : vector<16xf32> to vector<1x16xf32>
          tpu.vector_store %arg11[%swap3A_497, %swap3A_498], %swap3A_501 {strides = array<i32>} : memref<128x128xf32, #tpu.memory_space<vmem>>, vector<1x16xf32>,
          %get3A_502 = arith.index_cast %add3A_438 : i32 to index
          %get3A_503 = arith.constant 96 : index
          %get3A_504 = tpu.vector_load %arg11[%get3A_502, %get3A_503] {strides = array<i32>} : memref<128x128xf32, #tpu.memory_space<vmem>>, vector<1x16xf32>,
          %get3A_505 = vector.shape_cast %get3A_504 : vector<1x16xf32> to vector<16xf32>
          %mul3A_506 = arith.mulf %get3A_505, %broadcast_in_dim3A_441 : vector<16xf32>
          %swap3A_507 = arith.index_cast %add3A_438 : i32 to index
          %swap3A_508 = arith.constant 96 : index
          %swap3A_509 = tpu.vector_load %arg11[%swap3A_507, %swap3A_508] {strides = array<i32>} : memref<128x128xf32, #tpu.memory_space<vmem>>, vector<1x16xf32>,
          %swap3A_510 = vector.shape_cast %swap3A_509 : vector<1x16xf32> to vector<16xf32>
          %swap3A_511 = vector.shape_cast %mul3A_506 : vector<16xf32> to vector<1x16xf32>
          tpu.vector_store %arg11[%swap3A_507, %swap3A_508], %swap3A_511 {strides = array<i32>} : memref<128x128xf32, #tpu.memory_space<vmem>>, vector<1x16xf32>,
          %get3A_512 = arith.index_cast %add3A_438 : i32 to index
          %get3A_513 = arith.constant 112 : index
          %get3A_514 = tpu.vector_load %arg11[%get3A_512, %get3A_513] {strides = array<i32>} : memref<128x128xf32, #tpu.memory_space<vmem>>, vector<1x16xf32>,
          %get3A_515 = vector.shape_cast %get3A_514 : vector<1x16xf32> to vector<16xf32>
          %mul3A_516 = arith.mulf %get3A_515, %broadcast_in_dim3A_441 : vector<16xf32>
          %swap3A_517 = arith.index_cast %add3A_438 : i32 to index
          %swap3A_518 = arith.constant 112 : index
          %swap3A_519 = tpu.vector_load %arg11[%swap3A_517, %swap3A_518] {strides = array<i32>} : memref<128x128xf32, #tpu.memory_space<vmem>>, vector<1x16xf32>,
          %swap3A_520 = vector.shape_cast %swap3A_519 : vector<1x16xf32> to vector<16xf32>
          %swap3A_521 = vector.shape_cast %mul3A_516 : vector<16xf32> to vector<1x16xf32>
          tpu.vector_store %arg11[%swap3A_517, %swap3A_518], %swap3A_521 {strides = array<i32>} : memref<128x128xf32, #tpu.memory_space<vmem>>, vector<1x16xf32>,
          %mul3A_522 = arith.constant 16 : i32
          %mul3A_523 = arith.muli %scan3A_84, %mul3A_522 : i32
          %add3A_524 = arith.constant 5 : i32
          %add3A_525 = arith.addi %mul3A_523, %add3A_524 : i32
          %slice3A_526 = vector.extract_strided_slice %get3A_90 {offsets = [5], sizes = [1], strides = [1]} : vector<16xf32> to vector<1xf32>
          %squeeze3A_527 = vector.extract %slice3A_526[0] : f32 from vector<1xf32>
          %broadcast_in_dim3A_528 = vector.broadcast %squeeze3A_527 : f32 to vector<16xf32>
          %get3A_529 = arith.index_cast %add3A_525 : i32 to index
          %get3A_530 = arith.constant 0 : index
          %get3A_531 = tpu.vector_load %arg11[%get3A_529, %get3A_530] {strides = array<i32>} : memref<128x128xf32, #tpu.memory_space<vmem>>, vector<1x16xf32>,
          %get3A_532 = vector.shape_cast %get3A_531 : vector<1x16xf32> to vector<16xf32>
          %mul3A_533 = arith.mulf %get3A_532, %broadcast_in_dim3A_528 : vector<16xf32>
          %swap3A_534 = arith.index_cast %add3A_525 : i32 to index
          %swap3A_535 = arith.constant 0 : index
          %swap3A_536 = tpu.vector_load %arg11[%swap3A_534, %swap3A_535] {strides = array<i32>} : memref<128x128xf32, #tpu.memory_space<vmem>>, vector<1x16xf32>,
          %swap3A_537 = vector.shape_cast %swap3A_536 : vector<1x16xf32> to vector<16xf32>
          %swap3A_538 = vector.shape_cast %mul3A_533 : vector<16xf32> to vector<1x16xf32>
          tpu.vector_store %arg11[%swap3A_534, %swap3A_535], %swap3A_538 {strides = array<i32>} : memref<128x128xf32, #tpu.memory_space<vmem>>, vector<1x16xf32>,
          %get3A_539 = arith.index_cast %add3A_525 : i32 to index
          %get3A_540 = arith.constant 16 : index
          %get3A_541 = tpu.vector_load %arg11[%get3A_539, %get3A_540] {strides = array<i32>} : memref<128x128xf32, #tpu.memory_space<vmem>>, vector<1x16xf32>,
          %get3A_542 = vector.shape_cast %get3A_541 : vector<1x16xf32> to vector<16xf32>
          %mul3A_543 = arith.mulf %get3A_542, %broadcast_in_dim3A_528 : vector<16xf32>
          %swap3A_544 = arith.index_cast %add3A_525 : i32 to index
          %swap3A_545 = arith.constant 16 : index
          %swap3A_546 = tpu.vector_load %arg11[%swap3A_544, %swap3A_545] {strides = array<i32>} : memref<128x128xf32, #tpu.memory_space<vmem>>, vector<1x16xf32>,
          %swap3A_547 = vector.shape_cast %swap3A_546 : vector<1x16xf32> to vector<16xf32>
          %swap3A_548 = vector.shape_cast %mul3A_543 : vector<16xf32> to vector<1x16xf32>
          tpu.vector_store %arg11[%swap3A_544, %swap3A_545], %swap3A_548 {strides = array<i32>} : memref<128x128xf32, #tpu.memory_space<vmem>>, vector<1x16xf32>,
          %get3A_549 = arith.index_cast %add3A_525 : i32 to index
          %get3A_550 = arith.constant 32 : index
          %get3A_551 = tpu.vector_load %arg11[%get3A_549, %get3A_550] {strides = array<i32>} : memref<128x128xf32, #tpu.memory_space<vmem>>, vector<1x16xf32>,
          %get3A_552 = vector.shape_cast %get3A_551 : vector<1x16xf32> to vector<16xf32>
          %mul3A_553 = arith.mulf %get3A_552, %broadcast_in_dim3A_528 : vector<16xf32>
          %swap3A_554 = arith.index_cast %add3A_525 : i32 to index
          %swap3A_555 = arith.constant 32 : index
          %swap3A_556 = tpu.vector_load %arg11[%swap3A_554, %swap3A_555] {strides = array<i32>} : memref<128x128xf32, #tpu.memory_space<vmem>>, vector<1x16xf32>,
          %swap3A_557 = vector.shape_cast %swap3A_556 : vector<1x16xf32> to vector<16xf32>
          %swap3A_558 = vector.shape_cast %mul3A_553 : vector<16xf32> to vector<1x16xf32>
          tpu.vector_store %arg11[%swap3A_554, %swap3A_555], %swap3A_558 {strides = array<i32>} : memref<128x128xf32, #tpu.memory_space<vmem>>, vector<1x16xf32>,
          %get3A_559 = arith.index_cast %add3A_525 : i32 to index
          %get3A_560 = arith.constant 48 : index
          %get3A_561 = tpu.vector_load %arg11[%get3A_559, %get3A_560] {strides = array<i32>} : memref<128x128xf32, #tpu.memory_space<vmem>>, vector<1x16xf32>,
          %get3A_562 = vector.shape_cast %get3A_561 : vector<1x16xf32> to vector<16xf32>
          %mul3A_563 = arith.mulf %get3A_562, %broadcast_in_dim3A_528 : vector<16xf32>
          %swap3A_564 = arith.index_cast %add3A_525 : i32 to index
          %swap3A_565 = arith.constant 48 : index
          %swap3A_566 = tpu.vector_load %arg11[%swap3A_564, %swap3A_565] {strides = array<i32>} : memref<128x128xf32, #tpu.memory_space<vmem>>, vector<1x16xf32>,
          %swap3A_567 = vector.shape_cast %swap3A_566 : vector<1x16xf32> to vector<16xf32>
          %swap3A_568 = vector.shape_cast %mul3A_563 : vector<16xf32> to vector<1x16xf32>
          tpu.vector_store %arg11[%swap3A_564, %swap3A_565], %swap3A_568 {strides = array<i32>} : memref<128x128xf32, #tpu.memory_space<vmem>>, vector<1x16xf32>,
          %get3A_569 = arith.index_cast %add3A_525 : i32 to index
          %get3A_570 = arith.constant 64 : index
          %get3A_571 = tpu.vector_load %arg11[%get3A_569, %get3A_570] {strides = array<i32>} : memref<128x128xf32, #tpu.memory_space<vmem>>, vector<1x16xf32>,
          %get3A_572 = vector.shape_cast %get3A_571 : vector<1x16xf32> to vector<16xf32>
          %mul3A_573 = arith.mulf %get3A_572, %broadcast_in_dim3A_528 : vector<16xf32>
          %swap3A_574 = arith.index_cast %add3A_525 : i32 to index
          %swap3A_575 = arith.constant 64 : index
          %swap3A_576 = tpu.vector_load %arg11[%swap3A_574, %swap3A_575] {strides = array<i32>} : memref<128x128xf32, #tpu.memory_space<vmem>>, vector<1x16xf32>,
          %swap3A_577 = vector.shape_cast %swap3A_576 : vector<1x16xf32> to vector<16xf32>
          %swap3A_578 = vector.shape_cast %mul3A_573 : vector<16xf32> to vector<1x16xf32>
          tpu.vector_store %arg11[%swap3A_574, %swap3A_575], %swap3A_578 {strides = array<i32>} : memref<128x128xf32, #tpu.memory_space<vmem>>, vector<1x16xf32>,
          %get3A_579 = arith.index_cast %add3A_525 : i32 to index
          %get3A_580 = arith.constant 80 : index
          %get3A_581 = tpu.vector_load %arg11[%get3A_579, %get3A_580] {strides = array<i32>} : memref<128x128xf32, #tpu.memory_space<vmem>>, vector<1x16xf32>,
          %get3A_582 = vector.shape_cast %get3A_581 : vector<1x16xf32> to vector<16xf32>
          %mul3A_583 = arith.mulf %get3A_582, %broadcast_in_dim3A_528 : vector<16xf32>
          %swap3A_584 = arith.index_cast %add3A_525 : i32 to index
          %swap3A_585 = arith.constant 80 : index
          %swap3A_586 = tpu.vector_load %arg11[%swap3A_584, %swap3A_585] {strides = array<i32>} : memref<128x128xf32, #tpu.memory_space<vmem>>, vector<1x16xf32>,
          %swap3A_587 = vector.shape_cast %swap3A_586 : vector<1x16xf32> to vector<16xf32>
          %swap3A_588 = vector.shape_cast %mul3A_583 : vector<16xf32> to vector<1x16xf32>
          tpu.vector_store %arg11[%swap3A_584, %swap3A_585], %swap3A_588 {strides = array<i32>} : memref<128x128xf32, #tpu.memory_space<vmem>>, vector<1x16xf32>,
          %get3A_589 = arith.index_cast %add3A_525 : i32 to index
          %get3A_590 = arith.constant 96 : index
          %get3A_591 = tpu.vector_load %arg11[%get3A_589, %get3A_590] {strides = array<i32>} : memref<128x128xf32, #tpu.memory_space<vmem>>, vector<1x16xf32>,
          %get3A_592 = vector.shape_cast %get3A_591 : vector<1x16xf32> to vector<16xf32>
          %mul3A_593 = arith.mulf %get3A_592, %broadcast_in_dim3A_528 : vector<16xf32>
          %swap3A_594 = arith.index_cast %add3A_525 : i32 to index
          %swap3A_595 = arith.constant 96 : index
          %swap3A_596 = tpu.vector_load %arg11[%swap3A_594, %swap3A_595] {strides = array<i32>} : memref<128x128xf32, #tpu.memory_space<vmem>>, vector<1x16xf32>,
          %swap3A_597 = vector.shape_cast %swap3A_596 : vector<1x16xf32> to vector<16xf32>
          %swap3A_598 = vector.shape_cast %mul3A_593 : vector<16xf32> to vector<1x16xf32>
          tpu.vector_store %arg11[%swap3A_594, %swap3A_595], %swap3A_598 {strides = array<i32>} : memref<128x128xf32, #tpu.memory_space<vmem>>, vector<1x16xf32>,
          %get3A_599 = arith.index_cast %add3A_525 : i32 to index
          %get3A_600 = arith.constant 112 : index
          %get3A_601 = tpu.vector_load %arg11[%get3A_599, %get3A_600] {strides = array<i32>} : memref<128x128xf32, #tpu.memory_space<vmem>>, vector<1x16xf32>,
          %get3A_602 = vector.shape_cast %get3A_601 : vector<1x16xf32> to vector<16xf32>
          %mul3A_603 = arith.mulf %get3A_602, %broadcast_in_dim3A_528 : vector<16xf32>
          %swap3A_604 = arith.index_cast %add3A_525 : i32 to index
          %swap3A_605 = arith.constant 112 : index
          %swap3A_606 = tpu.vector_load %arg11[%swap3A_604, %swap3A_605] {strides = array<i32>} : memref<128x128xf32, #tpu.memory_space<vmem>>, vector<1x16xf32>,
          %swap3A_607 = vector.shape_cast %swap3A_606 : vector<1x16xf32> to vector<16xf32>
          %swap3A_608 = vector.shape_cast %mul3A_603 : vector<16xf32> to vector<1x16xf32>
          tpu.vector_store %arg11[%swap3A_604, %swap3A_605], %swap3A_608 {strides = array<i32>} : memref<128x128xf32, #tpu.memory_space<vmem>>, vector<1x16xf32>,
          %mul3A_609 = arith.constant 16 : i32
          %mul3A_610 = arith.muli %scan3A_84, %mul3A_609 : i32
          %add3A_611 = arith.constant 6 : i32
          %add3A_612 = arith.addi %mul3A_610, %add3A_611 : i32
          %slice3A_613 = vector.extract_strided_slice %get3A_90 {offsets = [6], sizes = [1], strides = [1]} : vector<16xf32> to vector<1xf32>
          %squeeze3A_614 = vector.extract %slice3A_613[0] : f32 from vector<1xf32>
          %broadcast_in_dim3A_615 = vector.broadcast %squeeze3A_614 : f32 to vector<16xf32>
          %get3A_616 = arith.index_cast %add3A_612 : i32 to index
          %get3A_617 = arith.constant 0 : index
          %get3A_618 = tpu.vector_load %arg11[%get3A_616, %get3A_617] {strides = array<i32>} : memref<128x128xf32, #tpu.memory_space<vmem>>, vector<1x16xf32>,
          %get3A_619 = vector.shape_cast %get3A_618 : vector<1x16xf32> to vector<16xf32>
          %mul3A_620 = arith.mulf %get3A_619, %broadcast_in_dim3A_615 : vector<16xf32>
          %swap3A_621 = arith.index_cast %add3A_612 : i32 to index
          %swap3A_622 = arith.constant 0 : index
          %swap3A_623 = tpu.vector_load %arg11[%swap3A_621, %swap3A_622] {strides = array<i32>} : memref<128x128xf32, #tpu.memory_space<vmem>>, vector<1x16xf32>,
          %swap3A_624 = vector.shape_cast %swap3A_623 : vector<1x16xf32> to vector<16xf32>
          %swap3A_625 = vector.shape_cast %mul3A_620 : vector<16xf32> to vector<1x16xf32>
          tpu.vector_store %arg11[%swap3A_621, %swap3A_622], %swap3A_625 {strides = array<i32>} : memref<128x128xf32, #tpu.memory_space<vmem>>, vector<1x16xf32>,
          %get3A_626 = arith.index_cast %add3A_612 : i32 to index
          %get3A_627 = arith.constant 16 : index
          %get3A_628 = tpu.vector_load %arg11[%get3A_626, %get3A_627] {strides = array<i32>} : memref<128x128xf32, #tpu.memory_space<vmem>>, vector<1x16xf32>,
          %get3A_629 = vector.shape_cast %get3A_628 : vector<1x16xf32> to vector<16xf32>
          %mul3A_630 = arith.mulf %get3A_629, %broadcast_in_dim3A_615 : vector<16xf32>
          %swap3A_631 = arith.index_cast %add3A_612 : i32 to index
          %swap3A_632 = arith.constant 16 : index
          %swap3A_633 = tpu.vector_load %arg11[%swap3A_631, %swap3A_632] {strides = array<i32>} : memref<128x128xf32, #tpu.memory_space<vmem>>, vector<1x16xf32>,
          %swap3A_634 = vector.shape_cast %swap3A_633 : vector<1x16xf32> to vector<16xf32>
          %swap3A_635 = vector.shape_cast %mul3A_630 : vector<16xf32> to vector<1x16xf32>
          tpu.vector_store %arg11[%swap3A_631, %swap3A_632], %swap3A_635 {strides = array<i32>} : memref<128x128xf32, #tpu.memory_space<vmem>>, vector<1x16xf32>,
          %get3A_636 = arith.index_cast %add3A_612 : i32 to index
          %get3A_637 = arith.constant 32 : index
          %get3A_638 = tpu.vector_load %arg11[%get3A_636, %get3A_637] {strides = array<i32>} : memref<128x128xf32, #tpu.memory_space<vmem>>, vector<1x16xf32>,
          %get3A_639 = vector.shape_cast %get3A_638 : vector<1x16xf32> to vector<16xf32>
          %mul3A_640 = arith.mulf %get3A_639, %broadcast_in_dim3A_615 : vector<16xf32>
          %swap3A_641 = arith.index_cast %add3A_612 : i32 to index
          %swap3A_642 = arith.constant 32 : index
          %swap3A_643 = tpu.vector_load %arg11[%swap3A_641, %swap3A_642] {strides = array<i32>} : memref<128x128xf32, #tpu.memory_space<vmem>>, vector<1x16xf32>,
          %swap3A_644 = vector.shape_cast %swap3A_643 : vector<1x16xf32> to vector<16xf32>
          %swap3A_645 = vector.shape_cast %mul3A_640 : vector<16xf32> to vector<1x16xf32>
          tpu.vector_store %arg11[%swap3A_641, %swap3A_642], %swap3A_645 {strides = array<i32>} : memref<128x128xf32, #tpu.memory_space<vmem>>, vector<1x16xf32>,
          %get3A_646 = arith.index_cast %add3A_612 : i32 to index
          %get3A_647 = arith.constant 48 : index
          %get3A_648 = tpu.vector_load %arg11[%get3A_646, %get3A_647] {strides = array<i32>} : memref<128x128xf32, #tpu.memory_space<vmem>>, vector<1x16xf32>,
          %get3A_649 = vector.shape_cast %get3A_648 : vector<1x16xf32> to vector<16xf32>
          %mul3A_650 = arith.mulf %get3A_649, %broadcast_in_dim3A_615 : vector<16xf32>
          %swap3A_651 = arith.index_cast %add3A_612 : i32 to index
          %swap3A_652 = arith.constant 48 : index
          %swap3A_653 = tpu.vector_load %arg11[%swap3A_651, %swap3A_652] {strides = array<i32>} : memref<128x128xf32, #tpu.memory_space<vmem>>, vector<1x16xf32>,
          %swap3A_654 = vector.shape_cast %swap3A_653 : vector<1x16xf32> to vector<16xf32>
          %swap3A_655 = vector.shape_cast %mul3A_650 : vector<16xf32> to vector<1x16xf32>
          tpu.vector_store %arg11[%swap3A_651, %swap3A_652], %swap3A_655 {strides = array<i32>} : memref<128x128xf32, #tpu.memory_space<vmem>>, vector<1x16xf32>,
          %get3A_656 = arith.index_cast %add3A_612 : i32 to index
          %get3A_657 = arith.constant 64 : index
          %get3A_658 = tpu.vector_load %arg11[%get3A_656, %get3A_657] {strides = array<i32>} : memref<128x128xf32, #tpu.memory_space<vmem>>, vector<1x16xf32>,
          %get3A_659 = vector.shape_cast %get3A_658 : vector<1x16xf32> to vector<16xf32>
          %mul3A_660 = arith.mulf %get3A_659, %broadcast_in_dim3A_615 : vector<16xf32>
          %swap3A_661 = arith.index_cast %add3A_612 : i32 to index
          %swap3A_662 = arith.constant 64 : index
          %swap3A_663 = tpu.vector_load %arg11[%swap3A_661, %swap3A_662] {strides = array<i32>} : memref<128x128xf32, #tpu.memory_space<vmem>>, vector<1x16xf32>,
          %swap3A_664 = vector.shape_cast %swap3A_663 : vector<1x16xf32> to vector<16xf32>
          %swap3A_665 = vector.shape_cast %mul3A_660 : vector<16xf32> to vector<1x16xf32>
          tpu.vector_store %arg11[%swap3A_661, %swap3A_662], %swap3A_665 {strides = array<i32>} : memref<128x128xf32, #tpu.memory_space<vmem>>, vector<1x16xf32>,
          %get3A_666 = arith.index_cast %add3A_612 : i32 to index
          %get3A_667 = arith.constant 80 : index
          %get3A_668 = tpu.vector_load %arg11[%get3A_666, %get3A_667] {strides = array<i32>} : memref<128x128xf32, #tpu.memory_space<vmem>>, vector<1x16xf32>,
          %get3A_669 = vector.shape_cast %get3A_668 : vector<1x16xf32> to vector<16xf32>
          %mul3A_670 = arith.mulf %get3A_669, %broadcast_in_dim3A_615 : vector<16xf32>
          %swap3A_671 = arith.index_cast %add3A_612 : i32 to index
          %swap3A_672 = arith.constant 80 : index
          %swap3A_673 = tpu.vector_load %arg11[%swap3A_671, %swap3A_672] {strides = array<i32>} : memref<128x128xf32, #tpu.memory_space<vmem>>, vector<1x16xf32>,
          %swap3A_674 = vector.shape_cast %swap3A_673 : vector<1x16xf32> to vector<16xf32>
          %swap3A_675 = vector.shape_cast %mul3A_670 : vector<16xf32> to vector<1x16xf32>
          tpu.vector_store %arg11[%swap3A_671, %swap3A_672], %swap3A_675 {strides = array<i32>} : memref<128x128xf32, #tpu.memory_space<vmem>>, vector<1x16xf32>,
          %get3A_676 = arith.index_cast %add3A_612 : i32 to index
          %get3A_677 = arith.constant 96 : index
          %get3A_678 = tpu.vector_load %arg11[%get3A_676, %get3A_677] {strides = array<i32>} : memref<128x128xf32, #tpu.memory_space<vmem>>, vector<1x16xf32>,
          %get3A_679 = vector.shape_cast %get3A_678 : vector<1x16xf32> to vector<16xf32>
          %mul3A_680 = arith.mulf %get3A_679, %broadcast_in_dim3A_615 : vector<16xf32>
          %swap3A_681 = arith.index_cast %add3A_612 : i32 to index
          %swap3A_682 = arith.constant 96 : index
          %swap3A_683 = tpu.vector_load %arg11[%swap3A_681, %swap3A_682] {strides = array<i32>} : memref<128x128xf32, #tpu.memory_space<vmem>>, vector<1x16xf32>,
          %swap3A_684 = vector.shape_cast %swap3A_683 : vector<1x16xf32> to vector<16xf32>
          %swap3A_685 = vector.shape_cast %mul3A_680 : vector<16xf32> to vector<1x16xf32>
          tpu.vector_store %arg11[%swap3A_681, %swap3A_682], %swap3A_685 {strides = array<i32>} : memref<128x128xf32, #tpu.memory_space<vmem>>, vector<1x16xf32>,
          %get3A_686 = arith.index_cast %add3A_612 : i32 to index
          %get3A_687 = arith.constant 112 : index
          %get3A_688 = tpu.vector_load %arg11[%get3A_686, %get3A_687] {strides = array<i32>} : memref<128x128xf32, #tpu.memory_space<vmem>>, vector<1x16xf32>,
          %get3A_689 = vector.shape_cast %get3A_688 : vector<1x16xf32> to vector<16xf32>
          %mul3A_690 = arith.mulf %get3A_689, %broadcast_in_dim3A_615 : vector<16xf32>
          %swap3A_691 = arith.index_cast %add3A_612 : i32 to index
          %swap3A_692 = arith.constant 112 : index
          %swap3A_693 = tpu.vector_load %arg11[%swap3A_691, %swap3A_692] {strides = array<i32>} : memref<128x128xf32, #tpu.memory_space<vmem>>, vector<1x16xf32>,
          %swap3A_694 = vector.shape_cast %swap3A_693 : vector<1x16xf32> to vector<16xf32>
          %swap3A_695 = vector.shape_cast %mul3A_690 : vector<16xf32> to vector<1x16xf32>
          tpu.vector_store %arg11[%swap3A_691, %swap3A_692], %swap3A_695 {strides = array<i32>} : memref<128x128xf32, #tpu.memory_space<vmem>>, vector<1x16xf32>,
          %mul3A_696 = arith.constant 16 : i32
          %mul3A_697 = arith.muli %scan3A_84, %mul3A_696 : i32
          %add3A_698 = arith.constant 7 : i32
          %add3A_699 = arith.addi %mul3A_697, %add3A_698 : i32
          %slice3A_700 = vector.extract_strided_slice %get3A_90 {offsets = [7], sizes = [1], strides = [1]} : vector<16xf32> to vector<1xf32>
          %squeeze3A_701 = vector.extract %slice3A_700[0] : f32 from vector<1xf32>
          %broadcast_in_dim3A_702 = vector.broadcast %squeeze3A_701 : f32 to vector<16xf32>
          %get3A_703 = arith.index_cast %add3A_699 : i32 to index
          %get3A_704 = arith.constant 0 : index
          %get3A_705 = tpu.vector_load %arg11[%get3A_703, %get3A_704] {strides = array<i32>} : memref<128x128xf32, #tpu.memory_space<vmem>>, vector<1x16xf32>,
          %get3A_706 = vector.shape_cast %get3A_705 : vector<1x16xf32> to vector<16xf32>
          %mul3A_707 = arith.mulf %get3A_706, %broadcast_in_dim3A_702 : vector<16xf32>
          %swap3A_708 = arith.index_cast %add3A_699 : i32 to index
          %swap3A_709 = arith.constant 0 : index
          %swap3A_710 = tpu.vector_load %arg11[%swap3A_708, %swap3A_709] {strides = array<i32>} : memref<128x128xf32, #tpu.memory_space<vmem>>, vector<1x16xf32>,
          %swap3A_711 = vector.shape_cast %swap3A_710 : vector<1x16xf32> to vector<16xf32>
          %swap3A_712 = vector.shape_cast %mul3A_707 : vector<16xf32> to vector<1x16xf32>
          tpu.vector_store %arg11[%swap3A_708, %swap3A_709], %swap3A_712 {strides = array<i32>} : memref<128x128xf32, #tpu.memory_space<vmem>>, vector<1x16xf32>,
          %get3A_713 = arith.index_cast %add3A_699 : i32 to index
          %get3A_714 = arith.constant 16 : index
          %get3A_715 = tpu.vector_load %arg11[%get3A_713, %get3A_714] {strides = array<i32>} : memref<128x128xf32, #tpu.memory_space<vmem>>, vector<1x16xf32>,
          %get3A_716 = vector.shape_cast %get3A_715 : vector<1x16xf32> to vector<16xf32>
          %mul3A_717 = arith.mulf %get3A_716, %broadcast_in_dim3A_702 : vector<16xf32>
          %swap3A_718 = arith.index_cast %add3A_699 : i32 to index
          %swap3A_719 = arith.constant 16 : index
          %swap3A_720 = tpu.vector_load %arg11[%swap3A_718, %swap3A_719] {strides = array<i32>} : memref<128x128xf32, #tpu.memory_space<vmem>>, vector<1x16xf32>,
          %swap3A_721 = vector.shape_cast %swap3A_720 : vector<1x16xf32> to vector<16xf32>
          %swap3A_722 = vector.shape_cast %mul3A_717 : vector<16xf32> to vector<1x16xf32>
          tpu.vector_store %arg11[%swap3A_718, %swap3A_719], %swap3A_722 {strides = array<i32>} : memref<128x128xf32, #tpu.memory_space<vmem>>, vector<1x16xf32>,
          %get3A_723 = arith.index_cast %add3A_699 : i32 to index
          %get3A_724 = arith.constant 32 : index
          %get3A_725 = tpu.vector_load %arg11[%get3A_723, %get3A_724] {strides = array<i32>} : memref<128x128xf32, #tpu.memory_space<vmem>>, vector<1x16xf32>,
          %get3A_726 = vector.shape_cast %get3A_725 : vector<1x16xf32> to vector<16xf32>
          %mul3A_727 = arith.mulf %get3A_726, %broadcast_in_dim3A_702 : vector<16xf32>
          %swap3A_728 = arith.index_cast %add3A_699 : i32 to index
          %swap3A_729 = arith.constant 32 : index
          %swap3A_730 = tpu.vector_load %arg11[%swap3A_728, %swap3A_729] {strides = array<i32>} : memref<128x128xf32, #tpu.memory_space<vmem>>, vector<1x16xf32>,
          %swap3A_731 = vector.shape_cast %swap3A_730 : vector<1x16xf32> to vector<16xf32>
          %swap3A_732 = vector.shape_cast %mul3A_727 : vector<16xf32> to vector<1x16xf32>
          tpu.vector_store %arg11[%swap3A_728, %swap3A_729], %swap3A_732 {strides = array<i32>} : memref<128x128xf32, #tpu.memory_space<vmem>>, vector<1x16xf32>,
          %get3A_733 = arith.index_cast %add3A_699 : i32 to index
          %get3A_734 = arith.constant 48 : index
          %get3A_735 = tpu.vector_load %arg11[%get3A_733, %get3A_734] {strides = array<i32>} : memref<128x128xf32, #tpu.memory_space<vmem>>, vector<1x16xf32>,
          %get3A_736 = vector.shape_cast %get3A_735 : vector<1x16xf32> to vector<16xf32>
          %mul3A_737 = arith.mulf %get3A_736, %broadcast_in_dim3A_702 : vector<16xf32>
          %swap3A_738 = arith.index_cast %add3A_699 : i32 to index
          %swap3A_739 = arith.constant 48 : index
          %swap3A_740 = tpu.vector_load %arg11[%swap3A_738, %swap3A_739] {strides = array<i32>} : memref<128x128xf32, #tpu.memory_space<vmem>>, vector<1x16xf32>,
          %swap3A_741 = vector.shape_cast %swap3A_740 : vector<1x16xf32> to vector<16xf32>
          %swap3A_742 = vector.shape_cast %mul3A_737 : vector<16xf32> to vector<1x16xf32>
          tpu.vector_store %arg11[%swap3A_738, %swap3A_739], %swap3A_742 {strides = array<i32>} : memref<128x128xf32, #tpu.memory_space<vmem>>, vector<1x16xf32>,
          %get3A_743 = arith.index_cast %add3A_699 : i32 to index
          %get3A_744 = arith.constant 64 : index
          %get3A_745 = tpu.vector_load %arg11[%get3A_743, %get3A_744] {strides = array<i32>} : memref<128x128xf32, #tpu.memory_space<vmem>>, vector<1x16xf32>,
          %get3A_746 = vector.shape_cast %get3A_745 : vector<1x16xf32> to vector<16xf32>
          %mul3A_747 = arith.mulf %get3A_746, %broadcast_in_dim3A_702 : vector<16xf32>
          %swap3A_748 = arith.index_cast %add3A_699 : i32 to index
          %swap3A_749 = arith.constant 64 : index
          %swap3A_750 = tpu.vector_load %arg11[%swap3A_748, %swap3A_749] {strides = array<i32>} : memref<128x128xf32, #tpu.memory_space<vmem>>, vector<1x16xf32>,
          %swap3A_751 = vector.shape_cast %swap3A_750 : vector<1x16xf32> to vector<16xf32>
          %swap3A_752 = vector.shape_cast %mul3A_747 : vector<16xf32> to vector<1x16xf32>
          tpu.vector_store %arg11[%swap3A_748, %swap3A_749], %swap3A_752 {strides = array<i32>} : memref<128x128xf32, #tpu.memory_space<vmem>>, vector<1x16xf32>,
          %get3A_753 = arith.index_cast %add3A_699 : i32 to index
          %get3A_754 = arith.constant 80 : index
          %get3A_755 = tpu.vector_load %arg11[%get3A_753, %get3A_754] {strides = array<i32>} : memref<128x128xf32, #tpu.memory_space<vmem>>, vector<1x16xf32>,
          %get3A_756 = vector.shape_cast %get3A_755 : vector<1x16xf32> to vector<16xf32>
          %mul3A_757 = arith.mulf %get3A_756, %broadcast_in_dim3A_702 : vector<16xf32>
          %swap3A_758 = arith.index_cast %add3A_699 : i32 to index
          %swap3A_759 = arith.constant 80 : index
          %swap3A_760 = tpu.vector_load %arg11[%swap3A_758, %swap3A_759] {strides = array<i32>} : memref<128x128xf32, #tpu.memory_space<vmem>>, vector<1x16xf32>,
          %swap3A_761 = vector.shape_cast %swap3A_760 : vector<1x16xf32> to vector<16xf32>
          %swap3A_762 = vector.shape_cast %mul3A_757 : vector<16xf32> to vector<1x16xf32>
          tpu.vector_store %arg11[%swap3A_758, %swap3A_759], %swap3A_762 {strides = array<i32>} : memref<128x128xf32, #tpu.memory_space<vmem>>, vector<1x16xf32>,
          %get3A_763 = arith.index_cast %add3A_699 : i32 to index
          %get3A_764 = arith.constant 96 : index
          %get3A_765 = tpu.vector_load %arg11[%get3A_763, %get3A_764] {strides = array<i32>} : memref<128x128xf32, #tpu.memory_space<vmem>>, vector<1x16xf32>,
          %get3A_766 = vector.shape_cast %get3A_765 : vector<1x16xf32> to vector<16xf32>
          %mul3A_767 = arith.mulf %get3A_766, %broadcast_in_dim3A_702 : vector<16xf32>
          %swap3A_768 = arith.index_cast %add3A_699 : i32 to index
          %swap3A_769 = arith.constant 96 : index
          %swap3A_770 = tpu.vector_load %arg11[%swap3A_768, %swap3A_769] {strides = array<i32>} : memref<128x128xf32, #tpu.memory_space<vmem>>, vector<1x16xf32>,
          %swap3A_771 = vector.shape_cast %swap3A_770 : vector<1x16xf32> to vector<16xf32>
          %swap3A_772 = vector.shape_cast %mul3A_767 : vector<16xf32> to vector<1x16xf32>
          tpu.vector_store %arg11[%swap3A_768, %swap3A_769], %swap3A_772 {strides = array<i32>} : memref<128x128xf32, #tpu.memory_space<vmem>>, vector<1x16xf32>,
          %get3A_773 = arith.index_cast %add3A_699 : i32 to index
          %get3A_774 = arith.constant 112 : index
          %get3A_775 = tpu.vector_load %arg11[%get3A_773, %get3A_774] {strides = array<i32>} : memref<128x128xf32, #tpu.memory_space<vmem>>, vector<1x16xf32>,
          %get3A_776 = vector.shape_cast %get3A_775 : vector<1x16xf32> to vector<16xf32>
          %mul3A_777 = arith.mulf %get3A_776, %broadcast_in_dim3A_702 : vector<16xf32>
          %swap3A_778 = arith.index_cast %add3A_699 : i32 to index
          %swap3A_779 = arith.constant 112 : index
          %swap3A_780 = tpu.vector_load %arg11[%swap3A_778, %swap3A_779] {strides = array<i32>} : memref<128x128xf32, #tpu.memory_space<vmem>>, vector<1x16xf32>,
          %swap3A_781 = vector.shape_cast %swap3A_780 : vector<1x16xf32> to vector<16xf32>
          %swap3A_782 = vector.shape_cast %mul3A_777 : vector<16xf32> to vector<1x16xf32>
          tpu.vector_store %arg11[%swap3A_778, %swap3A_779], %swap3A_782 {strides = array<i32>} : memref<128x128xf32, #tpu.memory_space<vmem>>, vector<1x16xf32>,
          %mul3A_783 = arith.constant 16 : i32
          %mul3A_784 = arith.muli %scan3A_84, %mul3A_783 : i32
          %add3A_785 = arith.constant 8 : i32
          %add3A_786 = arith.addi %mul3A_784, %add3A_785 : i32
          %slice3A_787 = vector.extract_strided_slice %get3A_90 {offsets = [8], sizes = [1], strides = [1]} : vector<16xf32> to vector<1xf32>
          %squeeze3A_788 = vector.extract %slice3A_787[0] : f32 from vector<1xf32>
          %broadcast_in_dim3A_789 = vector.broadcast %squeeze3A_788 : f32 to vector<16xf32>
          %get3A_790 = arith.index_cast %add3A_786 : i32 to index
          %get3A_791 = arith.constant 0 : index
          %get3A_792 = tpu.vector_load %arg11[%get3A_790, %get3A_791] {strides = array<i32>} : memref<128x128xf32, #tpu.memory_space<vmem>>, vector<1x16xf32>,
          %get3A_793 = vector.shape_cast %get3A_792 : vector<1x16xf32> to vector<16xf32>
          %mul3A_794 = arith.mulf %get3A_793, %broadcast_in_dim3A_789 : vector<16xf32>
          %swap3A_795 = arith.index_cast %add3A_786 : i32 to index
          %swap3A_796 = arith.constant 0 : index
          %swap3A_797 = tpu.vector_load %arg11[%swap3A_795, %swap3A_796] {strides = array<i32>} : memref<128x128xf32, #tpu.memory_space<vmem>>, vector<1x16xf32>,
          %swap3A_798 = vector.shape_cast %swap3A_797 : vector<1x16xf32> to vector<16xf32>
          %swap3A_799 = vector.shape_cast %mul3A_794 : vector<16xf32> to vector<1x16xf32>
          tpu.vector_store %arg11[%swap3A_795, %swap3A_796], %swap3A_799 {strides = array<i32>} : memref<128x128xf32, #tpu.memory_space<vmem>>, vector<1x16xf32>,
          %get3A_800 = arith.index_cast %add3A_786 : i32 to index
          %get3A_801 = arith.constant 16 : index
          %get3A_802 = tpu.vector_load %arg11[%get3A_800, %get3A_801] {strides = array<i32>} : memref<128x128xf32, #tpu.memory_space<vmem>>, vector<1x16xf32>,
          %get3A_803 = vector.shape_cast %get3A_802 : vector<1x16xf32> to vector<16xf32>
          %mul3A_804 = arith.mulf %get3A_803, %broadcast_in_dim3A_789 : vector<16xf32>
          %swap3A_805 = arith.index_cast %add3A_786 : i32 to index
          %swap3A_806 = arith.constant 16 : index
          %swap3A_807 = tpu.vector_load %arg11[%swap3A_805, %swap3A_806] {strides = array<i32>} : memref<128x128xf32, #tpu.memory_space<vmem>>, vector<1x16xf32>,
          %swap3A_808 = vector.shape_cast %swap3A_807 : vector<1x16xf32> to vector<16xf32>
          %swap3A_809 = vector.shape_cast %mul3A_804 : vector<16xf32> to vector<1x16xf32>
          tpu.vector_store %arg11[%swap3A_805, %swap3A_806], %swap3A_809 {strides = array<i32>} : memref<128x128xf32, #tpu.memory_space<vmem>>, vector<1x16xf32>,
          %get3A_810 = arith.index_cast %add3A_786 : i32 to index
          %get3A_811 = arith.constant 32 : index
          %get3A_812 = tpu.vector_load %arg11[%get3A_810, %get3A_811] {strides = array<i32>} : memref<128x128xf32, #tpu.memory_space<vmem>>, vector<1x16xf32>,
          %get3A_813 = vector.shape_cast %get3A_812 : vector<1x16xf32> to vector<16xf32>
          %mul3A_814 = arith.mulf %get3A_813, %broadcast_in_dim3A_789 : vector<16xf32>
          %swap3A_815 = arith.index_cast %add3A_786 : i32 to index
          %swap3A_816 = arith.constant 32 : index
          %swap3A_817 = tpu.vector_load %arg11[%swap3A_815, %swap3A_816] {strides = array<i32>} : memref<128x128xf32, #tpu.memory_space<vmem>>, vector<1x16xf32>,
          %swap3A_818 = vector.shape_cast %swap3A_817 : vector<1x16xf32> to vector<16xf32>
          %swap3A_819 = vector.shape_cast %mul3A_814 : vector<16xf32> to vector<1x16xf32>
          tpu.vector_store %arg11[%swap3A_815, %swap3A_816], %swap3A_819 {strides = array<i32>} : memref<128x128xf32, #tpu.memory_space<vmem>>, vector<1x16xf32>,
          %get3A_820 = arith.index_cast %add3A_786 : i32 to index
          %get3A_821 = arith.constant 48 : index
          %get3A_822 = tpu.vector_load %arg11[%get3A_820, %get3A_821] {strides = array<i32>} : memref<128x128xf32, #tpu.memory_space<vmem>>, vector<1x16xf32>,
          %get3A_823 = vector.shape_cast %get3A_822 : vector<1x16xf32> to vector<16xf32>
          %mul3A_824 = arith.mulf %get3A_823, %broadcast_in_dim3A_789 : vector<16xf32>
          %swap3A_825 = arith.index_cast %add3A_786 : i32 to index
          %swap3A_826 = arith.constant 48 : index
          %swap3A_827 = tpu.vector_load %arg11[%swap3A_825, %swap3A_826] {strides = array<i32>} : memref<128x128xf32, #tpu.memory_space<vmem>>, vector<1x16xf32>,
          %swap3A_828 = vector.shape_cast %swap3A_827 : vector<1x16xf32> to vector<16xf32>
          %swap3A_829 = vector.shape_cast %mul3A_824 : vector<16xf32> to vector<1x16xf32>
          tpu.vector_store %arg11[%swap3A_825, %swap3A_826], %swap3A_829 {strides = array<i32>} : memref<128x128xf32, #tpu.memory_space<vmem>>, vector<1x16xf32>,
          %get3A_830 = arith.index_cast %add3A_786 : i32 to index
          %get3A_831 = arith.constant 64 : index
          %get3A_832 = tpu.vector_load %arg11[%get3A_830, %get3A_831] {strides = array<i32>} : memref<128x128xf32, #tpu.memory_space<vmem>>, vector<1x16xf32>,
          %get3A_833 = vector.shape_cast %get3A_832 : vector<1x16xf32> to vector<16xf32>
          %mul3A_834 = arith.mulf %get3A_833, %broadcast_in_dim3A_789 : vector<16xf32>
          %swap3A_835 = arith.index_cast %add3A_786 : i32 to index
          %swap3A_836 = arith.constant 64 : index
          %swap3A_837 = tpu.vector_load %arg11[%swap3A_835, %swap3A_836] {strides = array<i32>} : memref<128x128xf32, #tpu.memory_space<vmem>>, vector<1x16xf32>,
          %swap3A_838 = vector.shape_cast %swap3A_837 : vector<1x16xf32> to vector<16xf32>
          %swap3A_839 = vector.shape_cast %mul3A_834 : vector<16xf32> to vector<1x16xf32>
          tpu.vector_store %arg11[%swap3A_835, %swap3A_836], %swap3A_839 {strides = array<i32>} : memref<128x128xf32, #tpu.memory_space<vmem>>, vector<1x16xf32>,
          %get3A_840 = arith.index_cast %add3A_786 : i32 to index
          %get3A_841 = arith.constant 80 : index
          %get3A_842 = tpu.vector_load %arg11[%get3A_840, %get3A_841] {strides = array<i32>} : memref<128x128xf32, #tpu.memory_space<vmem>>, vector<1x16xf32>,
          %get3A_843 = vector.shape_cast %get3A_842 : vector<1x16xf32> to vector<16xf32>
          %mul3A_844 = arith.mulf %get3A_843, %broadcast_in_dim3A_789 : vector<16xf32>
          %swap3A_845 = arith.index_cast %add3A_786 : i32 to index
          %swap3A_846 = arith.constant 80 : index
          %swap3A_847 = tpu.vector_load %arg11[%swap3A_845, %swap3A_846] {strides = array<i32>} : memref<128x128xf32, #tpu.memory_space<vmem>>, vector<1x16xf32>,
          %swap3A_848 = vector.shape_cast %swap3A_847 : vector<1x16xf32> to vector<16xf32>
          %swap3A_849 = vector.shape_cast %mul3A_844 : vector<16xf32> to vector<1x16xf32>
          tpu.vector_store %arg11[%swap3A_845, %swap3A_846], %swap3A_849 {strides = array<i32>} : memref<128x128xf32, #tpu.memory_space<vmem>>, vector<1x16xf32>,
          %get3A_850 = arith.index_cast %add3A_786 : i32 to index
          %get3A_851 = arith.constant 96 : index
          %get3A_852 = tpu.vector_load %arg11[%get3A_850, %get3A_851] {strides = array<i32>} : memref<128x128xf32, #tpu.memory_space<vmem>>, vector<1x16xf32>,
          %get3A_853 = vector.shape_cast %get3A_852 : vector<1x16xf32> to vector<16xf32>
          %mul3A_854 = arith.mulf %get3A_853, %broadcast_in_dim3A_789 : vector<16xf32>
          %swap3A_855 = arith.index_cast %add3A_786 : i32 to index
          %swap3A_856 = arith.constant 96 : index
          %swap3A_857 = tpu.vector_load %arg11[%swap3A_855, %swap3A_856] {strides = array<i32>} : memref<128x128xf32, #tpu.memory_space<vmem>>, vector<1x16xf32>,
          %swap3A_858 = vector.shape_cast %swap3A_857 : vector<1x16xf32> to vector<16xf32>
          %swap3A_859 = vector.shape_cast %mul3A_854 : vector<16xf32> to vector<1x16xf32>
          tpu.vector_store %arg11[%swap3A_855, %swap3A_856], %swap3A_859 {strides = array<i32>} : memref<128x128xf32, #tpu.memory_space<vmem>>, vector<1x16xf32>,
          %get3A_860 = arith.index_cast %add3A_786 : i32 to index
          %get3A_861 = arith.constant 112 : index
          %get3A_862 = tpu.vector_load %arg11[%get3A_860, %get3A_861] {strides = array<i32>} : memref<128x128xf32, #tpu.memory_space<vmem>>, vector<1x16xf32>,
          %get3A_863 = vector.shape_cast %get3A_862 : vector<1x16xf32> to vector<16xf32>
          %mul3A_864 = arith.mulf %get3A_863, %broadcast_in_dim3A_789 : vector<16xf32>
          %swap3A_865 = arith.index_cast %add3A_786 : i32 to index
          %swap3A_866 = arith.constant 112 : index
          %swap3A_867 = tpu.vector_load %arg11[%swap3A_865, %swap3A_866] {strides = array<i32>} : memref<128x128xf32, #tpu.memory_space<vmem>>, vector<1x16xf32>,
          %swap3A_868 = vector.shape_cast %swap3A_867 : vector<1x16xf32> to vector<16xf32>
          %swap3A_869 = vector.shape_cast %mul3A_864 : vector<16xf32> to vector<1x16xf32>
          tpu.vector_store %arg11[%swap3A_865, %swap3A_866], %swap3A_869 {strides = array<i32>} : memref<128x128xf32, #tpu.memory_space<vmem>>, vector<1x16xf32>,
          %mul3A_870 = arith.constant 16 : i32
          %mul3A_871 = arith.muli %scan3A_84, %mul3A_870 : i32
          %add3A_872 = arith.constant 9 : i32
          %add3A_873 = arith.addi %mul3A_871, %add3A_872 : i32
          %slice3A_874 = vector.extract_strided_slice %get3A_90 {offsets = [9], sizes = [1], strides = [1]} : vector<16xf32> to vector<1xf32>
          %squeeze3A_875 = vector.extract %slice3A_874[0] : f32 from vector<1xf32>
          %broadcast_in_dim3A_876 = vector.broadcast %squeeze3A_875 : f32 to vector<16xf32>
          %get3A_877 = arith.index_cast %add3A_873 : i32 to index
          %get3A_878 = arith.constant 0 : index
          %get3A_879 = tpu.vector_load %arg11[%get3A_877, %get3A_878] {strides = array<i32>} : memref<128x128xf32, #tpu.memory_space<vmem>>, vector<1x16xf32>,
          %get3A_880 = vector.shape_cast %get3A_879 : vector<1x16xf32> to vector<16xf32>
          %mul3A_881 = arith.mulf %get3A_880, %broadcast_in_dim3A_876 : vector<16xf32>
          %swap3A_882 = arith.index_cast %add3A_873 : i32 to index
          %swap3A_883 = arith.constant 0 : index
          %swap3A_884 = tpu.vector_load %arg11[%swap3A_882, %swap3A_883] {strides = array<i32>} : memref<128x128xf32, #tpu.memory_space<vmem>>, vector<1x16xf32>,
          %swap3A_885 = vector.shape_cast %swap3A_884 : vector<1x16xf32> to vector<16xf32>
          %swap3A_886 = vector.shape_cast %mul3A_881 : vector<16xf32> to vector<1x16xf32>
          tpu.vector_store %arg11[%swap3A_882, %swap3A_883], %swap3A_886 {strides = array<i32>} : memref<128x128xf32, #tpu.memory_space<vmem>>, vector<1x16xf32>,
          %get3A_887 = arith.index_cast %add3A_873 : i32 to index
          %get3A_888 = arith.constant 16 : index
          %get3A_889 = tpu.vector_load %arg11[%get3A_887, %get3A_888] {strides = array<i32>} : memref<128x128xf32, #tpu.memory_space<vmem>>, vector<1x16xf32>,
          %get3A_890 = vector.shape_cast %get3A_889 : vector<1x16xf32> to vector<16xf32>
          %mul3A_891 = arith.mulf %get3A_890, %broadcast_in_dim3A_876 : vector<16xf32>
          %swap3A_892 = arith.index_cast %add3A_873 : i32 to index
          %swap3A_893 = arith.constant 16 : index
          %swap3A_894 = tpu.vector_load %arg11[%swap3A_892, %swap3A_893] {strides = array<i32>} : memref<128x128xf32, #tpu.memory_space<vmem>>, vector<1x16xf32>,
          %swap3A_895 = vector.shape_cast %swap3A_894 : vector<1x16xf32> to vector<16xf32>
          %swap3A_896 = vector.shape_cast %mul3A_891 : vector<16xf32> to vector<1x16xf32>
          tpu.vector_store %arg11[%swap3A_892, %swap3A_893], %swap3A_896 {strides = array<i32>} : memref<128x128xf32, #tpu.memory_space<vmem>>, vector<1x16xf32>,
          %get3A_897 = arith.index_cast %add3A_873 : i32 to index
          %get3A_898 = arith.constant 32 : index
          %get3A_899 = tpu.vector_load %arg11[%get3A_897, %get3A_898] {strides = array<i32>} : memref<128x128xf32, #tpu.memory_space<vmem>>, vector<1x16xf32>,
          %get3A_900 = vector.shape_cast %get3A_899 : vector<1x16xf32> to vector<16xf32>
          %mul3A_901 = arith.mulf %get3A_900, %broadcast_in_dim3A_876 : vector<16xf32>
          %swap3A_902 = arith.index_cast %add3A_873 : i32 to index
          %swap3A_903 = arith.constant 32 : index
          %swap3A_904 = tpu.vector_load %arg11[%swap3A_902, %swap3A_903] {strides = array<i32>} : memref<128x128xf32, #tpu.memory_space<vmem>>, vector<1x16xf32>,
          %swap3A_905 = vector.shape_cast %swap3A_904 : vector<1x16xf32> to vector<16xf32>
          %swap3A_906 = vector.shape_cast %mul3A_901 : vector<16xf32> to vector<1x16xf32>
          tpu.vector_store %arg11[%swap3A_902, %swap3A_903], %swap3A_906 {strides = array<i32>} : memref<128x128xf32, #tpu.memory_space<vmem>>, vector<1x16xf32>,
          %get3A_907 = arith.index_cast %add3A_873 : i32 to index
          %get3A_908 = arith.constant 48 : index
          %get3A_909 = tpu.vector_load %arg11[%get3A_907, %get3A_908] {strides = array<i32>} : memref<128x128xf32, #tpu.memory_space<vmem>>, vector<1x16xf32>,
          %get3A_910 = vector.shape_cast %get3A_909 : vector<1x16xf32> to vector<16xf32>
          %mul3A_911 = arith.mulf %get3A_910, %broadcast_in_dim3A_876 : vector<16xf32>
          %swap3A_912 = arith.index_cast %add3A_873 : i32 to index
          %swap3A_913 = arith.constant 48 : index
          %swap3A_914 = tpu.vector_load %arg11[%swap3A_912, %swap3A_913] {strides = array<i32>} : memref<128x128xf32, #tpu.memory_space<vmem>>, vector<1x16xf32>,
          %swap3A_915 = vector.shape_cast %swap3A_914 : vector<1x16xf32> to vector<16xf32>
          %swap3A_916 = vector.shape_cast %mul3A_911 : vector<16xf32> to vector<1x16xf32>
          tpu.vector_store %arg11[%swap3A_912, %swap3A_913], %swap3A_916 {strides = array<i32>} : memref<128x128xf32, #tpu.memory_space<vmem>>, vector<1x16xf32>,
          %get3A_917 = arith.index_cast %add3A_873 : i32 to index
          %get3A_918 = arith.constant 64 : index
          %get3A_919 = tpu.vector_load %arg11[%get3A_917, %get3A_918] {strides = array<i32>} : memref<128x128xf32, #tpu.memory_space<vmem>>, vector<1x16xf32>,
          %get3A_920 = vector.shape_cast %get3A_919 : vector<1x16xf32> to vector<16xf32>
          %mul3A_921 = arith.mulf %get3A_920, %broadcast_in_dim3A_876 : vector<16xf32>
          %swap3A_922 = arith.index_cast %add3A_873 : i32 to index
          %swap3A_923 = arith.constant 64 : index
          %swap3A_924 = tpu.vector_load %arg11[%swap3A_922, %swap3A_923] {strides = array<i32>} : memref<128x128xf32, #tpu.memory_space<vmem>>, vector<1x16xf32>,
          %swap3A_925 = vector.shape_cast %swap3A_924 : vector<1x16xf32> to vector<16xf32>
          %swap3A_926 = vector.shape_cast %mul3A_921 : vector<16xf32> to vector<1x16xf32>
          tpu.vector_store %arg11[%swap3A_922, %swap3A_923], %swap3A_926 {strides = array<i32>} : memref<128x128xf32, #tpu.memory_space<vmem>>, vector<1x16xf32>,
          %get3A_927 = arith.index_cast %add3A_873 : i32 to index
          %get3A_928 = arith.constant 80 : index
          %get3A_929 = tpu.vector_load %arg11[%get3A_927, %get3A_928] {strides = array<i32>} : memref<128x128xf32, #tpu.memory_space<vmem>>, vector<1x16xf32>,
          %get3A_930 = vector.shape_cast %get3A_929 : vector<1x16xf32> to vector<16xf32>
          %mul3A_931 = arith.mulf %get3A_930, %broadcast_in_dim3A_876 : vector<16xf32>
          %swap3A_932 = arith.index_cast %add3A_873 : i32 to index
          %swap3A_933 = arith.constant 80 : index
          %swap3A_934 = tpu.vector_load %arg11[%swap3A_932, %swap3A_933] {strides = array<i32>} : memref<128x128xf32, #tpu.memory_space<vmem>>, vector<1x16xf32>,
          %swap3A_935 = vector.shape_cast %swap3A_934 : vector<1x16xf32> to vector<16xf32>
          %swap3A_936 = vector.shape_cast %mul3A_931 : vector<16xf32> to vector<1x16xf32>
          tpu.vector_store %arg11[%swap3A_932, %swap3A_933], %swap3A_936 {strides = array<i32>} : memref<128x128xf32, #tpu.memory_space<vmem>>, vector<1x16xf32>,
          %get3A_937 = arith.index_cast %add3A_873 : i32 to index
          %get3A_938 = arith.constant 96 : index
          %get3A_939 = tpu.vector_load %arg11[%get3A_937, %get3A_938] {strides = array<i32>} : memref<128x128xf32, #tpu.memory_space<vmem>>, vector<1x16xf32>,
          %get3A_940 = vector.shape_cast %get3A_939 : vector<1x16xf32> to vector<16xf32>
          %mul3A_941 = arith.mulf %get3A_940, %broadcast_in_dim3A_876 : vector<16xf32>
          %swap3A_942 = arith.index_cast %add3A_873 : i32 to index
          %swap3A_943 = arith.constant 96 : index
          %swap3A_944 = tpu.vector_load %arg11[%swap3A_942, %swap3A_943] {strides = array<i32>} : memref<128x128xf32, #tpu.memory_space<vmem>>, vector<1x16xf32>,
          %swap3A_945 = vector.shape_cast %swap3A_944 : vector<1x16xf32> to vector<16xf32>
          %swap3A_946 = vector.shape_cast %mul3A_941 : vector<16xf32> to vector<1x16xf32>
          tpu.vector_store %arg11[%swap3A_942, %swap3A_943], %swap3A_946 {strides = array<i32>} : memref<128x128xf32, #tpu.memory_space<vmem>>, vector<1x16xf32>,
          %get3A_947 = arith.index_cast %add3A_873 : i32 to index
          %get3A_948 = arith.constant 112 : index
          %get3A_949 = tpu.vector_load %arg11[%get3A_947, %get3A_948] {strides = array<i32>} : memref<128x128xf32, #tpu.memory_space<vmem>>, vector<1x16xf32>,
          %get3A_950 = vector.shape_cast %get3A_949 : vector<1x16xf32> to vector<16xf32>
          %mul3A_951 = arith.mulf %get3A_950, %broadcast_in_dim3A_876 : vector<16xf32>
          %swap3A_952 = arith.index_cast %add3A_873 : i32 to index
          %swap3A_953 = arith.constant 112 : index
          %swap3A_954 = tpu.vector_load %arg11[%swap3A_952, %swap3A_953] {strides = array<i32>} : memref<128x128xf32, #tpu.memory_space<vmem>>, vector<1x16xf32>,
          %swap3A_955 = vector.shape_cast %swap3A_954 : vector<1x16xf32> to vector<16xf32>
          %swap3A_956 = vector.shape_cast %mul3A_951 : vector<16xf32> to vector<1x16xf32>
          tpu.vector_store %arg11[%swap3A_952, %swap3A_953], %swap3A_956 {strides = array<i32>} : memref<128x128xf32, #tpu.memory_space<vmem>>, vector<1x16xf32>,
          %mul3A_957 = arith.constant 16 : i32
          %mul3A_958 = arith.muli %scan3A_84, %mul3A_957 : i32
          %add3A_959 = arith.constant 10 : i32
          %add3A_960 = arith.addi %mul3A_958, %add3A_959 : i32
          %slice3A_961 = vector.extract_strided_slice %get3A_90 {offsets = [10], sizes = [1], strides = [1]} : vector<16xf32> to vector<1xf32>
          %squeeze3A_962 = vector.extract %slice3A_961[0] : f32 from vector<1xf32>
          %broadcast_in_dim3A_963 = vector.broadcast %squeeze3A_962 : f32 to vector<16xf32>
          %get3A_964 = arith.index_cast %add3A_960 : i32 to index
          %get3A_965 = arith.constant 0 : index
          %get3A_966 = tpu.vector_load %arg11[%get3A_964, %get3A_965] {strides = array<i32>} : memref<128x128xf32, #tpu.memory_space<vmem>>, vector<1x16xf32>,
          %get3A_967 = vector.shape_cast %get3A_966 : vector<1x16xf32> to vector<16xf32>
          %mul3A_968 = arith.mulf %get3A_967, %broadcast_in_dim3A_963 : vector<16xf32>
          %swap3A_969 = arith.index_cast %add3A_960 : i32 to index
          %swap3A_970 = arith.constant 0 : index
          %swap3A_971 = tpu.vector_load %arg11[%swap3A_969, %swap3A_970] {strides = array<i32>} : memref<128x128xf32, #tpu.memory_space<vmem>>, vector<1x16xf32>,
          %swap3A_972 = vector.shape_cast %swap3A_971 : vector<1x16xf32> to vector<16xf32>
          %swap3A_973 = vector.shape_cast %mul3A_968 : vector<16xf32> to vector<1x16xf32>
          tpu.vector_store %arg11[%swap3A_969, %swap3A_970], %swap3A_973 {strides = array<i32>} : memref<128x128xf32, #tpu.memory_space<vmem>>, vector<1x16xf32>,
          %get3A_974 = arith.index_cast %add3A_960 : i32 to index
          %get3A_975 = arith.constant 16 : index
          %get3A_976 = tpu.vector_load %arg11[%get3A_974, %get3A_975] {strides = array<i32>} : memref<128x128xf32, #tpu.memory_space<vmem>>, vector<1x16xf32>,
          %get3A_977 = vector.shape_cast %get3A_976 : vector<1x16xf32> to vector<16xf32>
          %mul3A_978 = arith.mulf %get3A_977, %broadcast_in_dim3A_963 : vector<16xf32>
          %swap3A_979 = arith.index_cast %add3A_960 : i32 to index
          %swap3A_980 = arith.constant 16 : index
          %swap3A_981 = tpu.vector_load %arg11[%swap3A_979, %swap3A_980] {strides = array<i32>} : memref<128x128xf32, #tpu.memory_space<vmem>>, vector<1x16xf32>,
          %swap3A_982 = vector.shape_cast %swap3A_981 : vector<1x16xf32> to vector<16xf32>
          %swap3A_983 = vector.shape_cast %mul3A_978 : vector<16xf32> to vector<1x16xf32>
          tpu.vector_store %arg11[%swap3A_979, %swap3A_980], %swap3A_983 {strides = array<i32>} : memref<128x128xf32, #tpu.memory_space<vmem>>, vector<1x16xf32>,
          %get3A_984 = arith.index_cast %add3A_960 : i32 to index
          %get3A_985 = arith.constant 32 : index
          %get3A_986 = tpu.vector_load %arg11[%get3A_984, %get3A_985] {strides = array<i32>} : memref<128x128xf32, #tpu.memory_space<vmem>>, vector<1x16xf32>,
          %get3A_987 = vector.shape_cast %get3A_986 : vector<1x16xf32> to vector<16xf32>
          %mul3A_988 = arith.mulf %get3A_987, %broadcast_in_dim3A_963 : vector<16xf32>
          %swap3A_989 = arith.index_cast %add3A_960 : i32 to index
          %swap3A_990 = arith.constant 32 : index
          %swap3A_991 = tpu.vector_load %arg11[%swap3A_989, %swap3A_990] {strides = array<i32>} : memref<128x128xf32, #tpu.memory_space<vmem>>, vector<1x16xf32>,
          %swap3A_992 = vector.shape_cast %swap3A_991 : vector<1x16xf32> to vector<16xf32>
          %swap3A_993 = vector.shape_cast %mul3A_988 : vector<16xf32> to vector<1x16xf32>
          tpu.vector_store %arg11[%swap3A_989, %swap3A_990], %swap3A_993 {strides = array<i32>} : memref<128x128xf32, #tpu.memory_space<vmem>>, vector<1x16xf32>,
          %get3A_994 = arith.index_cast %add3A_960 : i32 to index
          %get3A_995 = arith.constant 48 : index
          %get3A_996 = tpu.vector_load %arg11[%get3A_994, %get3A_995] {strides = array<i32>} : memref<128x128xf32, #tpu.memory_space<vmem>>, vector<1x16xf32>,
          %get3A_997 = vector.shape_cast %get3A_996 : vector<1x16xf32> to vector<16xf32>
          %mul3A_998 = arith.mulf %get3A_997, %broadcast_in_dim3A_963 : vector<16xf32>
          %swap3A_999 = arith.index_cast %add3A_960 : i32 to index
          %swap3A_1000 = arith.constant 48 : index
          %swap3A_1001 = tpu.vector_load %arg11[%swap3A_999, %swap3A_1000] {strides = array<i32>} : memref<128x128xf32, #tpu.memory_space<vmem>>, vector<1x16xf32>,
          %swap3A_1002 = vector.shape_cast %swap3A_1001 : vector<1x16xf32> to vector<16xf32>
          %swap3A_1003 = vector.shape_cast %mul3A_998 : vector<16xf32> to vector<1x16xf32>
          tpu.vector_store %arg11[%swap3A_999, %swap3A_1000], %swap3A_1003 {strides = array<i32>} : memref<128x128xf32, #tpu.memory_space<vmem>>, vector<1x16xf32>,
          %get3A_1004 = arith.index_cast %add3A_960 : i32 to index
          %get3A_1005 = arith.constant 64 : index
          %get3A_1006 = tpu.vector_load %arg11[%get3A_1004, %get3A_1005] {strides = array<i32>} : memref<128x128xf32, #tpu.memory_space<vmem>>, vector<1x16xf32>,
          %get3A_1007 = vector.shape_cast %get3A_1006 : vector<1x16xf32> to vector<16xf32>
          %mul3A_1008 = arith.mulf %get3A_1007, %broadcast_in_dim3A_963 : vector<16xf32>
          %swap3A_1009 = arith.index_cast %add3A_960 : i32 to index
          %swap3A_1010 = arith.constant 64 : index
          %swap3A_1011 = tpu.vector_load %arg11[%swap3A_1009, %swap3A_1010] {strides = array<i32>} : memref<128x128xf32, #tpu.memory_space<vmem>>, vector<1x16xf32>,
          %swap3A_1012 = vector.shape_cast %swap3A_1011 : vector<1x16xf32> to vector<16xf32>
          %swap3A_1013 = vector.shape_cast %mul3A_1008 : vector<16xf32> to vector<1x16xf32>
          tpu.vector_store %arg11[%swap3A_1009, %swap3A_1010], %swap3A_1013 {strides = array<i32>} : memref<128x128xf32, #tpu.memory_space<vmem>>, vector<1x16xf32>,
          %get3A_1014 = arith.index_cast %add3A_960 : i32 to index
          %get3A_1015 = arith.constant 80 : index
          %get3A_1016 = tpu.vector_load %arg11[%get3A_1014, %get3A_1015] {strides = array<i32>} : memref<128x128xf32, #tpu.memory_space<vmem>>, vector<1x16xf32>,
          %get3A_1017 = vector.shape_cast %get3A_1016 : vector<1x16xf32> to vector<16xf32>
          %mul3A_1018 = arith.mulf %get3A_1017, %broadcast_in_dim3A_963 : vector<16xf32>
          %swap3A_1019 = arith.index_cast %add3A_960 : i32 to index
          %swap3A_1020 = arith.constant 80 : index
          %swap3A_1021 = tpu.vector_load %arg11[%swap3A_1019, %swap3A_1020] {strides = array<i32>} : memref<128x128xf32, #tpu.memory_space<vmem>>, vector<1x16xf32>,
          %swap3A_1022 = vector.shape_cast %swap3A_1021 : vector<1x16xf32> to vector<16xf32>
          %swap3A_1023 = vector.shape_cast %mul3A_1018 : vector<16xf32> to vector<1x16xf32>
          tpu.vector_store %arg11[%swap3A_1019, %swap3A_1020], %swap3A_1023 {strides = array<i32>} : memref<128x128xf32, #tpu.memory_space<vmem>>, vector<1x16xf32>,
          %get3A_1024 = arith.index_cast %add3A_960 : i32 to index
          %get3A_1025 = arith.constant 96 : index
          %get3A_1026 = tpu.vector_load %arg11[%get3A_1024, %get3A_1025] {strides = array<i32>} : memref<128x128xf32, #tpu.memory_space<vmem>>, vector<1x16xf32>,
          %get3A_1027 = vector.shape_cast %get3A_1026 : vector<1x16xf32> to vector<16xf32>
          %mul3A_1028 = arith.mulf %get3A_1027, %broadcast_in_dim3A_963 : vector<16xf32>
          %swap3A_1029 = arith.index_cast %add3A_960 : i32 to index
          %swap3A_1030 = arith.constant 96 : index
          %swap3A_1031 = tpu.vector_load %arg11[%swap3A_1029, %swap3A_1030] {strides = array<i32>} : memref<128x128xf32, #tpu.memory_space<vmem>>, vector<1x16xf32>,
          %swap3A_1032 = vector.shape_cast %swap3A_1031 : vector<1x16xf32> to vector<16xf32>
          %swap3A_1033 = vector.shape_cast %mul3A_1028 : vector<16xf32> to vector<1x16xf32>
          tpu.vector_store %arg11[%swap3A_1029, %swap3A_1030], %swap3A_1033 {strides = array<i32>} : memref<128x128xf32, #tpu.memory_space<vmem>>, vector<1x16xf32>,
          %get3A_1034 = arith.index_cast %add3A_960 : i32 to index
          %get3A_1035 = arith.constant 112 : index
          %get3A_1036 = tpu.vector_load %arg11[%get3A_1034, %get3A_1035] {strides = array<i32>} : memref<128x128xf32, #tpu.memory_space<vmem>>, vector<1x16xf32>,
          %get3A_1037 = vector.shape_cast %get3A_1036 : vector<1x16xf32> to vector<16xf32>
          %mul3A_1038 = arith.mulf %get3A_1037, %broadcast_in_dim3A_963 : vector<16xf32>
          %swap3A_1039 = arith.index_cast %add3A_960 : i32 to index
          %swap3A_1040 = arith.constant 112 : index
          %swap3A_1041 = tpu.vector_load %arg11[%swap3A_1039, %swap3A_1040] {strides = array<i32>} : memref<128x128xf32, #tpu.memory_space<vmem>>, vector<1x16xf32>,
          %swap3A_1042 = vector.shape_cast %swap3A_1041 : vector<1x16xf32> to vector<16xf32>
          %swap3A_1043 = vector.shape_cast %mul3A_1038 : vector<16xf32> to vector<1x16xf32>
          tpu.vector_store %arg11[%swap3A_1039, %swap3A_1040], %swap3A_1043 {strides = array<i32>} : memref<128x128xf32, #tpu.memory_space<vmem>>, vector<1x16xf32>,
          %mul3A_1044 = arith.constant 16 : i32
          %mul3A_1045 = arith.muli %scan3A_84, %mul3A_1044 : i32
          %add3A_1046 = arith.constant 11 : i32
          %add3A_1047 = arith.addi %mul3A_1045, %add3A_1046 : i32
          %slice3A_1048 = vector.extract_strided_slice %get3A_90 {offsets = [11], sizes = [1], strides = [1]} : vector<16xf32> to vector<1xf32>
          %squeeze3A_1049 = vector.extract %slice3A_1048[0] : f32 from vector<1xf32>
          %broadcast_in_dim3A_1050 = vector.broadcast %squeeze3A_1049 : f32 to vector<16xf32>
          %get3A_1051 = arith.index_cast %add3A_1047 : i32 to index
          %get3A_1052 = arith.constant 0 : index
          %get3A_1053 = tpu.vector_load %arg11[%get3A_1051, %get3A_1052] {strides = array<i32>} : memref<128x128xf32, #tpu.memory_space<vmem>>, vector<1x16xf32>,
          %get3A_1054 = vector.shape_cast %get3A_1053 : vector<1x16xf32> to vector<16xf32>
          %mul3A_1055 = arith.mulf %get3A_1054, %broadcast_in_dim3A_1050 : vector<16xf32>
          %swap3A_1056 = arith.index_cast %add3A_1047 : i32 to index
          %swap3A_1057 = arith.constant 0 : index
          %swap3A_1058 = tpu.vector_load %arg11[%swap3A_1056, %swap3A_1057] {strides = array<i32>} : memref<128x128xf32, #tpu.memory_space<vmem>>, vector<1x16xf32>,
          %swap3A_1059 = vector.shape_cast %swap3A_1058 : vector<1x16xf32> to vector<16xf32>
          %swap3A_1060 = vector.shape_cast %mul3A_1055 : vector<16xf32> to vector<1x16xf32>
          tpu.vector_store %arg11[%swap3A_1056, %swap3A_1057], %swap3A_1060 {strides = array<i32>} : memref<128x128xf32, #tpu.memory_space<vmem>>, vector<1x16xf32>,
          %get3A_1061 = arith.index_cast %add3A_1047 : i32 to index
          %get3A_1062 = arith.constant 16 : index
          %get3A_1063 = tpu.vector_load %arg11[%get3A_1061, %get3A_1062] {strides = array<i32>} : memref<128x128xf32, #tpu.memory_space<vmem>>, vector<1x16xf32>,
          %get3A_1064 = vector.shape_cast %get3A_1063 : vector<1x16xf32> to vector<16xf32>
          %mul3A_1065 = arith.mulf %get3A_1064, %broadcast_in_dim3A_1050 : vector<16xf32>
          %swap3A_1066 = arith.index_cast %add3A_1047 : i32 to index
          %swap3A_1067 = arith.constant 16 : index
          %swap3A_1068 = tpu.vector_load %arg11[%swap3A_1066, %swap3A_1067] {strides = array<i32>} : memref<128x128xf32, #tpu.memory_space<vmem>>, vector<1x16xf32>,
          %swap3A_1069 = vector.shape_cast %swap3A_1068 : vector<1x16xf32> to vector<16xf32>
          %swap3A_1070 = vector.shape_cast %mul3A_1065 : vector<16xf32> to vector<1x16xf32>
          tpu.vector_store %arg11[%swap3A_1066, %swap3A_1067], %swap3A_1070 {strides = array<i32>} : memref<128x128xf32, #tpu.memory_space<vmem>>, vector<1x16xf32>,
          %get3A_1071 = arith.index_cast %add3A_1047 : i32 to index
          %get3A_1072 = arith.constant 32 : index
          %get3A_1073 = tpu.vector_load %arg11[%get3A_1071, %get3A_1072] {strides = array<i32>} : memref<128x128xf32, #tpu.memory_space<vmem>>, vector<1x16xf32>,
          %get3A_1074 = vector.shape_cast %get3A_1073 : vector<1x16xf32> to vector<16xf32>
          %mul3A_1075 = arith.mulf %get3A_1074, %broadcast_in_dim3A_1050 : vector<16xf32>
          %swap3A_1076 = arith.index_cast %add3A_1047 : i32 to index
          %swap3A_1077 = arith.constant 32 : index
          %swap3A_1078 = tpu.vector_load %arg11[%swap3A_1076, %swap3A_1077] {strides = array<i32>} : memref<128x128xf32, #tpu.memory_space<vmem>>, vector<1x16xf32>,
          %swap3A_1079 = vector.shape_cast %swap3A_1078 : vector<1x16xf32> to vector<16xf32>
          %swap3A_1080 = vector.shape_cast %mul3A_1075 : vector<16xf32> to vector<1x16xf32>
          tpu.vector_store %arg11[%swap3A_1076, %swap3A_1077], %swap3A_1080 {strides = array<i32>} : memref<128x128xf32, #tpu.memory_space<vmem>>, vector<1x16xf32>,
          %get3A_1081 = arith.index_cast %add3A_1047 : i32 to index
          %get3A_1082 = arith.constant 48 : index
          %get3A_1083 = tpu.vector_load %arg11[%get3A_1081, %get3A_1082] {strides = array<i32>} : memref<128x128xf32, #tpu.memory_space<vmem>>, vector<1x16xf32>,
          %get3A_1084 = vector.shape_cast %get3A_1083 : vector<1x16xf32> to vector<16xf32>
          %mul3A_1085 = arith.mulf %get3A_1084, %broadcast_in_dim3A_1050 : vector<16xf32>
          %swap3A_1086 = arith.index_cast %add3A_1047 : i32 to index
          %swap3A_1087 = arith.constant 48 : index
          %swap3A_1088 = tpu.vector_load %arg11[%swap3A_1086, %swap3A_1087] {strides = array<i32>} : memref<128x128xf32, #tpu.memory_space<vmem>>, vector<1x16xf32>,
          %swap3A_1089 = vector.shape_cast %swap3A_1088 : vector<1x16xf32> to vector<16xf32>
          %swap3A_1090 = vector.shape_cast %mul3A_1085 : vector<16xf32> to vector<1x16xf32>
          tpu.vector_store %arg11[%swap3A_1086, %swap3A_1087], %swap3A_1090 {strides = array<i32>} : memref<128x128xf32, #tpu.memory_space<vmem>>, vector<1x16xf32>,
          %get3A_1091 = arith.index_cast %add3A_1047 : i32 to index
          %get3A_1092 = arith.constant 64 : index
          %get3A_1093 = tpu.vector_load %arg11[%get3A_1091, %get3A_1092] {strides = array<i32>} : memref<128x128xf32, #tpu.memory_space<vmem>>, vector<1x16xf32>,
          %get3A_1094 = vector.shape_cast %get3A_1093 : vector<1x16xf32> to vector<16xf32>
          %mul3A_1095 = arith.mulf %get3A_1094, %broadcast_in_dim3A_1050 : vector<16xf32>
          %swap3A_1096 = arith.index_cast %add3A_1047 : i32 to index
          %swap3A_1097 = arith.constant 64 : index
          %swap3A_1098 = tpu.vector_load %arg11[%swap3A_1096, %swap3A_1097] {strides = array<i32>} : memref<128x128xf32, #tpu.memory_space<vmem>>, vector<1x16xf32>,
          %swap3A_1099 = vector.shape_cast %swap3A_1098 : vector<1x16xf32> to vector<16xf32>
          %swap3A_1100 = vector.shape_cast %mul3A_1095 : vector<16xf32> to vector<1x16xf32>
          tpu.vector_store %arg11[%swap3A_1096, %swap3A_1097], %swap3A_1100 {strides = array<i32>} : memref<128x128xf32, #tpu.memory_space<vmem>>, vector<1x16xf32>,
          %get3A_1101 = arith.index_cast %add3A_1047 : i32 to index
          %get3A_1102 = arith.constant 80 : index
          %get3A_1103 = tpu.vector_load %arg11[%get3A_1101, %get3A_1102] {strides = array<i32>} : memref<128x128xf32, #tpu.memory_space<vmem>>, vector<1x16xf32>,
          %get3A_1104 = vector.shape_cast %get3A_1103 : vector<1x16xf32> to vector<16xf32>
          %mul3A_1105 = arith.mulf %get3A_1104, %broadcast_in_dim3A_1050 : vector<16xf32>
          %swap3A_1106 = arith.index_cast %add3A_1047 : i32 to index
          %swap3A_1107 = arith.constant 80 : index
          %swap3A_1108 = tpu.vector_load %arg11[%swap3A_1106, %swap3A_1107] {strides = array<i32>} : memref<128x128xf32, #tpu.memory_space<vmem>>, vector<1x16xf32>,
          %swap3A_1109 = vector.shape_cast %swap3A_1108 : vector<1x16xf32> to vector<16xf32>
          %swap3A_1110 = vector.shape_cast %mul3A_1105 : vector<16xf32> to vector<1x16xf32>
          tpu.vector_store %arg11[%swap3A_1106, %swap3A_1107], %swap3A_1110 {strides = array<i32>} : memref<128x128xf32, #tpu.memory_space<vmem>>, vector<1x16xf32>,
          %get3A_1111 = arith.index_cast %add3A_1047 : i32 to index
          %get3A_1112 = arith.constant 96 : index
          %get3A_1113 = tpu.vector_load %arg11[%get3A_1111, %get3A_1112] {strides = array<i32>} : memref<128x128xf32, #tpu.memory_space<vmem>>, vector<1x16xf32>,
          %get3A_1114 = vector.shape_cast %get3A_1113 : vector<1x16xf32> to vector<16xf32>
          %mul3A_1115 = arith.mulf %get3A_1114, %broadcast_in_dim3A_1050 : vector<16xf32>
          %swap3A_1116 = arith.index_cast %add3A_1047 : i32 to index
          %swap3A_1117 = arith.constant 96 : index
          %swap3A_1118 = tpu.vector_load %arg11[%swap3A_1116, %swap3A_1117] {strides = array<i32>} : memref<128x128xf32, #tpu.memory_space<vmem>>, vector<1x16xf32>,
          %swap3A_1119 = vector.shape_cast %swap3A_1118 : vector<1x16xf32> to vector<16xf32>
          %swap3A_1120 = vector.shape_cast %mul3A_1115 : vector<16xf32> to vector<1x16xf32>
          tpu.vector_store %arg11[%swap3A_1116, %swap3A_1117], %swap3A_1120 {strides = array<i32>} : memref<128x128xf32, #tpu.memory_space<vmem>>, vector<1x16xf32>,
          %get3A_1121 = arith.index_cast %add3A_1047 : i32 to index
          %get3A_1122 = arith.constant 112 : index
          %get3A_1123 = tpu.vector_load %arg11[%get3A_1121, %get3A_1122] {strides = array<i32>} : memref<128x128xf32, #tpu.memory_space<vmem>>, vector<1x16xf32>,
          %get3A_1124 = vector.shape_cast %get3A_1123 : vector<1x16xf32> to vector<16xf32>
          %mul3A_1125 = arith.mulf %get3A_1124, %broadcast_in_dim3A_1050 : vector<16xf32>
          %swap3A_1126 = arith.index_cast %add3A_1047 : i32 to index
          %swap3A_1127 = arith.constant 112 : index
          %swap3A_1128 = tpu.vector_load %arg11[%swap3A_1126, %swap3A_1127] {strides = array<i32>} : memref<128x128xf32, #tpu.memory_space<vmem>>, vector<1x16xf32>,
          %swap3A_1129 = vector.shape_cast %swap3A_1128 : vector<1x16xf32> to vector<16xf32>
          %swap3A_1130 = vector.shape_cast %mul3A_1125 : vector<16xf32> to vector<1x16xf32>
          tpu.vector_store %arg11[%swap3A_1126, %swap3A_1127], %swap3A_1130 {strides = array<i32>} : memref<128x128xf32, #tpu.memory_space<vmem>>, vector<1x16xf32>,
          %mul3A_1131 = arith.constant 16 : i32
          %mul3A_1132 = arith.muli %scan3A_84, %mul3A_1131 : i32
          %add3A_1133 = arith.constant 12 : i32
          %add3A_1134 = arith.addi %mul3A_1132, %add3A_1133 : i32
          %slice3A_1135 = vector.extract_strided_slice %get3A_90 {offsets = [12], sizes = [1], strides = [1]} : vector<16xf32> to vector<1xf32>
          %squeeze3A_1136 = vector.extract %slice3A_1135[0] : f32 from vector<1xf32>
          %broadcast_in_dim3A_1137 = vector.broadcast %squeeze3A_1136 : f32 to vector<16xf32>
          %get3A_1138 = arith.index_cast %add3A_1134 : i32 to index
          %get3A_1139 = arith.constant 0 : index
          %get3A_1140 = tpu.vector_load %arg11[%get3A_1138, %get3A_1139] {strides = array<i32>} : memref<128x128xf32, #tpu.memory_space<vmem>>, vector<1x16xf32>,
          %get3A_1141 = vector.shape_cast %get3A_1140 : vector<1x16xf32> to vector<16xf32>
          %mul3A_1142 = arith.mulf %get3A_1141, %broadcast_in_dim3A_1137 : vector<16xf32>
          %swap3A_1143 = arith.index_cast %add3A_1134 : i32 to index
          %swap3A_1144 = arith.constant 0 : index
          %swap3A_1145 = tpu.vector_load %arg11[%swap3A_1143, %swap3A_1144] {strides = array<i32>} : memref<128x128xf32, #tpu.memory_space<vmem>>, vector<1x16xf32>,
          %swap3A_1146 = vector.shape_cast %swap3A_1145 : vector<1x16xf32> to vector<16xf32>
          %swap3A_1147 = vector.shape_cast %mul3A_1142 : vector<16xf32> to vector<1x16xf32>
          tpu.vector_store %arg11[%swap3A_1143, %swap3A_1144], %swap3A_1147 {strides = array<i32>} : memref<128x128xf32, #tpu.memory_space<vmem>>, vector<1x16xf32>,
          %get3A_1148 = arith.index_cast %add3A_1134 : i32 to index
          %get3A_1149 = arith.constant 16 : index
          %get3A_1150 = tpu.vector_load %arg11[%get3A_1148, %get3A_1149] {strides = array<i32>} : memref<128x128xf32, #tpu.memory_space<vmem>>, vector<1x16xf32>,
          %get3A_1151 = vector.shape_cast %get3A_1150 : vector<1x16xf32> to vector<16xf32>
          %mul3A_1152 = arith.mulf %get3A_1151, %broadcast_in_dim3A_1137 : vector<16xf32>
          %swap3A_1153 = arith.index_cast %add3A_1134 : i32 to index
          %swap3A_1154 = arith.constant 16 : index
          %swap3A_1155 = tpu.vector_load %arg11[%swap3A_1153, %swap3A_1154] {strides = array<i32>} : memref<128x128xf32, #tpu.memory_space<vmem>>, vector<1x16xf32>,
          %swap3A_1156 = vector.shape_cast %swap3A_1155 : vector<1x16xf32> to vector<16xf32>
          %swap3A_1157 = vector.shape_cast %mul3A_1152 : vector<16xf32> to vector<1x16xf32>
          tpu.vector_store %arg11[%swap3A_1153, %swap3A_1154], %swap3A_1157 {strides = array<i32>} : memref<128x128xf32, #tpu.memory_space<vmem>>, vector<1x16xf32>,
          %get3A_1158 = arith.index_cast %add3A_1134 : i32 to index
          %get3A_1159 = arith.constant 32 : index
          %get3A_1160 = tpu.vector_load %arg11[%get3A_1158, %get3A_1159] {strides = array<i32>} : memref<128x128xf32, #tpu.memory_space<vmem>>, vector<1x16xf32>,
          %get3A_1161 = vector.shape_cast %get3A_1160 : vector<1x16xf32> to vector<16xf32>
          %mul3A_1162 = arith.mulf %get3A_1161, %broadcast_in_dim3A_1137 : vector<16xf32>
          %swap3A_1163 = arith.index_cast %add3A_1134 : i32 to index
          %swap3A_1164 = arith.constant 32 : index
          %swap3A_1165 = tpu.vector_load %arg11[%swap3A_1163, %swap3A_1164] {strides = array<i32>} : memref<128x128xf32, #tpu.memory_space<vmem>>, vector<1x16xf32>,
          %swap3A_1166 = vector.shape_cast %swap3A_1165 : vector<1x16xf32> to vector<16xf32>
          %swap3A_1167 = vector.shape_cast %mul3A_1162 : vector<16xf32> to vector<1x16xf32>
          tpu.vector_store %arg11[%swap3A_1163, %swap3A_1164], %swap3A_1167 {strides = array<i32>} : memref<128x128xf32, #tpu.memory_space<vmem>>, vector<1x16xf32>,
          %get3A_1168 = arith.index_cast %add3A_1134 : i32 to index
          %get3A_1169 = arith.constant 48 : index
          %get3A_1170 = tpu.vector_load %arg11[%get3A_1168, %get3A_1169] {strides = array<i32>} : memref<128x128xf32, #tpu.memory_space<vmem>>, vector<1x16xf32>,
          %get3A_1171 = vector.shape_cast %get3A_1170 : vector<1x16xf32> to vector<16xf32>
          %mul3A_1172 = arith.mulf %get3A_1171, %broadcast_in_dim3A_1137 : vector<16xf32>
          %swap3A_1173 = arith.index_cast %add3A_1134 : i32 to index
          %swap3A_1174 = arith.constant 48 : index
          %swap3A_1175 = tpu.vector_load %arg11[%swap3A_1173, %swap3A_1174] {strides = array<i32>} : memref<128x128xf32, #tpu.memory_space<vmem>>, vector<1x16xf32>,
          %swap3A_1176 = vector.shape_cast %swap3A_1175 : vector<1x16xf32> to vector<16xf32>
          %swap3A_1177 = vector.shape_cast %mul3A_1172 : vector<16xf32> to vector<1x16xf32>
          tpu.vector_store %arg11[%swap3A_1173, %swap3A_1174], %swap3A_1177 {strides = array<i32>} : memref<128x128xf32, #tpu.memory_space<vmem>>, vector<1x16xf32>,
          %get3A_1178 = arith.index_cast %add3A_1134 : i32 to index
          %get3A_1179 = arith.constant 64 : index
          %get3A_1180 = tpu.vector_load %arg11[%get3A_1178, %get3A_1179] {strides = array<i32>} : memref<128x128xf32, #tpu.memory_space<vmem>>, vector<1x16xf32>,
          %get3A_1181 = vector.shape_cast %get3A_1180 : vector<1x16xf32> to vector<16xf32>
          %mul3A_1182 = arith.mulf %get3A_1181, %broadcast_in_dim3A_1137 : vector<16xf32>
          %swap3A_1183 = arith.index_cast %add3A_1134 : i32 to index
          %swap3A_1184 = arith.constant 64 : index
          %swap3A_1185 = tpu.vector_load %arg11[%swap3A_1183, %swap3A_1184] {strides = array<i32>} : memref<128x128xf32, #tpu.memory_space<vmem>>, vector<1x16xf32>,
          %swap3A_1186 = vector.shape_cast %swap3A_1185 : vector<1x16xf32> to vector<16xf32>
          %swap3A_1187 = vector.shape_cast %mul3A_1182 : vector<16xf32> to vector<1x16xf32>
          tpu.vector_store %arg11[%swap3A_1183, %swap3A_1184], %swap3A_1187 {strides = array<i32>} : memref<128x128xf32, #tpu.memory_space<vmem>>, vector<1x16xf32>,
          %get3A_1188 = arith.index_cast %add3A_1134 : i32 to index
          %get3A_1189 = arith.constant 80 : index
          %get3A_1190 = tpu.vector_load %arg11[%get3A_1188, %get3A_1189] {strides = array<i32>} : memref<128x128xf32, #tpu.memory_space<vmem>>, vector<1x16xf32>,
          %get3A_1191 = vector.shape_cast %get3A_1190 : vector<1x16xf32> to vector<16xf32>
          %mul3A_1192 = arith.mulf %get3A_1191, %broadcast_in_dim3A_1137 : vector<16xf32>
          %swap3A_1193 = arith.index_cast %add3A_1134 : i32 to index
          %swap3A_1194 = arith.constant 80 : index
          %swap3A_1195 = tpu.vector_load %arg11[%swap3A_1193, %swap3A_1194] {strides = array<i32>} : memref<128x128xf32, #tpu.memory_space<vmem>>, vector<1x16xf32>,
          %swap3A_1196 = vector.shape_cast %swap3A_1195 : vector<1x16xf32> to vector<16xf32>
          %swap3A_1197 = vector.shape_cast %mul3A_1192 : vector<16xf32> to vector<1x16xf32>
          tpu.vector_store %arg11[%swap3A_1193, %swap3A_1194], %swap3A_1197 {strides = array<i32>} : memref<128x128xf32, #tpu.memory_space<vmem>>, vector<1x16xf32>,
          %get3A_1198 = arith.index_cast %add3A_1134 : i32 to index
          %get3A_1199 = arith.constant 96 : index
          %get3A_1200 = tpu.vector_load %arg11[%get3A_1198, %get3A_1199] {strides = array<i32>} : memref<128x128xf32, #tpu.memory_space<vmem>>, vector<1x16xf32>,
          %get3A_1201 = vector.shape_cast %get3A_1200 : vector<1x16xf32> to vector<16xf32>
          %mul3A_1202 = arith.mulf %get3A_1201, %broadcast_in_dim3A_1137 : vector<16xf32>
          %swap3A_1203 = arith.index_cast %add3A_1134 : i32 to index
          %swap3A_1204 = arith.constant 96 : index
          %swap3A_1205 = tpu.vector_load %arg11[%swap3A_1203, %swap3A_1204] {strides = array<i32>} : memref<128x128xf32, #tpu.memory_space<vmem>>, vector<1x16xf32>,
          %swap3A_1206 = vector.shape_cast %swap3A_1205 : vector<1x16xf32> to vector<16xf32>
          %swap3A_1207 = vector.shape_cast %mul3A_1202 : vector<16xf32> to vector<1x16xf32>
          tpu.vector_store %arg11[%swap3A_1203, %swap3A_1204], %swap3A_1207 {strides = array<i32>} : memref<128x128xf32, #tpu.memory_space<vmem>>, vector<1x16xf32>,
          %get3A_1208 = arith.index_cast %add3A_1134 : i32 to index
          %get3A_1209 = arith.constant 112 : index
          %get3A_1210 = tpu.vector_load %arg11[%get3A_1208, %get3A_1209] {strides = array<i32>} : memref<128x128xf32, #tpu.memory_space<vmem>>, vector<1x16xf32>,
          %get3A_1211 = vector.shape_cast %get3A_1210 : vector<1x16xf32> to vector<16xf32>
          %mul3A_1212 = arith.mulf %get3A_1211, %broadcast_in_dim3A_1137 : vector<16xf32>
          %swap3A_1213 = arith.index_cast %add3A_1134 : i32 to index
          %swap3A_1214 = arith.constant 112 : index
          %swap3A_1215 = tpu.vector_load %arg11[%swap3A_1213, %swap3A_1214] {strides = array<i32>} : memref<128x128xf32, #tpu.memory_space<vmem>>, vector<1x16xf32>,
          %swap3A_1216 = vector.shape_cast %swap3A_1215 : vector<1x16xf32> to vector<16xf32>
          %swap3A_1217 = vector.shape_cast %mul3A_1212 : vector<16xf32> to vector<1x16xf32>
          tpu.vector_store %arg11[%swap3A_1213, %swap3A_1214], %swap3A_1217 {strides = array<i32>} : memref<128x128xf32, #tpu.memory_space<vmem>>, vector<1x16xf32>,
          %mul3A_1218 = arith.constant 16 : i32
          %mul3A_1219 = arith.muli %scan3A_84, %mul3A_1218 : i32
          %add3A_1220 = arith.constant 13 : i32
          %add3A_1221 = arith.addi %mul3A_1219, %add3A_1220 : i32
          %slice3A_1222 = vector.extract_strided_slice %get3A_90 {offsets = [13], sizes = [1], strides = [1]} : vector<16xf32> to vector<1xf32>
          %squeeze3A_1223 = vector.extract %slice3A_1222[0] : f32 from vector<1xf32>
          %broadcast_in_dim3A_1224 = vector.broadcast %squeeze3A_1223 : f32 to vector<16xf32>
          %get3A_1225 = arith.index_cast %add3A_1221 : i32 to index
          %get3A_1226 = arith.constant 0 : index
          %get3A_1227 = tpu.vector_load %arg11[%get3A_1225, %get3A_1226] {strides = array<i32>} : memref<128x128xf32, #tpu.memory_space<vmem>>, vector<1x16xf32>,
          %get3A_1228 = vector.shape_cast %get3A_1227 : vector<1x16xf32> to vector<16xf32>
          %mul3A_1229 = arith.mulf %get3A_1228, %broadcast_in_dim3A_1224 : vector<16xf32>
          %swap3A_1230 = arith.index_cast %add3A_1221 : i32 to index
          %swap3A_1231 = arith.constant 0 : index
          %swap3A_1232 = tpu.vector_load %arg11[%swap3A_1230, %swap3A_1231] {strides = array<i32>} : memref<128x128xf32, #tpu.memory_space<vmem>>, vector<1x16xf32>,
          %swap3A_1233 = vector.shape_cast %swap3A_1232 : vector<1x16xf32> to vector<16xf32>
          %swap3A_1234 = vector.shape_cast %mul3A_1229 : vector<16xf32> to vector<1x16xf32>
          tpu.vector_store %arg11[%swap3A_1230, %swap3A_1231], %swap3A_1234 {strides = array<i32>} : memref<128x128xf32, #tpu.memory_space<vmem>>, vector<1x16xf32>,
          %get3A_1235 = arith.index_cast %add3A_1221 : i32 to index
          %get3A_1236 = arith.constant 16 : index
          %get3A_1237 = tpu.vector_load %arg11[%get3A_1235, %get3A_1236] {strides = array<i32>} : memref<128x128xf32, #tpu.memory_space<vmem>>, vector<1x16xf32>,
          %get3A_1238 = vector.shape_cast %get3A_1237 : vector<1x16xf32> to vector<16xf32>
          %mul3A_1239 = arith.mulf %get3A_1238, %broadcast_in_dim3A_1224 : vector<16xf32>
          %swap3A_1240 = arith.index_cast %add3A_1221 : i32 to index
          %swap3A_1241 = arith.constant 16 : index
          %swap3A_1242 = tpu.vector_load %arg11[%swap3A_1240, %swap3A_1241] {strides = array<i32>} : memref<128x128xf32, #tpu.memory_space<vmem>>, vector<1x16xf32>,
          %swap3A_1243 = vector.shape_cast %swap3A_1242 : vector<1x16xf32> to vector<16xf32>
          %swap3A_1244 = vector.shape_cast %mul3A_1239 : vector<16xf32> to vector<1x16xf32>
          tpu.vector_store %arg11[%swap3A_1240, %swap3A_1241], %swap3A_1244 {strides = array<i32>} : memref<128x128xf32, #tpu.memory_space<vmem>>, vector<1x16xf32>,
          %get3A_1245 = arith.index_cast %add3A_1221 : i32 to index
          %get3A_1246 = arith.constant 32 : index
          %get3A_1247 = tpu.vector_load %arg11[%get3A_1245, %get3A_1246] {strides = array<i32>} : memref<128x128xf32, #tpu.memory_space<vmem>>, vector<1x16xf32>,
          %get3A_1248 = vector.shape_cast %get3A_1247 : vector<1x16xf32> to vector<16xf32>
          %mul3A_1249 = arith.mulf %get3A_1248, %broadcast_in_dim3A_1224 : vector<16xf32>
          %swap3A_1250 = arith.index_cast %add3A_1221 : i32 to index
          %swap3A_1251 = arith.constant 32 : index
          %swap3A_1252 = tpu.vector_load %arg11[%swap3A_1250, %swap3A_1251] {strides = array<i32>} : memref<128x128xf32, #tpu.memory_space<vmem>>, vector<1x16xf32>,
          %swap3A_1253 = vector.shape_cast %swap3A_1252 : vector<1x16xf32> to vector<16xf32>
          %swap3A_1254 = vector.shape_cast %mul3A_1249 : vector<16xf32> to vector<1x16xf32>
          tpu.vector_store %arg11[%swap3A_1250, %swap3A_1251], %swap3A_1254 {strides = array<i32>} : memref<128x128xf32, #tpu.memory_space<vmem>>, vector<1x16xf32>,
          %get3A_1255 = arith.index_cast %add3A_1221 : i32 to index
          %get3A_1256 = arith.constant 48 : index
          %get3A_1257 = tpu.vector_load %arg11[%get3A_1255, %get3A_1256] {strides = array<i32>} : memref<128x128xf32, #tpu.memory_space<vmem>>, vector<1x16xf32>,
          %get3A_1258 = vector.shape_cast %get3A_1257 : vector<1x16xf32> to vector<16xf32>
          %mul3A_1259 = arith.mulf %get3A_1258, %broadcast_in_dim3A_1224 : vector<16xf32>
          %swap3A_1260 = arith.index_cast %add3A_1221 : i32 to index
          %swap3A_1261 = arith.constant 48 : index
          %swap3A_1262 = tpu.vector_load %arg11[%swap3A_1260, %swap3A_1261] {strides = array<i32>} : memref<128x128xf32, #tpu.memory_space<vmem>>, vector<1x16xf32>,
          %swap3A_1263 = vector.shape_cast %swap3A_1262 : vector<1x16xf32> to vector<16xf32>
          %swap3A_1264 = vector.shape_cast %mul3A_1259 : vector<16xf32> to vector<1x16xf32>
          tpu.vector_store %arg11[%swap3A_1260, %swap3A_1261], %swap3A_1264 {strides = array<i32>} : memref<128x128xf32, #tpu.memory_space<vmem>>, vector<1x16xf32>,
          %get3A_1265 = arith.index_cast %add3A_1221 : i32 to index
          %get3A_1266 = arith.constant 64 : index
          %get3A_1267 = tpu.vector_load %arg11[%get3A_1265, %get3A_1266] {strides = array<i32>} : memref<128x128xf32, #tpu.memory_space<vmem>>, vector<1x16xf32>,
          %get3A_1268 = vector.shape_cast %get3A_1267 : vector<1x16xf32> to vector<16xf32>
          %mul3A_1269 = arith.mulf %get3A_1268, %broadcast_in_dim3A_1224 : vector<16xf32>
          %swap3A_1270 = arith.index_cast %add3A_1221 : i32 to index
          %swap3A_1271 = arith.constant 64 : index
          %swap3A_1272 = tpu.vector_load %arg11[%swap3A_1270, %swap3A_1271] {strides = array<i32>} : memref<128x128xf32, #tpu.memory_space<vmem>>, vector<1x16xf32>,
          %swap3A_1273 = vector.shape_cast %swap3A_1272 : vector<1x16xf32> to vector<16xf32>
          %swap3A_1274 = vector.shape_cast %mul3A_1269 : vector<16xf32> to vector<1x16xf32>
          tpu.vector_store %arg11[%swap3A_1270, %swap3A_1271], %swap3A_1274 {strides = array<i32>} : memref<128x128xf32, #tpu.memory_space<vmem>>, vector<1x16xf32>,
          %get3A_1275 = arith.index_cast %add3A_1221 : i32 to index
          %get3A_1276 = arith.constant 80 : index
          %get3A_1277 = tpu.vector_load %arg11[%get3A_1275, %get3A_1276] {strides = array<i32>} : memref<128x128xf32, #tpu.memory_space<vmem>>, vector<1x16xf32>,
          %get3A_1278 = vector.shape_cast %get3A_1277 : vector<1x16xf32> to vector<16xf32>
          %mul3A_1279 = arith.mulf %get3A_1278, %broadcast_in_dim3A_1224 : vector<16xf32>
          %swap3A_1280 = arith.index_cast %add3A_1221 : i32 to index
          %swap3A_1281 = arith.constant 80 : index
          %swap3A_1282 = tpu.vector_load %arg11[%swap3A_1280, %swap3A_1281] {strides = array<i32>} : memref<128x128xf32, #tpu.memory_space<vmem>>, vector<1x16xf32>,
          %swap3A_1283 = vector.shape_cast %swap3A_1282 : vector<1x16xf32> to vector<16xf32>
          %swap3A_1284 = vector.shape_cast %mul3A_1279 : vector<16xf32> to vector<1x16xf32>
          tpu.vector_store %arg11[%swap3A_1280, %swap3A_1281], %swap3A_1284 {strides = array<i32>} : memref<128x128xf32, #tpu.memory_space<vmem>>, vector<1x16xf32>,
          %get3A_1285 = arith.index_cast %add3A_1221 : i32 to index
          %get3A_1286 = arith.constant 96 : index
          %get3A_1287 = tpu.vector_load %arg11[%get3A_1285, %get3A_1286] {strides = array<i32>} : memref<128x128xf32, #tpu.memory_space<vmem>>, vector<1x16xf32>,
          %get3A_1288 = vector.shape_cast %get3A_1287 : vector<1x16xf32> to vector<16xf32>
          %mul3A_1289 = arith.mulf %get3A_1288, %broadcast_in_dim3A_1224 : vector<16xf32>
          %swap3A_1290 = arith.index_cast %add3A_1221 : i32 to index
          %swap3A_1291 = arith.constant 96 : index
          %swap3A_1292 = tpu.vector_load %arg11[%swap3A_1290, %swap3A_1291] {strides = array<i32>} : memref<128x128xf32, #tpu.memory_space<vmem>>, vector<1x16xf32>,
          %swap3A_1293 = vector.shape_cast %swap3A_1292 : vector<1x16xf32> to vector<16xf32>
          %swap3A_1294 = vector.shape_cast %mul3A_1289 : vector<16xf32> to vector<1x16xf32>
          tpu.vector_store %arg11[%swap3A_1290, %swap3A_1291], %swap3A_1294 {strides = array<i32>} : memref<128x128xf32, #tpu.memory_space<vmem>>, vector<1x16xf32>,
          %get3A_1295 = arith.index_cast %add3A_1221 : i32 to index
          %get3A_1296 = arith.constant 112 : index
          %get3A_1297 = tpu.vector_load %arg11[%get3A_1295, %get3A_1296] {strides = array<i32>} : memref<128x128xf32, #tpu.memory_space<vmem>>, vector<1x16xf32>,
          %get3A_1298 = vector.shape_cast %get3A_1297 : vector<1x16xf32> to vector<16xf32>
          %mul3A_1299 = arith.mulf %get3A_1298, %broadcast_in_dim3A_1224 : vector<16xf32>
          %swap3A_1300 = arith.index_cast %add3A_1221 : i32 to index
          %swap3A_1301 = arith.constant 112 : index
          %swap3A_1302 = tpu.vector_load %arg11[%swap3A_1300, %swap3A_1301] {strides = array<i32>} : memref<128x128xf32, #tpu.memory_space<vmem>>, vector<1x16xf32>,
          %swap3A_1303 = vector.shape_cast %swap3A_1302 : vector<1x16xf32> to vector<16xf32>
          %swap3A_1304 = vector.shape_cast %mul3A_1299 : vector<16xf32> to vector<1x16xf32>
          tpu.vector_store %arg11[%swap3A_1300, %swap3A_1301], %swap3A_1304 {strides = array<i32>} : memref<128x128xf32, #tpu.memory_space<vmem>>, vector<1x16xf32>,
          %mul3A_1305 = arith.constant 16 : i32
          %mul3A_1306 = arith.muli %scan3A_84, %mul3A_1305 : i32
          %add3A_1307 = arith.constant 14 : i32
          %add3A_1308 = arith.addi %mul3A_1306, %add3A_1307 : i32
          %slice3A_1309 = vector.extract_strided_slice %get3A_90 {offsets = [14], sizes = [1], strides = [1]} : vector<16xf32> to vector<1xf32>
          %squeeze3A_1310 = vector.extract %slice3A_1309[0] : f32 from vector<1xf32>
          %broadcast_in_dim3A_1311 = vector.broadcast %squeeze3A_1310 : f32 to vector<16xf32>
          %get3A_1312 = arith.index_cast %add3A_1308 : i32 to index
          %get3A_1313 = arith.constant 0 : index
          %get3A_1314 = tpu.vector_load %arg11[%get3A_1312, %get3A_1313] {strides = array<i32>} : memref<128x128xf32, #tpu.memory_space<vmem>>, vector<1x16xf32>,
          %get3A_1315 = vector.shape_cast %get3A_1314 : vector<1x16xf32> to vector<16xf32>
          %mul3A_1316 = arith.mulf %get3A_1315, %broadcast_in_dim3A_1311 : vector<16xf32>
          %swap3A_1317 = arith.index_cast %add3A_1308 : i32 to index
          %swap3A_1318 = arith.constant 0 : index
          %swap3A_1319 = tpu.vector_load %arg11[%swap3A_1317, %swap3A_1318] {strides = array<i32>} : memref<128x128xf32, #tpu.memory_space<vmem>>, vector<1x16xf32>,
          %swap3A_1320 = vector.shape_cast %swap3A_1319 : vector<1x16xf32> to vector<16xf32>
          %swap3A_1321 = vector.shape_cast %mul3A_1316 : vector<16xf32> to vector<1x16xf32>
          tpu.vector_store %arg11[%swap3A_1317, %swap3A_1318], %swap3A_1321 {strides = array<i32>} : memref<128x128xf32, #tpu.memory_space<vmem>>, vector<1x16xf32>,
          %get3A_1322 = arith.index_cast %add3A_1308 : i32 to index
          %get3A_1323 = arith.constant 16 : index
          %get3A_1324 = tpu.vector_load %arg11[%get3A_1322, %get3A_1323] {strides = array<i32>} : memref<128x128xf32, #tpu.memory_space<vmem>>, vector<1x16xf32>,
          %get3A_1325 = vector.shape_cast %get3A_1324 : vector<1x16xf32> to vector<16xf32>
          %mul3A_1326 = arith.mulf %get3A_1325, %broadcast_in_dim3A_1311 : vector<16xf32>
          %swap3A_1327 = arith.index_cast %add3A_1308 : i32 to index
          %swap3A_1328 = arith.constant 16 : index
          %swap3A_1329 = tpu.vector_load %arg11[%swap3A_1327, %swap3A_1328] {strides = array<i32>} : memref<128x128xf32, #tpu.memory_space<vmem>>, vector<1x16xf32>,
          %swap3A_1330 = vector.shape_cast %swap3A_1329 : vector<1x16xf32> to vector<16xf32>
          %swap3A_1331 = vector.shape_cast %mul3A_1326 : vector<16xf32> to vector<1x16xf32>
          tpu.vector_store %arg11[%swap3A_1327, %swap3A_1328], %swap3A_1331 {strides = array<i32>} : memref<128x128xf32, #tpu.memory_space<vmem>>, vector<1x16xf32>,
          %get3A_1332 = arith.index_cast %add3A_1308 : i32 to index
          %get3A_1333 = arith.constant 32 : index
          %get3A_1334 = tpu.vector_load %arg11[%get3A_1332, %get3A_1333] {strides = array<i32>} : memref<128x128xf32, #tpu.memory_space<vmem>>, vector<1x16xf32>,
          %get3A_1335 = vector.shape_cast %get3A_1334 : vector<1x16xf32> to vector<16xf32>
          %mul3A_1336 = arith.mulf %get3A_1335, %broadcast_in_dim3A_1311 : vector<16xf32>
          %swap3A_1337 = arith.index_cast %add3A_1308 : i32 to index
          %swap3A_1338 = arith.constant 32 : index
          %swap3A_1339 = tpu.vector_load %arg11[%swap3A_1337, %swap3A_1338] {strides = array<i32>} : memref<128x128xf32, #tpu.memory_space<vmem>>, vector<1x16xf32>,
          %swap3A_1340 = vector.shape_cast %swap3A_1339 : vector<1x16xf32> to vector<16xf32>
          %swap3A_1341 = vector.shape_cast %mul3A_1336 : vector<16xf32> to vector<1x16xf32>
          tpu.vector_store %arg11[%swap3A_1337, %swap3A_1338], %swap3A_1341 {strides = array<i32>} : memref<128x128xf32, #tpu.memory_space<vmem>>, vector<1x16xf32>,
          %get3A_1342 = arith.index_cast %add3A_1308 : i32 to index
          %get3A_1343 = arith.constant 48 : index
          %get3A_1344 = tpu.vector_load %arg11[%get3A_1342, %get3A_1343] {strides = array<i32>} : memref<128x128xf32, #tpu.memory_space<vmem>>, vector<1x16xf32>,
          %get3A_1345 = vector.shape_cast %get3A_1344 : vector<1x16xf32> to vector<16xf32>
          %mul3A_1346 = arith.mulf %get3A_1345, %broadcast_in_dim3A_1311 : vector<16xf32>
          %swap3A_1347 = arith.index_cast %add3A_1308 : i32 to index
          %swap3A_1348 = arith.constant 48 : index
          %swap3A_1349 = tpu.vector_load %arg11[%swap3A_1347, %swap3A_1348] {strides = array<i32>} : memref<128x128xf32, #tpu.memory_space<vmem>>, vector<1x16xf32>,
          %swap3A_1350 = vector.shape_cast %swap3A_1349 : vector<1x16xf32> to vector<16xf32>
          %swap3A_1351 = vector.shape_cast %mul3A_1346 : vector<16xf32> to vector<1x16xf32>
          tpu.vector_store %arg11[%swap3A_1347, %swap3A_1348], %swap3A_1351 {strides = array<i32>} : memref<128x128xf32, #tpu.memory_space<vmem>>, vector<1x16xf32>,
          %get3A_1352 = arith.index_cast %add3A_1308 : i32 to index
          %get3A_1353 = arith.constant 64 : index
          %get3A_1354 = tpu.vector_load %arg11[%get3A_1352, %get3A_1353] {strides = array<i32>} : memref<128x128xf32, #tpu.memory_space<vmem>>, vector<1x16xf32>,
          %get3A_1355 = vector.shape_cast %get3A_1354 : vector<1x16xf32> to vector<16xf32>
          %mul3A_1356 = arith.mulf %get3A_1355, %broadcast_in_dim3A_1311 : vector<16xf32>
          %swap3A_1357 = arith.index_cast %add3A_1308 : i32 to index
          %swap3A_1358 = arith.constant 64 : index
          %swap3A_1359 = tpu.vector_load %arg11[%swap3A_1357, %swap3A_1358] {strides = array<i32>} : memref<128x128xf32, #tpu.memory_space<vmem>>, vector<1x16xf32>,
          %swap3A_1360 = vector.shape_cast %swap3A_1359 : vector<1x16xf32> to vector<16xf32>
          %swap3A_1361 = vector.shape_cast %mul3A_1356 : vector<16xf32> to vector<1x16xf32>
          tpu.vector_store %arg11[%swap3A_1357, %swap3A_1358], %swap3A_1361 {strides = array<i32>} : memref<128x128xf32, #tpu.memory_space<vmem>>, vector<1x16xf32>,
          %get3A_1362 = arith.index_cast %add3A_1308 : i32 to index
          %get3A_1363 = arith.constant 80 : index
          %get3A_1364 = tpu.vector_load %arg11[%get3A_1362, %get3A_1363] {strides = array<i32>} : memref<128x128xf32, #tpu.memory_space<vmem>>, vector<1x16xf32>,
          %get3A_1365 = vector.shape_cast %get3A_1364 : vector<1x16xf32> to vector<16xf32>
          %mul3A_1366 = arith.mulf %get3A_1365, %broadcast_in_dim3A_1311 : vector<16xf32>
          %swap3A_1367 = arith.index_cast %add3A_1308 : i32 to index
          %swap3A_1368 = arith.constant 80 : index
          %swap3A_1369 = tpu.vector_load %arg11[%swap3A_1367, %swap3A_1368] {strides = array<i32>} : memref<128x128xf32, #tpu.memory_space<vmem>>, vector<1x16xf32>,
          %swap3A_1370 = vector.shape_cast %swap3A_1369 : vector<1x16xf32> to vector<16xf32>
          %swap3A_1371 = vector.shape_cast %mul3A_1366 : vector<16xf32> to vector<1x16xf32>
          tpu.vector_store %arg11[%swap3A_1367, %swap3A_1368], %swap3A_1371 {strides = array<i32>} : memref<128x128xf32, #tpu.memory_space<vmem>>, vector<1x16xf32>,
          %get3A_1372 = arith.index_cast %add3A_1308 : i32 to index
          %get3A_1373 = arith.constant 96 : index
          %get3A_1374 = tpu.vector_load %arg11[%get3A_1372, %get3A_1373] {strides = array<i32>} : memref<128x128xf32, #tpu.memory_space<vmem>>, vector<1x16xf32>,
          %get3A_1375 = vector.shape_cast %get3A_1374 : vector<1x16xf32> to vector<16xf32>
          %mul3A_1376 = arith.mulf %get3A_1375, %broadcast_in_dim3A_1311 : vector<16xf32>
          %swap3A_1377 = arith.index_cast %add3A_1308 : i32 to index
          %swap3A_1378 = arith.constant 96 : index
          %swap3A_1379 = tpu.vector_load %arg11[%swap3A_1377, %swap3A_1378] {strides = array<i32>} : memref<128x128xf32, #tpu.memory_space<vmem>>, vector<1x16xf32>,
          %swap3A_1380 = vector.shape_cast %swap3A_1379 : vector<1x16xf32> to vector<16xf32>
          %swap3A_1381 = vector.shape_cast %mul3A_1376 : vector<16xf32> to vector<1x16xf32>
          tpu.vector_store %arg11[%swap3A_1377, %swap3A_1378], %swap3A_1381 {strides = array<i32>} : memref<128x128xf32, #tpu.memory_space<vmem>>, vector<1x16xf32>,
          %get3A_1382 = arith.index_cast %add3A_1308 : i32 to index
          %get3A_1383 = arith.constant 112 : index
          %get3A_1384 = tpu.vector_load %arg11[%get3A_1382, %get3A_1383] {strides = array<i32>} : memref<128x128xf32, #tpu.memory_space<vmem>>, vector<1x16xf32>,
          %get3A_1385 = vector.shape_cast %get3A_1384 : vector<1x16xf32> to vector<16xf32>
          %mul3A_1386 = arith.mulf %get3A_1385, %broadcast_in_dim3A_1311 : vector<16xf32>
          %swap3A_1387 = arith.index_cast %add3A_1308 : i32 to index
          %swap3A_1388 = arith.constant 112 : index
          %swap3A_1389 = tpu.vector_load %arg11[%swap3A_1387, %swap3A_1388] {strides = array<i32>} : memref<128x128xf32, #tpu.memory_space<vmem>>, vector<1x16xf32>,
          %swap3A_1390 = vector.shape_cast %swap3A_1389 : vector<1x16xf32> to vector<16xf32>
          %swap3A_1391 = vector.shape_cast %mul3A_1386 : vector<16xf32> to vector<1x16xf32>
          tpu.vector_store %arg11[%swap3A_1387, %swap3A_1388], %swap3A_1391 {strides = array<i32>} : memref<128x128xf32, #tpu.memory_space<vmem>>, vector<1x16xf32>,
          %mul3A_1392 = arith.constant 16 : i32
          %mul3A_1393 = arith.muli %scan3A_84, %mul3A_1392 : i32
          %add3A_1394 = arith.constant 15 : i32
          %add3A_1395 = arith.addi %mul3A_1393, %add3A_1394 : i32
          %slice3A_1396 = vector.extract_strided_slice %get3A_90 {offsets = [15], sizes = [1], strides = [1]} : vector<16xf32> to vector<1xf32>
          %squeeze3A_1397 = vector.extract %slice3A_1396[0] : f32 from vector<1xf32>
          %broadcast_in_dim3A_1398 = vector.broadcast %squeeze3A_1397 : f32 to vector<16xf32>
          %get3A_1399 = arith.index_cast %add3A_1395 : i32 to index
          %get3A_1400 = arith.constant 0 : index
          %get3A_1401 = tpu.vector_load %arg11[%get3A_1399, %get3A_1400] {strides = array<i32>} : memref<128x128xf32, #tpu.memory_space<vmem>>, vector<1x16xf32>,
          %get3A_1402 = vector.shape_cast %get3A_1401 : vector<1x16xf32> to vector<16xf32>
          %mul3A_1403 = arith.mulf %get3A_1402, %broadcast_in_dim3A_1398 : vector<16xf32>
          %swap3A_1404 = arith.index_cast %add3A_1395 : i32 to index
          %swap3A_1405 = arith.constant 0 : index
          %swap3A_1406 = tpu.vector_load %arg11[%swap3A_1404, %swap3A_1405] {strides = array<i32>} : memref<128x128xf32, #tpu.memory_space<vmem>>, vector<1x16xf32>,
          %swap3A_1407 = vector.shape_cast %swap3A_1406 : vector<1x16xf32> to vector<16xf32>
          %swap3A_1408 = vector.shape_cast %mul3A_1403 : vector<16xf32> to vector<1x16xf32>
          tpu.vector_store %arg11[%swap3A_1404, %swap3A_1405], %swap3A_1408 {strides = array<i32>} : memref<128x128xf32, #tpu.memory_space<vmem>>, vector<1x16xf32>,
          %get3A_1409 = arith.index_cast %add3A_1395 : i32 to index
          %get3A_1410 = arith.constant 16 : index
          %get3A_1411 = tpu.vector_load %arg11[%get3A_1409, %get3A_1410] {strides = array<i32>} : memref<128x128xf32, #tpu.memory_space<vmem>>, vector<1x16xf32>,
          %get3A_1412 = vector.shape_cast %get3A_1411 : vector<1x16xf32> to vector<16xf32>
          %mul3A_1413 = arith.mulf %get3A_1412, %broadcast_in_dim3A_1398 : vector<16xf32>
          %swap3A_1414 = arith.index_cast %add3A_1395 : i32 to index
          %swap3A_1415 = arith.constant 16 : index
          %swap3A_1416 = tpu.vector_load %arg11[%swap3A_1414, %swap3A_1415] {strides = array<i32>} : memref<128x128xf32, #tpu.memory_space<vmem>>, vector<1x16xf32>,
          %swap3A_1417 = vector.shape_cast %swap3A_1416 : vector<1x16xf32> to vector<16xf32>
          %swap3A_1418 = vector.shape_cast %mul3A_1413 : vector<16xf32> to vector<1x16xf32>
          tpu.vector_store %arg11[%swap3A_1414, %swap3A_1415], %swap3A_1418 {strides = array<i32>} : memref<128x128xf32, #tpu.memory_space<vmem>>, vector<1x16xf32>,
          %get3A_1419 = arith.index_cast %add3A_1395 : i32 to index
          %get3A_1420 = arith.constant 32 : index
          %get3A_1421 = tpu.vector_load %arg11[%get3A_1419, %get3A_1420] {strides = array<i32>} : memref<128x128xf32, #tpu.memory_space<vmem>>, vector<1x16xf32>,
          %get3A_1422 = vector.shape_cast %get3A_1421 : vector<1x16xf32> to vector<16xf32>
          %mul3A_1423 = arith.mulf %get3A_1422, %broadcast_in_dim3A_1398 : vector<16xf32>
          %swap3A_1424 = arith.index_cast %add3A_1395 : i32 to index
          %swap3A_1425 = arith.constant 32 : index
          %swap3A_1426 = tpu.vector_load %arg11[%swap3A_1424, %swap3A_1425] {strides = array<i32>} : memref<128x128xf32, #tpu.memory_space<vmem>>, vector<1x16xf32>,
          %swap3A_1427 = vector.shape_cast %swap3A_1426 : vector<1x16xf32> to vector<16xf32>
          %swap3A_1428 = vector.shape_cast %mul3A_1423 : vector<16xf32> to vector<1x16xf32>
          tpu.vector_store %arg11[%swap3A_1424, %swap3A_1425], %swap3A_1428 {strides = array<i32>} : memref<128x128xf32, #tpu.memory_space<vmem>>, vector<1x16xf32>,
          %get3A_1429 = arith.index_cast %add3A_1395 : i32 to index
          %get3A_1430 = arith.constant 48 : index
          %get3A_1431 = tpu.vector_load %arg11[%get3A_1429, %get3A_1430] {strides = array<i32>} : memref<128x128xf32, #tpu.memory_space<vmem>>, vector<1x16xf32>,
          %get3A_1432 = vector.shape_cast %get3A_1431 : vector<1x16xf32> to vector<16xf32>
          %mul3A_1433 = arith.mulf %get3A_1432, %broadcast_in_dim3A_1398 : vector<16xf32>
          %swap3A_1434 = arith.index_cast %add3A_1395 : i32 to index
          %swap3A_1435 = arith.constant 48 : index
          %swap3A_1436 = tpu.vector_load %arg11[%swap3A_1434, %swap3A_1435] {strides = array<i32>} : memref<128x128xf32, #tpu.memory_space<vmem>>, vector<1x16xf32>,
          %swap3A_1437 = vector.shape_cast %swap3A_1436 : vector<1x16xf32> to vector<16xf32>
          %swap3A_1438 = vector.shape_cast %mul3A_1433 : vector<16xf32> to vector<1x16xf32>
          tpu.vector_store %arg11[%swap3A_1434, %swap3A_1435], %swap3A_1438 {strides = array<i32>} : memref<128x128xf32, #tpu.memory_space<vmem>>, vector<1x16xf32>,
          %get3A_1439 = arith.index_cast %add3A_1395 : i32 to index
          %get3A_1440 = arith.constant 64 : index
          %get3A_1441 = tpu.vector_load %arg11[%get3A_1439, %get3A_1440] {strides = array<i32>} : memref<128x128xf32, #tpu.memory_space<vmem>>, vector<1x16xf32>,
          %get3A_1442 = vector.shape_cast %get3A_1441 : vector<1x16xf32> to vector<16xf32>
          %mul3A_1443 = arith.mulf %get3A_1442, %broadcast_in_dim3A_1398 : vector<16xf32>
          %swap3A_1444 = arith.index_cast %add3A_1395 : i32 to index
          %swap3A_1445 = arith.constant 64 : index
          %swap3A_1446 = tpu.vector_load %arg11[%swap3A_1444, %swap3A_1445] {strides = array<i32>} : memref<128x128xf32, #tpu.memory_space<vmem>>, vector<1x16xf32>,
          %swap3A_1447 = vector.shape_cast %swap3A_1446 : vector<1x16xf32> to vector<16xf32>
          %swap3A_1448 = vector.shape_cast %mul3A_1443 : vector<16xf32> to vector<1x16xf32>
          tpu.vector_store %arg11[%swap3A_1444, %swap3A_1445], %swap3A_1448 {strides = array<i32>} : memref<128x128xf32, #tpu.memory_space<vmem>>, vector<1x16xf32>,
          %get3A_1449 = arith.index_cast %add3A_1395 : i32 to index
          %get3A_1450 = arith.constant 80 : index
          %get3A_1451 = tpu.vector_load %arg11[%get3A_1449, %get3A_1450] {strides = array<i32>} : memref<128x128xf32, #tpu.memory_space<vmem>>, vector<1x16xf32>,
          %get3A_1452 = vector.shape_cast %get3A_1451 : vector<1x16xf32> to vector<16xf32>
          %mul3A_1453 = arith.mulf %get3A_1452, %broadcast_in_dim3A_1398 : vector<16xf32>
          %swap3A_1454 = arith.index_cast %add3A_1395 : i32 to index
          %swap3A_1455 = arith.constant 80 : index
          %swap3A_1456 = tpu.vector_load %arg11[%swap3A_1454, %swap3A_1455] {strides = array<i32>} : memref<128x128xf32, #tpu.memory_space<vmem>>, vector<1x16xf32>,
          %swap3A_1457 = vector.shape_cast %swap3A_1456 : vector<1x16xf32> to vector<16xf32>
          %swap3A_1458 = vector.shape_cast %mul3A_1453 : vector<16xf32> to vector<1x16xf32>
          tpu.vector_store %arg11[%swap3A_1454, %swap3A_1455], %swap3A_1458 {strides = array<i32>} : memref<128x128xf32, #tpu.memory_space<vmem>>, vector<1x16xf32>,
          %get3A_1459 = arith.index_cast %add3A_1395 : i32 to index
          %get3A_1460 = arith.constant 96 : index
          %get3A_1461 = tpu.vector_load %arg11[%get3A_1459, %get3A_1460] {strides = array<i32>} : memref<128x128xf32, #tpu.memory_space<vmem>>, vector<1x16xf32>,
          %get3A_1462 = vector.shape_cast %get3A_1461 : vector<1x16xf32> to vector<16xf32>
          %mul3A_1463 = arith.mulf %get3A_1462, %broadcast_in_dim3A_1398 : vector<16xf32>
          %swap3A_1464 = arith.index_cast %add3A_1395 : i32 to index
          %swap3A_1465 = arith.constant 96 : index
          %swap3A_1466 = tpu.vector_load %arg11[%swap3A_1464, %swap3A_1465] {strides = array<i32>} : memref<128x128xf32, #tpu.memory_space<vmem>>, vector<1x16xf32>,
          %swap3A_1467 = vector.shape_cast %swap3A_1466 : vector<1x16xf32> to vector<16xf32>
          %swap3A_1468 = vector.shape_cast %mul3A_1463 : vector<16xf32> to vector<1x16xf32>
          tpu.vector_store %arg11[%swap3A_1464, %swap3A_1465], %swap3A_1468 {strides = array<i32>} : memref<128x128xf32, #tpu.memory_space<vmem>>, vector<1x16xf32>,
          %get3A_1469 = arith.index_cast %add3A_1395 : i32 to index
          %get3A_1470 = arith.constant 112 : index
          %get3A_1471 = tpu.vector_load %arg11[%get3A_1469, %get3A_1470] {strides = array<i32>} : memref<128x128xf32, #tpu.memory_space<vmem>>, vector<1x16xf32>,
          %get3A_1472 = vector.shape_cast %get3A_1471 : vector<1x16xf32> to vector<16xf32>
          %mul3A_1473 = arith.mulf %get3A_1472, %broadcast_in_dim3A_1398 : vector<16xf32>
          %swap3A_1474 = arith.index_cast %add3A_1395 : i32 to index
          %swap3A_1475 = arith.constant 112 : index
          %swap3A_1476 = tpu.vector_load %arg11[%swap3A_1474, %swap3A_1475] {strides = array<i32>} : memref<128x128xf32, #tpu.memory_space<vmem>>, vector<1x16xf32>,
          %swap3A_1477 = vector.shape_cast %swap3A_1476 : vector<1x16xf32> to vector<16xf32>
          %swap3A_1478 = vector.shape_cast %mul3A_1473 : vector<16xf32> to vector<1x16xf32>
          tpu.vector_store %arg11[%swap3A_1474, %swap3A_1475], %swap3A_1478 {strides = array<i32>} : memref<128x128xf32, #tpu.memory_space<vmem>>, vector<1x16xf32>,
          %scan3A_1479 = arith.constant 0 : i32
          scf.yield %scan3A_1479 : i32
        }
        %scan3A_82 = arith.constant 8 : i32
        "tpu.region"() ({
          %run_scoped3A = tpu.sem_alloc : memref<!tpu.dma_semaphore, #tpu.memory_space<semaphore_mem>>
          %dma_start3A_84 = arith.constant 0 : i32
          %dma_start3A_85 = tpu.memref_slice %arg9[%scan3A_64, %dma_start3A_84] : memref<8x128xi32, #tpu.memory_space<vmem>> -> memref<1x128xi32, #tpu.memory_space<vmem>>
          %dma_start3A_86 = tpu.memref_squeeze %dma_start3A_85 : memref<1x128xi32, #tpu.memory_space<vmem>> -> memref<128xi32, #tpu.memory_space<vmem>>
          %dma_start3A_87 = arith.constant 0 : i32
          %dma_start3A_88 = arith.constant 0 : i32
          %dma_start3A_89 = tpu.memref_slice %arg7[%dma_start3A_87, %dma_start3A_88] : memref<10240x128xf32, #tpu.memory_space<vmem_shared>> -> memref<10240x128xf32, #tpu.memory_space<vmem_shared>>
          tpu.enqueue_indirect_dma source(%arg11 : memref<128x128xf32, #tpu.memory_space<vmem>>) target(%dma_start3A_89 : memref<10240x128xf32, #tpu.memory_space<vmem_shared>>) offsets(%dma_start3A_86 : memref<128xi32, #tpu.memory_space<vmem>>) semaphore(%run_scoped3A : memref<!tpu.dma_semaphore, #tpu.memory_space<semaphore_mem>>) {add = true}
          %dma_wait3A_90 = arith.constant 0 : i32
          %dma_wait3A_91 = tpu.memref_slice %arg9[%scan3A_64, %dma_wait3A_90] : memref<8x128xi32, #tpu.memory_space<vmem>> -> memref<1x128xi32, #tpu.memory_space<vmem>>
          %dma_wait3A_92 = tpu.memref_squeeze %dma_wait3A_91 : memref<1x128xi32, #tpu.memory_space<vmem>> -> memref<128xi32, #tpu.memory_space<vmem>>
          %dma_wait3A_93 = arith.constant 0 : i32
          %dma_wait3A_94 = arith.constant 0 : i32
          %dma_wait3A_95 = tpu.memref_slice %arg7[%dma_wait3A_93, %dma_wait3A_94] : memref<10240x128xf32, #tpu.memory_space<vmem_shared>> -> memref<10240x128xf32, #tpu.memory_space<vmem_shared>>
          tpu.wait_indirect_dma semaphore(%run_scoped3A : memref<!tpu.dma_semaphore, #tpu.memory_space<semaphore_mem>>) src(%arg11 : memref<128x128xf32, #tpu.memory_space<vmem>>) dst(%dma_wait3A_95 : memref<10240x128xf32, #tpu.memory_space<vmem_shared>>)
          tpu.yield
        }) : () -> ()
        %scan3A_83 = arith.constant 0 : i32
        scf.yield %scan3A_83 : i32
      }
      %scan3A_62 = arith.constant 8 : i32
      %scan3A_63 = arith.constant 0 : i32
      scf.yield %scan3A_63 : i32
    }
    %scan3A_30 = arith.constant 20 : i32
    %barrier3A_31 = arith.constant 0 : index
    tpu.barrier barrier_id(%barrier3A_31)
    %mul3A_32 = arith.constant 640 : i32
    %mul3A_33 = arith.muli %arg1, %mul3A_32 : i32
    %add3A_34 = arith.constant 0 : i32
    %add3A_35 = arith.addi %mul3A_33, %add3A_34 : i32
    "tpu.region"() ({
      %run_scoped3A = tpu.sem_alloc : memref<!tpu.dma_semaphore, #tpu.memory_space<semaphore_mem>>
      %dma_start3A = arith.constant 0 : i32
      %dma_start3A_52 = tpu.memref_slice %arg7[%add3A_35, %dma_start3A] : memref<10240x128xf32, #tpu.memory_space<vmem_shared>> -> memref<128x128xf32, #tpu.memory_space<vmem_shared>>
      %dma_start3A_53 = arith.constant 0 : i32
      %dma_start3A_54 = tpu.memref_slice %arg7[%add3A_35, %dma_start3A_53] : memref<10240x128xf32, #tpu.memory_space<vmem_shared>> -> memref<128x128xf32, #tpu.memory_space<vmem_shared>>
      tpu.enqueue_dma source(%dma_start3A_54 : memref<128x128xf32, #tpu.memory_space<vmem_shared>>) target(%arg11 : memref<128x128xf32, #tpu.memory_space<vmem>>) target_semaphore(%run_scoped3A : memref<!tpu.dma_semaphore, #tpu.memory_space<semaphore_mem>>)
      %dma_wait3A = arith.constant 0 : i32
      %dma_wait3A_55 = tpu.memref_slice %arg7[%add3A_35, %dma_wait3A] : memref<10240x128xf32, #tpu.memory_space<vmem_shared>> -> memref<128x128xf32, #tpu.memory_space<vmem_shared>>
      %dma_wait3A_56 = arith.constant 0 : i32
      %dma_wait3A_57 = tpu.memref_slice %arg7[%add3A_35, %dma_wait3A_56] : memref<10240x128xf32, #tpu.memory_space<vmem_shared>> -> memref<128x128xf32, #tpu.memory_space<vmem_shared>>
      tpu.wait_dma2 semaphore(%run_scoped3A : memref<!tpu.dma_semaphore, #tpu.memory_space<semaphore_mem>>) src(%dma_wait3A_57 : memref<128x128xf32, #tpu.memory_space<vmem_shared>>) dst(%arg11 : memref<128x128xf32, #tpu.memory_space<vmem>>)
      tpu.yield
    }) : () -> ()
    "tpu.region"() ({
      %run_scoped3A = tpu.sem_alloc : memref<!tpu.dma_semaphore, #tpu.memory_space<semaphore_mem>>
      %dma_start3A = arith.constant 0 : i32
      %dma_start3A_52 = tpu.memref_slice %arg6[%arg0, %add3A_35, %dma_start3A] : memref<2x10240x128xf32, #tpu.memory_space<hbm>> -> memref<1x128x128xf32, #tpu.memory_space<hbm>>
      %dma_start3A_53 = tpu.memref_squeeze %dma_start3A_52 : memref<1x128x128xf32, #tpu.memory_space<hbm>> -> memref<128x128xf32, #tpu.memory_space<hbm>>
      %dma_start3A_54 = arith.constant 0 : i32
      %dma_start3A_55 = tpu.memref_slice %arg6[%arg0, %add3A_35, %dma_start3A_54] : memref<2x10240x128xf32, #tpu.memory_space<hbm>> -> memref<1x128x128xf32, #tpu.memory_space<hbm>>
      %dma_start3A_56 = tpu.memref_squeeze %dma_start3A_55 : memref<1x128x128xf32, #tpu.memory_space<hbm>> -> memref<128x128xf32, #tpu.memory_space<hbm>>
      tpu.enqueue_dma source(%arg11 : memref<128x128xf32, #tpu.memory_space<vmem>>) target(%dma_start3A_56 : memref<128x128xf32, #tpu.memory_space<hbm>>) target_semaphore(%run_scoped3A : memref<!tpu.dma_semaphore, #tpu.memory_space<semaphore_mem>>)
      %dma_wait3A = arith.constant 0 : i32
      %dma_wait3A_57 = tpu.memref_slice %arg6[%arg0, %add3A_35, %dma_wait3A] : memref<2x10240x128xf32, #tpu.memory_space<hbm>> -> memref<1x128x128xf32, #tpu.memory_space<hbm>>
      %dma_wait3A_58 = tpu.memref_squeeze %dma_wait3A_57 : memref<1x128x128xf32, #tpu.memory_space<hbm>> -> memref<128x128xf32, #tpu.memory_space<hbm>>
      %dma_wait3A_59 = arith.constant 0 : i32
      %dma_wait3A_60 = tpu.memref_slice %arg6[%arg0, %add3A_35, %dma_wait3A_59] : memref<2x10240x128xf32, #tpu.memory_space<hbm>> -> memref<1x128x128xf32, #tpu.memory_space<hbm>>
      %dma_wait3A_61 = tpu.memref_squeeze %dma_wait3A_60 : memref<1x128x128xf32, #tpu.memory_space<hbm>> -> memref<128x128xf32, #tpu.memory_space<hbm>>
      tpu.wait_dma2 semaphore(%run_scoped3A : memref<!tpu.dma_semaphore, #tpu.memory_space<semaphore_mem>>) src(%arg11 : memref<128x128xf32, #tpu.memory_space<vmem>>) dst(%dma_wait3A_61 : memref<128x128xf32, #tpu.memory_space<hbm>>)
      tpu.yield
    }) : () -> ()
    %mul3A_36 = arith.constant 640 : i32
    %mul3A_37 = arith.muli %arg1, %mul3A_36 : i32
    %add3A_38 = arith.constant 128 : i32
    %add3A_39 = arith.addi %mul3A_37, %add3A_38 : i32
    "tpu.region"() ({
      %run_scoped3A = tpu.sem_alloc : memref<!tpu.dma_semaphore, #tpu.memory_space<semaphore_mem>>
      %dma_start3A = arith.constant 0 : i32
      %dma_start3A_52 = tpu.memref_slice %arg7[%add3A_39, %dma_start3A] : memref<10240x128xf32, #tpu.memory_space<vmem_shared>> -> memref<128x128xf32, #tpu.memory_space<vmem_shared>>
      %dma_start3A_53 = arith.constant 0 : i32
      %dma_start3A_54 = tpu.memref_slice %arg7[%add3A_39, %dma_start3A_53] : memref<10240x128xf32, #tpu.memory_space<vmem_shared>> -> memref<128x128xf32, #tpu.memory_space<vmem_shared>>
      tpu.enqueue_dma source(%dma_start3A_54 : memref<128x128xf32, #tpu.memory_space<vmem_shared>>) target(%arg11 : memref<128x128xf32, #tpu.memory_space<vmem>>) target_semaphore(%run_scoped3A : memref<!tpu.dma_semaphore, #tpu.memory_space<semaphore_mem>>)
      %dma_wait3A = arith.constant 0 : i32
      %dma_wait3A_55 = tpu.memref_slice %arg7[%add3A_39, %dma_wait3A] : memref<10240x128xf32, #tpu.memory_space<vmem_shared>> -> memref<128x128xf32, #tpu.memory_space<vmem_shared>>
      %dma_wait3A_56 = arith.constant 0 : i32
      %dma_wait3A_57 = tpu.memref_slice %arg7[%add3A_39, %dma_wait3A_56] : memref<10240x128xf32, #tpu.memory_space<vmem_shared>> -> memref<128x128xf32, #tpu.memory_space<vmem_shared>>
      tpu.wait_dma2 semaphore(%run_scoped3A : memref<!tpu.dma_semaphore, #tpu.memory_space<semaphore_mem>>) src(%dma_wait3A_57 : memref<128x128xf32, #tpu.memory_space<vmem_shared>>) dst(%arg11 : memref<128x128xf32, #tpu.memory_space<vmem>>)
      tpu.yield
    }) : () -> ()
    "tpu.region"() ({
      %run_scoped3A = tpu.sem_alloc : memref<!tpu.dma_semaphore, #tpu.memory_space<semaphore_mem>>
      %dma_start3A = arith.constant 0 : i32
      %dma_start3A_52 = tpu.memref_slice %arg6[%arg0, %add3A_39, %dma_start3A] : memref<2x10240x128xf32, #tpu.memory_space<hbm>> -> memref<1x128x128xf32, #tpu.memory_space<hbm>>
      %dma_start3A_53 = tpu.memref_squeeze %dma_start3A_52 : memref<1x128x128xf32, #tpu.memory_space<hbm>> -> memref<128x128xf32, #tpu.memory_space<hbm>>
      %dma_start3A_54 = arith.constant 0 : i32
      %dma_start3A_55 = tpu.memref_slice %arg6[%arg0, %add3A_39, %dma_start3A_54] : memref<2x10240x128xf32, #tpu.memory_space<hbm>> -> memref<1x128x128xf32, #tpu.memory_space<hbm>>
      %dma_start3A_56 = tpu.memref_squeeze %dma_start3A_55 : memref<1x128x128xf32, #tpu.memory_space<hbm>> -> memref<128x128xf32, #tpu.memory_space<hbm>>
      tpu.enqueue_dma source(%arg11 : memref<128x128xf32, #tpu.memory_space<vmem>>) target(%dma_start3A_56 : memref<128x128xf32, #tpu.memory_space<hbm>>) target_semaphore(%run_scoped3A : memref<!tpu.dma_semaphore, #tpu.memory_space<semaphore_mem>>)
      %dma_wait3A = arith.constant 0 : i32
      %dma_wait3A_57 = tpu.memref_slice %arg6[%arg0, %add3A_39, %dma_wait3A] : memref<2x10240x128xf32, #tpu.memory_space<hbm>> -> memref<1x128x128xf32, #tpu.memory_space<hbm>>
      %dma_wait3A_58 = tpu.memref_squeeze %dma_wait3A_57 : memref<1x128x128xf32, #tpu.memory_space<hbm>> -> memref<128x128xf32, #tpu.memory_space<hbm>>
      %dma_wait3A_59 = arith.constant 0 : i32
      %dma_wait3A_60 = tpu.memref_slice %arg6[%arg0, %add3A_39, %dma_wait3A_59] : memref<2x10240x128xf32, #tpu.memory_space<hbm>> -> memref<1x128x128xf32, #tpu.memory_space<hbm>>
      %dma_wait3A_61 = tpu.memref_squeeze %dma_wait3A_60 : memref<1x128x128xf32, #tpu.memory_space<hbm>> -> memref<128x128xf32, #tpu.memory_space<hbm>>
      tpu.wait_dma2 semaphore(%run_scoped3A : memref<!tpu.dma_semaphore, #tpu.memory_space<semaphore_mem>>) src(%arg11 : memref<128x128xf32, #tpu.memory_space<vmem>>) dst(%dma_wait3A_61 : memref<128x128xf32, #tpu.memory_space<hbm>>)
      tpu.yield
    }) : () -> ()
    %mul3A_40 = arith.constant 640 : i32
    %mul3A_41 = arith.muli %arg1, %mul3A_40 : i32
    %add3A_42 = arith.constant 256 : i32
    %add3A_43 = arith.addi %mul3A_41, %add3A_42 : i32
    "tpu.region"() ({
      %run_scoped3A = tpu.sem_alloc : memref<!tpu.dma_semaphore, #tpu.memory_space<semaphore_mem>>
      %dma_start3A = arith.constant 0 : i32
      %dma_start3A_52 = tpu.memref_slice %arg7[%add3A_43, %dma_start3A] : memref<10240x128xf32, #tpu.memory_space<vmem_shared>> -> memref<128x128xf32, #tpu.memory_space<vmem_shared>>
      %dma_start3A_53 = arith.constant 0 : i32
      %dma_start3A_54 = tpu.memref_slice %arg7[%add3A_43, %dma_start3A_53] : memref<10240x128xf32, #tpu.memory_space<vmem_shared>> -> memref<128x128xf32, #tpu.memory_space<vmem_shared>>
      tpu.enqueue_dma source(%dma_start3A_54 : memref<128x128xf32, #tpu.memory_space<vmem_shared>>) target(%arg11 : memref<128x128xf32, #tpu.memory_space<vmem>>) target_semaphore(%run_scoped3A : memref<!tpu.dma_semaphore, #tpu.memory_space<semaphore_mem>>)
      %dma_wait3A = arith.constant 0 : i32
      %dma_wait3A_55 = tpu.memref_slice %arg7[%add3A_43, %dma_wait3A] : memref<10240x128xf32, #tpu.memory_space<vmem_shared>> -> memref<128x128xf32, #tpu.memory_space<vmem_shared>>
      %dma_wait3A_56 = arith.constant 0 : i32
      %dma_wait3A_57 = tpu.memref_slice %arg7[%add3A_43, %dma_wait3A_56] : memref<10240x128xf32, #tpu.memory_space<vmem_shared>> -> memref<128x128xf32, #tpu.memory_space<vmem_shared>>
      tpu.wait_dma2 semaphore(%run_scoped3A : memref<!tpu.dma_semaphore, #tpu.memory_space<semaphore_mem>>) src(%dma_wait3A_57 : memref<128x128xf32, #tpu.memory_space<vmem_shared>>) dst(%arg11 : memref<128x128xf32, #tpu.memory_space<vmem>>)
      tpu.yield
    }) : () -> ()
    "tpu.region"() ({
      %run_scoped3A = tpu.sem_alloc : memref<!tpu.dma_semaphore, #tpu.memory_space<semaphore_mem>>
      %dma_start3A = arith.constant 0 : i32
      %dma_start3A_52 = tpu.memref_slice %arg6[%arg0, %add3A_43, %dma_start3A] : memref<2x10240x128xf32, #tpu.memory_space<hbm>> -> memref<1x128x128xf32, #tpu.memory_space<hbm>>
      %dma_start3A_53 = tpu.memref_squeeze %dma_start3A_52 : memref<1x128x128xf32, #tpu.memory_space<hbm>> -> memref<128x128xf32, #tpu.memory_space<hbm>>
      %dma_start3A_54 = arith.constant 0 : i32
      %dma_start3A_55 = tpu.memref_slice %arg6[%arg0, %add3A_43, %dma_start3A_54] : memref<2x10240x128xf32, #tpu.memory_space<hbm>> -> memref<1x128x128xf32, #tpu.memory_space<hbm>>
      %dma_start3A_56 = tpu.memref_squeeze %dma_start3A_55 : memref<1x128x128xf32, #tpu.memory_space<hbm>> -> memref<128x128xf32, #tpu.memory_space<hbm>>
      tpu.enqueue_dma source(%arg11 : memref<128x128xf32, #tpu.memory_space<vmem>>) target(%dma_start3A_56 : memref<128x128xf32, #tpu.memory_space<hbm>>) target_semaphore(%run_scoped3A : memref<!tpu.dma_semaphore, #tpu.memory_space<semaphore_mem>>)
      %dma_wait3A = arith.constant 0 : i32
      %dma_wait3A_57 = tpu.memref_slice %arg6[%arg0, %add3A_43, %dma_wait3A] : memref<2x10240x128xf32, #tpu.memory_space<hbm>> -> memref<1x128x128xf32, #tpu.memory_space<hbm>>
      %dma_wait3A_58 = tpu.memref_squeeze %dma_wait3A_57 : memref<1x128x128xf32, #tpu.memory_space<hbm>> -> memref<128x128xf32, #tpu.memory_space<hbm>>
      %dma_wait3A_59 = arith.constant 0 : i32
      %dma_wait3A_60 = tpu.memref_slice %arg6[%arg0, %add3A_43, %dma_wait3A_59] : memref<2x10240x128xf32, #tpu.memory_space<hbm>> -> memref<1x128x128xf32, #tpu.memory_space<hbm>>
      %dma_wait3A_61 = tpu.memref_squeeze %dma_wait3A_60 : memref<1x128x128xf32, #tpu.memory_space<hbm>> -> memref<128x128xf32, #tpu.memory_space<hbm>>
      tpu.wait_dma2 semaphore(%run_scoped3A : memref<!tpu.dma_semaphore, #tpu.memory_space<semaphore_mem>>) src(%arg11 : memref<128x128xf32, #tpu.memory_space<vmem>>) dst(%dma_wait3A_61 : memref<128x128xf32, #tpu.memory_space<hbm>>)
      tpu.yield
    }) : () -> ()
    %mul3A_44 = arith.constant 640 : i32
    %mul3A_45 = arith.muli %arg1, %mul3A_44 : i32
    %add3A_46 = arith.constant 384 : i32
    %add3A_47 = arith.addi %mul3A_45, %add3A_46 : i32
    "tpu.region"() ({
      %run_scoped3A = tpu.sem_alloc : memref<!tpu.dma_semaphore, #tpu.memory_space<semaphore_mem>>
      %dma_start3A = arith.constant 0 : i32
      %dma_start3A_52 = tpu.memref_slice %arg7[%add3A_47, %dma_start3A] : memref<10240x128xf32, #tpu.memory_space<vmem_shared>> -> memref<128x128xf32, #tpu.memory_space<vmem_shared>>
      %dma_start3A_53 = arith.constant 0 : i32
      %dma_start3A_54 = tpu.memref_slice %arg7[%add3A_47, %dma_start3A_53] : memref<10240x128xf32, #tpu.memory_space<vmem_shared>> -> memref<128x128xf32, #tpu.memory_space<vmem_shared>>
      tpu.enqueue_dma source(%dma_start3A_54 : memref<128x128xf32, #tpu.memory_space<vmem_shared>>) target(%arg11 : memref<128x128xf32, #tpu.memory_space<vmem>>) target_semaphore(%run_scoped3A : memref<!tpu.dma_semaphore, #tpu.memory_space<semaphore_mem>>)
      %dma_wait3A = arith.constant 0 : i32
      %dma_wait3A_55 = tpu.memref_slice %arg7[%add3A_47, %dma_wait3A] : memref<10240x128xf32, #tpu.memory_space<vmem_shared>> -> memref<128x128xf32, #tpu.memory_space<vmem_shared>>
      %dma_wait3A_56 = arith.constant 0 : i32
      %dma_wait3A_57 = tpu.memref_slice %arg7[%add3A_47, %dma_wait3A_56] : memref<10240x128xf32, #tpu.memory_space<vmem_shared>> -> memref<128x128xf32, #tpu.memory_space<vmem_shared>>
      tpu.wait_dma2 semaphore(%run_scoped3A : memref<!tpu.dma_semaphore, #tpu.memory_space<semaphore_mem>>) src(%dma_wait3A_57 : memref<128x128xf32, #tpu.memory_space<vmem_shared>>) dst(%arg11 : memref<128x128xf32, #tpu.memory_space<vmem>>)
      tpu.yield
    }) : () -> ()
    "tpu.region"() ({
      %run_scoped3A = tpu.sem_alloc : memref<!tpu.dma_semaphore, #tpu.memory_space<semaphore_mem>>
      %dma_start3A = arith.constant 0 : i32
      %dma_start3A_52 = tpu.memref_slice %arg6[%arg0, %add3A_47, %dma_start3A] : memref<2x10240x128xf32, #tpu.memory_space<hbm>> -> memref<1x128x128xf32, #tpu.memory_space<hbm>>
      %dma_start3A_53 = tpu.memref_squeeze %dma_start3A_52 : memref<1x128x128xf32, #tpu.memory_space<hbm>> -> memref<128x128xf32, #tpu.memory_space<hbm>>
      %dma_start3A_54 = arith.constant 0 : i32
      %dma_start3A_55 = tpu.memref_slice %arg6[%arg0, %add3A_47, %dma_start3A_54] : memref<2x10240x128xf32, #tpu.memory_space<hbm>> -> memref<1x128x128xf32, #tpu.memory_space<hbm>>
      %dma_start3A_56 = tpu.memref_squeeze %dma_start3A_55 : memref<1x128x128xf32, #tpu.memory_space<hbm>> -> memref<128x128xf32, #tpu.memory_space<hbm>>
      tpu.enqueue_dma source(%arg11 : memref<128x128xf32, #tpu.memory_space<vmem>>) target(%dma_start3A_56 : memref<128x128xf32, #tpu.memory_space<hbm>>) target_semaphore(%run_scoped3A : memref<!tpu.dma_semaphore, #tpu.memory_space<semaphore_mem>>)
      %dma_wait3A = arith.constant 0 : i32
      %dma_wait3A_57 = tpu.memref_slice %arg6[%arg0, %add3A_47, %dma_wait3A] : memref<2x10240x128xf32, #tpu.memory_space<hbm>> -> memref<1x128x128xf32, #tpu.memory_space<hbm>>
      %dma_wait3A_58 = tpu.memref_squeeze %dma_wait3A_57 : memref<1x128x128xf32, #tpu.memory_space<hbm>> -> memref<128x128xf32, #tpu.memory_space<hbm>>
      %dma_wait3A_59 = arith.constant 0 : i32
      %dma_wait3A_60 = tpu.memref_slice %arg6[%arg0, %add3A_47, %dma_wait3A_59] : memref<2x10240x128xf32, #tpu.memory_space<hbm>> -> memref<1x128x128xf32, #tpu.memory_space<hbm>>
      %dma_wait3A_61 = tpu.memref_squeeze %dma_wait3A_60 : memref<1x128x128xf32, #tpu.memory_space<hbm>> -> memref<128x128xf32, #tpu.memory_space<hbm>>
      tpu.wait_dma2 semaphore(%run_scoped3A : memref<!tpu.dma_semaphore, #tpu.memory_space<semaphore_mem>>) src(%arg11 : memref<128x128xf32, #tpu.memory_space<vmem>>) dst(%dma_wait3A_61 : memref<128x128xf32, #tpu.memory_space<hbm>>)
      tpu.yield
    }) : () -> ()
    %mul3A_48 = arith.constant 640 : i32
    %mul3A_49 = arith.muli %arg1, %mul3A_48 : i32
    %add3A_50 = arith.constant 512 : i32
    %add3A_51 = arith.addi %mul3A_49, %add3A_50 : i32
    "tpu.region"() ({
      %run_scoped3A = tpu.sem_alloc : memref<!tpu.dma_semaphore, #tpu.memory_space<semaphore_mem>>
      %dma_start3A = arith.constant 0 : i32
      %dma_start3A_52 = tpu.memref_slice %arg7[%add3A_51, %dma_start3A] : memref<10240x128xf32, #tpu.memory_space<vmem_shared>> -> memref<128x128xf32, #tpu.memory_space<vmem_shared>>
      %dma_start3A_53 = arith.constant 0 : i32
      %dma_start3A_54 = tpu.memref_slice %arg7[%add3A_51, %dma_start3A_53] : memref<10240x128xf32, #tpu.memory_space<vmem_shared>> -> memref<128x128xf32, #tpu.memory_space<vmem_shared>>
      tpu.enqueue_dma source(%dma_start3A_54 : memref<128x128xf32, #tpu.memory_space<vmem_shared>>) target(%arg11 : memref<128x128xf32, #tpu.memory_space<vmem>>) target_semaphore(%run_scoped3A : memref<!tpu.dma_semaphore, #tpu.memory_space<semaphore_mem>>)
      %dma_wait3A = arith.constant 0 : i32
      %dma_wait3A_55 = tpu.memref_slice %arg7[%add3A_51, %dma_wait3A] : memref<10240x128xf32, #tpu.memory_space<vmem_shared>> -> memref<128x128xf32, #tpu.memory_space<vmem_shared>>
      %dma_wait3A_56 = arith.constant 0 : i32
      %dma_wait3A_57 = tpu.memref_slice %arg7[%add3A_51, %dma_wait3A_56] : memref<10240x128xf32, #tpu.memory_space<vmem_shared>> -> memref<128x128xf32, #tpu.memory_space<vmem_shared>>
      tpu.wait_dma2 semaphore(%run_scoped3A : memref<!tpu.dma_semaphore, #tpu.memory_space<semaphore_mem>>) src(%dma_wait3A_57 : memref<128x128xf32, #tpu.memory_space<vmem_shared>>) dst(%arg11 : memref<128x128xf32, #tpu.memory_space<vmem>>)
      tpu.yield
    }) : () -> ()
    "tpu.region"() ({
      %run_scoped3A = tpu.sem_alloc : memref<!tpu.dma_semaphore, #tpu.memory_space<semaphore_mem>>
      %dma_start3A = arith.constant 0 : i32
      %dma_start3A_52 = tpu.memref_slice %arg6[%arg0, %add3A_51, %dma_start3A] : memref<2x10240x128xf32, #tpu.memory_space<hbm>> -> memref<1x128x128xf32, #tpu.memory_space<hbm>>
      %dma_start3A_53 = tpu.memref_squeeze %dma_start3A_52 : memref<1x128x128xf32, #tpu.memory_space<hbm>> -> memref<128x128xf32, #tpu.memory_space<hbm>>
      %dma_start3A_54 = arith.constant 0 : i32
      %dma_start3A_55 = tpu.memref_slice %arg6[%arg0, %add3A_51, %dma_start3A_54] : memref<2x10240x128xf32, #tpu.memory_space<hbm>> -> memref<1x128x128xf32, #tpu.memory_space<hbm>>
      %dma_start3A_56 = tpu.memref_squeeze %dma_start3A_55 : memref<1x128x128xf32, #tpu.memory_space<hbm>> -> memref<128x128xf32, #tpu.memory_space<hbm>>
      tpu.enqueue_dma source(%arg11 : memref<128x128xf32, #tpu.memory_space<vmem>>) target(%dma_start3A_56 : memref<128x128xf32, #tpu.memory_space<hbm>>) target_semaphore(%run_scoped3A : memref<!tpu.dma_semaphore, #tpu.memory_space<semaphore_mem>>)
      %dma_wait3A = arith.constant 0 : i32
      %dma_wait3A_57 = tpu.memref_slice %arg6[%arg0, %add3A_51, %dma_wait3A] : memref<2x10240x128xf32, #tpu.memory_space<hbm>> -> memref<1x128x128xf32, #tpu.memory_space<hbm>>
      %dma_wait3A_58 = tpu.memref_squeeze %dma_wait3A_57 : memref<1x128x128xf32, #tpu.memory_space<hbm>> -> memref<128x128xf32, #tpu.memory_space<hbm>>
      %dma_wait3A_59 = arith.constant 0 : i32
      %dma_wait3A_60 = tpu.memref_slice %arg6[%arg0, %add3A_51, %dma_wait3A_59] : memref<2x10240x128xf32, #tpu.memory_space<hbm>> -> memref<1x128x128xf32, #tpu.memory_space<hbm>>
      %dma_wait3A_61 = tpu.memref_squeeze %dma_wait3A_60 : memref<1x128x128xf32, #tpu.memory_space<hbm>> -> memref<128x128xf32, #tpu.memory_space<hbm>>
      tpu.wait_dma2 semaphore(%run_scoped3A : memref<!tpu.dma_semaphore, #tpu.memory_space<semaphore_mem>>) src(%arg11 : memref<128x128xf32, #tpu.memory_space<vmem>>) dst(%dma_wait3A_61 : memref<128x128xf32, #tpu.memory_space<hbm>>)
      tpu.yield
    }) : () -> ()
    return
  }
}

module attributes {stable_mosaic.version = 14 : i64} {
  func.func @_matmul_body(%arg0: i32, %arg1: i32, %arg2: memref<1000x128xf32, #tpu.memory_space<vmem>>, %arg3: memref<1x128x128xf32, #tpu.memory_space<vmem>>, %arg4: memref<1x1000x128xf32, #tpu.memory_space<vmem>>) attributes {dimension_semantics = [#tpu.dimension_semantics<arbitrary>, #tpu.dimension_semantics<arbitrary>], iteration_bounds = array<i64: 2, 10>, scalar_prefetch = 0 : i64, scratch_operands = 0 : i64, tpu.core_type = #tpu.core_type<tc>, window_params = [{transform_indices = @transform_0, window_bounds = array<i64: 1000, 128>}, {transform_indices = @transform_1, window_bounds = array<i64: 1, 128, 128>}, {transform_indices = @transform_2, window_bounds = array<i64: 1, 1000, 128>}]} {
    %get3A = arith.constant 0 : index
    %get3A_0 = arith.constant 0 : index
    %get3A_1 = vector.load %arg2[%get3A, %get3A_0] : memref<1000x128xf32, #tpu.memory_space<vmem>>, vector<1000x128xf32>
    %get3A_2 = arith.constant 0 : index
    %get3A_3 = arith.constant 0 : index
    %get3A_4 = arith.constant 0 : index
    %get3A_5 = vector.load %arg3[%get3A_2, %get3A_3, %get3A_4] : memref<1x128x128xf32, #tpu.memory_space<vmem>>, vector<1x128x128xf32>
    %get3A_6 = vector.shape_cast %get3A_5 : vector<1x128x128xf32> to vector<128x128xf32>
    %dot_general3A = arith.constant dense<0.000000e+00> : vector<1000x128xf32>
    %dot_general3A_7 = tpu.matmul %get3A_1, %get3A_6, %dot_general3A {dimension_numbers = #tpu.dot_dimension_numbers<[1], [0], [0], [1], [0, 0, 1, 1], [], []>, transpose_lhs_hint = false} : vector<1000x128xf32>, vector<128x128xf32>, vector<1000x128xf32> -> vector<1000x128xf32>
    %swap3A = arith.constant 0 : index
    %swap3A_8 = arith.constant 0 : index
    %swap3A_9 = arith.constant 0 : index
    %swap3A_10 = vector.load %arg4[%swap3A, %swap3A_8, %swap3A_9] : memref<1x1000x128xf32, #tpu.memory_space<vmem>>, vector<1x1000x128xf32>
    %swap3A_11 = vector.shape_cast %swap3A_10 : vector<1x1000x128xf32> to vector<1000x128xf32>
    %swap3A_12 = vector.shape_cast %dot_general3A_7 : vector<1000x128xf32> to vector<1x1000x128xf32>
    tpu.vector_store %arg4[%swap3A, %swap3A_8, %swap3A_9], %swap3A_12 {strides = array<i32>} : memref<1x1000x128xf32, #tpu.memory_space<vmem>>, vector<1x1000x128xf32>,
    return
  }
  func.func @transform_0(%arg0: i32, %arg1: i32) -> (i32, i32) {
    %c0_i32 = arith.constant 0 : i32
    %c0_i32_0 = arith.constant 0 : i32
    return %arg1, %c0_i32 : i32, i32
  }
  func.func @transform_1(%arg0: i32, %arg1: i32) -> (i32, i32, i32) {
    %c0_i32 = arith.constant 0 : i32
    %c0_i32_0 = arith.constant 0 : i32
    %c0_i32_1 = arith.constant 0 : i32
    return %arg0, %c0_i32, %c0_i32_0 : i32, i32, i32
  }
  func.func @transform_2(%arg0: i32, %arg1: i32) -> (i32, i32, i32) {
    %c0_i32 = arith.constant 0 : i32
    %c0_i32_0 = arith.constant 0 : i32
    return %arg0, %arg1, %c0_i32 : i32, i32, i32
  }
}

module attributes {stable_mosaic.version = 14 : i64} {
  func.func @_combine_body(%arg0: i32, %arg1: memref<2x1000x128xf32, #tpu.memory_space<vmem>>, %arg2: memref<1x128xf32, #tpu.memory_space<vmem>>, %arg3: memref<1000x128xf32, #tpu.memory_space<vmem>>) attributes {dimension_semantics = [#tpu.dimension_semantics<arbitrary>], iteration_bounds = array<i64: 10>, scalar_prefetch = 0 : i64, scratch_operands = 0 : i64, tpu.core_type = #tpu.core_type<tc>, window_params = [{transform_indices = @transform_0, window_bounds = array<i64: 2, 1000, 128>}, {pipeline_mode = #tpu.pipeline_mode<synchronous>, transform_indices = @transform_1, window_bounds = array<i64: 1, 128>}, {transform_indices = @transform_2, window_bounds = array<i64: 1000, 128>}]} {
    %get3A = arith.constant 0 : index
    %get3A_0 = arith.constant 0 : index
    %get3A_1 = arith.constant 0 : index
    %get3A_2 = vector.load %arg1[%get3A, %get3A_0, %get3A_1] : memref<2x1000x128xf32, #tpu.memory_space<vmem>>, vector<1x1000x128xf32>
    %get3A_3 = vector.shape_cast %get3A_2 : vector<1x1000x128xf32> to vector<1000x128xf32>
    %get3A_4 = arith.constant 1 : index
    %get3A_5 = arith.constant 0 : index
    %get3A_6 = arith.constant 0 : index
    %get3A_7 = vector.load %arg1[%get3A_4, %get3A_5, %get3A_6] : memref<2x1000x128xf32, #tpu.memory_space<vmem>>, vector<1x1000x128xf32>
    %get3A_8 = vector.shape_cast %get3A_7 : vector<1x1000x128xf32> to vector<1000x128xf32>
    %add3A = arith.addf %get3A_3, %get3A_8 : vector<1000x128xf32>
    %get3A_9 = arith.constant 0 : index
    %get3A_10 = arith.constant 0 : index
    %get3A_11 = vector.load %arg2[%get3A_9, %get3A_10] : memref<1x128xf32, #tpu.memory_space<vmem>>, vector<1x128xf32>
    %add3A_12 = vector.broadcast %get3A_11 : vector<1x128xf32> to vector<1000x128xf32>
    %add3A_13 = arith.addf %add3A, %add3A_12 : vector<1000x128xf32>
    %max3A = arith.constant 0.000000e+00 : f32
    %max3A_14 = vector.broadcast %max3A : f32 to vector<1000x128xf32>
    %max3A_15 = arith.maximumf %add3A_13, %max3A_14 : vector<1000x128xf32>
    %swap3A = arith.constant 0 : index
    %swap3A_16 = arith.constant 0 : index
    %swap3A_17 = vector.load %arg3[%swap3A, %swap3A_16] : memref<1000x128xf32, #tpu.memory_space<vmem>>, vector<1000x128xf32>
    tpu.vector_store %arg3[%swap3A, %swap3A_16], %max3A_15 {strides = array<i32>} : memref<1000x128xf32, #tpu.memory_space<vmem>>, vector<1000x128xf32>,
    return
  }
  func.func @transform_0(%arg0: i32) -> (i32, i32, i32) {
    %c0_i32 = arith.constant 0 : i32
    %c0_i32_0 = arith.constant 0 : i32
    %c0_i32_1 = arith.constant 0 : i32
    return %c0_i32, %arg0, %c0_i32_0 : i32, i32, i32
  }
  func.func @transform_1(%arg0: i32) -> (i32, i32) {
    %c0_i32 = arith.constant 0 : i32
    %c0_i32_0 = arith.constant 0 : i32
    %c0_i32_1 = arith.constant 0 : i32
    return %c0_i32, %c0_i32_0 : i32, i32
  }
  func.func @transform_2(%arg0: i32) -> (i32, i32) {
    %c0_i32 = arith.constant 0 : i32
    %c0_i32_0 = arith.constant 0 : i32
    return %arg0, %c0_i32 : i32, i32
  }
}

</mosaic_0001>

<sc_bundles>
// kernel: kernel.5.cloned.1.call-start
scs
__scs_entry_jumppad:
0x0: {  	(pc) =	sbr.rel $0x88, $3  }
0x1: {  	(tag) =	ssettag $0x0;
	lr =	simm.s32 $0x1  }
0x2: {  	[smem:$0x3F9C] =	sst lr;
	_ =	strace $0xD0000000  }
0x3: {  	_ = 	snop  }
0x4: {  	_ = 	snop  }
0x5: {  	_ = 	snop  }
0x6: {  	_ = 	snop  }
0x7: {  	_ = 	snop  }
__scs_overlays_trampoline_lowered:
0x8: {  	[smem:$0x3FAB] =	sst s0  }
0x9: {  	[smem:$0x3FAC] =	sst s1  }
0xa: {  	[smem:$0x3FAD] =	sst s2  }
0xb: {  	[smem:$0x3FAE] =	sst s3  }
0xc: {  	[smem:$0x3FAF] =	sst s4  }
0xd: {  	[smem:$0x3FB0] =	sst s5  }
0xe: {  	[smem:$0x3FB1] =	sst s6  }
0xf: {  	[smem:$0x3FB2] =	sst s7  }
0x10: {  	[smem:$0x3FB3] =	sst s8  }
0x11: {  	[smem:$0x3FB4] =	sst s9;
	s0 =	simm.s32 @!p0 $0x0  }
0x12: {  	s1 =	sld [smem:$0x3F9A];
	s0 =	simm.s32 @p0 $0x1  }
0x13: {  	[smem:$0x3FB5] =	sst s0;
	s0 =	simm.s32 @!p1 $0x0  }
0x14: {  	s2 =	sld [smem:$0x3F99];
	s0 =	simm.s32 @p1 $0x1  }
0x15: {  	[smem:$0x3FB6] =	sst s0;
	s0 =	simm.s32 @!p2 $0x0  }
0x16: {  	s3 =	sld [smem:$0x3FDB];
	s0 =	simm.s32 @p2 $0x1  }
0x17: {  	s4 =	simm.s32 $0x1BF5;
	[smem:$0x3FB8] =	sst s0  }
0x18: {  	s0 =	sld [smem:$0x3F9B];
	_ =	swait.ge [sflag:s4], $0x0  }
0x19: {  	s7 =	sld [smem:$0x3F9C]  }
0x1a: {  	s8 =	sadd.s32 $0xFFFFE003, lr  }
0x1b: {  	s9 =	sadd.s32 $0xFFFFFEF7, lr;
	s5 =	simm.s32 $0xFFFFFFFF;
	p2 =	slt.u32 s8, $0xFFFFF086  }
0x1c: {  	p1 =	slt.u32 s9, $0xF7A;
	s5 =	simm.s32 @!p2 $0x0  }
0x1d: {  	s5 =	simm.s32 @p1 $0x1;
	p0 =	seq.s32 s7, s2  }
0x1e: {  	s7 =	smul.u32 @!p0 $0xF7A, s2;
	p2 =	seq.s32 @!p0 s5, $0x0  }
0x1f: {  	s9 =	smul.u32 $0xF7A, s1;
	s8 =	simm.s32 @!p0 $0x1BF5;
	p2 =	por !p2, p0  }
0x20: {  	[sflag:s8] =	ssyncset.s32 @!p0 $0xFFFFF086;
	s6 =	sadd.s32 @!p0 s3, s7;
	s7 =	simm.s32 @!p0 $0x108  }
0x21: {  	s3 =	sadd.s32 s3, s9;
	s6 =	sadd.s32 @!p0 $0x88, s6;
	s7 =	simm.s32 @p2 $0x1082  }
0x22: {  	[simem:s7], [sflag:s8] =	dma.local @!p0 [hbm:s6], $0xF7A  }
0x23: {  	s9 =	sor.u32 $0xD0000000, s2;
	s6 =	simm.s32 $0x108;
	_ =	swait.ge @!p0 [sflag:s8], $0x0  }
0x24: {  	s3 =	sadd.s32 $0x88, s3;
	s6 =	simm.s32 @!p1 $0x1082;
	[sflag:s4] =	ssyncset.s32 $0xFFFFF086  }
0x25: {  	[simem:s6], [sflag:s4] =	dma.local [hbm:s3], $0xF7A  }
0x26: {  	[smem:$0x3F9C] =	sst s1;
	(tag) =	ssettag s2;
	_ =	strace s9  }
0x27: {  	s1 =	sld [smem:$0x3FAC]  }
0x28: {  	s2 =	sld [smem:$0x3FAD]  }
0x29: {  	s4 =	sld [smem:$0x3FAF]  }
0x2a: {  	p0 =	seq.s32 s5, $0x0;
	s5 =	sld [smem:$0x3FB0]  }
0x2b: {  	s6 =	sld [smem:$0x3FB1]  }
0x2c: {  	s7 =	sld [smem:$0x3FB2]  }
0x2d: {  	s3 =	simm.s32 $0x108;
	s8 =	sld [smem:$0x3FB3]  }
0x2e: {  	s3 =	simm.s32 @!p0 $0x1082;
	s9 =	sld [smem:$0x3FB4]  }
0x2f: {  	lr =	sadd.s32 s0, s3;
	s0 =	sld [smem:$0x3FAB]  }
0x30: {  	s3 =	sld [smem:$0x3FAE]  }
0x31: {  	[smem:$0x3FB7] =	sst s10  }
0x32: {  	s10 =	sld [smem:$0x3FB5];
	_ =	sdelay $0x3  }
0x33: {  	p0 =	seq.s32 s10, $0x1;
	s10 =	sld [smem:$0x3FB7];
	_ =	sdelay $0x3  }
0x34: {  	[smem:$0x3FB7] =	sst s10  }
0x35: {  	s10 =	sld [smem:$0x3FB6];
	_ =	sdelay $0x3  }
0x36: {  	p1 =	seq.s32 s10, $0x1;
	s10 =	sld [smem:$0x3FB7];
	_ =	sdelay $0x3  }
0x37: {  	[smem:$0x3FB7] =	sst s10  }
0x38: {  	s10 =	sld [smem:$0x3FB8]  }
0x39: {  	_ = 	snop;
	(pc) =	sbr.ind lr, $3  }
0x3a: {  	_ = 	snop  }
0x3b: {  	_ = 	snop  }
0x3c: {  	p2 =	seq.s32 s10, $0x1;
	s10 =	sld [smem:$0x3FB7]  }
0x3d: {  	_ =	shalt  }
0x3e: {  	_ =	shalt  }
0x3f: {  	_ =	shalt  }
0x40: {  	_ =	shalt  }
0x41: {  	_ =	shalt  }
0x42: {  	_ =	shalt  }
0x43: {  	_ =	shalt  }
0x44: {  	_ =	shalt  }
0x45: {  	_ =	shalt  }
0x46: {  	_ =	shalt  }
0x47: {  	_ =	shalt  }
0x48: {  	_ =	shalt  }
0x49: {  	_ =	shalt  }
0x4a: {  	_ =	shalt  }
0x4b: {  	_ =	shalt  }
0x4c: {  	_ =	shalt  }
0x4d: {  	_ =	shalt  }
0x4e: {  	_ =	shalt  }
0x4f: {  	_ =	shalt  }
0x50: {  	_ =	shalt  }
0x51: {  	_ =	shalt  }
0x52: {  	_ =	shalt  }
0x53: {  	_ =	shalt  }
0x54: {  	_ =	shalt  }
0x55: {  	_ =	shalt  }
0x56: {  	_ =	shalt  }
0x57: {  	_ =	shalt  }
0x58: {  	_ =	shalt  }
0x59: {  	_ =	shalt  }
0x5a: {  	_ =	shalt  }
0x5b: {  	_ =	shalt  }
0x5c: {  	_ =	shalt  }
0x5d: {  	_ =	shalt  }
0x5e: {  	_ =	shalt  }
0x5f: {  	_ =	shalt  }
0x60: {  	_ =	shalt  }
0x61: {  	_ =	shalt  }
0x62: {  	_ =	shalt  }
0x63: {  	_ =	shalt  }
0x64: {  	_ =	shalt  }
0x65: {  	_ =	shalt  }
0x66: {  	_ =	shalt  }
0x67: {  	_ =	shalt  }
0x68: {  	_ =	shalt  }
0x69: {  	_ =	shalt  }
0x6a: {  	_ =	shalt  }
0x6b: {  	_ =	shalt  }
0x6c: {  	_ =	shalt  }
0x6d: {  	_ =	shalt  }
0x6e: {  	_ =	shalt  }
0x6f: {  	_ =	shalt  }
0x70: {  	_ =	shalt  }
0x71: {  	_ =	shalt  }
0x72: {  	_ =	shalt  }
0x73: {  	_ =	shalt  }
0x74: {  	_ =	shalt  }
0x75: {  	_ =	shalt  }
0x76: {  	_ =	shalt  }
0x77: {  	_ =	shalt  }
0x78: {  	_ =	shalt  }
0x79: {  	_ =	shalt  }
0x7a: {  	_ =	shalt  }
0x7b: {  	_ =	shalt  }
0x7c: {  	_ =	shalt  }
0x7d: {  	_ =	shalt  }
0x7e: {  	_ =	shalt  }
0x7f: {  	_ =	shalt  }
0x80: {  	_ =	shalt  }
0x81: {  	_ =	shalt  }
0x82: {  	_ =	shalt  }
0x83: {  	_ =	shalt  }
0x84: {  	_ =	shalt  }
0x85: {  	_ =	shalt  }
0x86: {  	_ =	shalt  }
0x87: {  	_ =	shalt  }
.Lfunc_end0:
.L_simem_size_0:
called_computation_lowered:
.L_overlay_start_0:
0x88: {  	s2 =	sld [smem:$0x3FD9]  }
0x89: {  	s3 =	sld [smem:$0x3FFE];
	_ =	sdelay $0x1  }
0x8a: {  	s1 =	srdreg.scid  }
0x8b: {  	s0 =	sand.u32 $0x1, s1  }
0x8c: {  	s17 =	sshll.u32 s0, $0xA;
	s2 =	sadd.s32 s3, s2  }
0x8d: {  	s2 =	sadd.s32 s2, s17  }
0x8e: {  	[smem:$0x3FC3] =	sst s2  }
0x8f: {  	_ = 	snop  }
0x90: {  	s2 =	sld [smem:$0x3FD0];
	(tm) =	ssettm $0x1  }
0x91: {  	s18 =	sld [smem:$0x3FFB];
	_ =	sdelay $0x3  }
0x92: {  	_ =	strace s18  }
0x93: {  	s3 =	sld [smem:$0x3FFC];
	_ =	sdelay $0x3  }
0x94: {  	_ =	strace s3  }
0x95: {  	s3 =	sld [smem:$0x3FFD];
	_ =	sdelay $0x3  }
0x96: {  	_ =	strace s3  }
0x97: {  	_ =	strace $0x8FFFFFFF  }
0x98: {  	s19 =	sld [smem:$0x3FDB];
	_ =	sdelay $0x1  }
0x99: {  	s4 =	simm.s32 $_scs_section_size  }
0x9a: {  	s5 =	simm.s32 $_size__tile_overlayer_lowered;
	s6 =	simm.s32 $_tile_overlayer_lowered  }
0x9b: {  	s22 =	simm.s32 $0x1BFF;
	s21 =	sshll.u32 s6, $0x1;
	s3 =	sadd.s32 s4, s19  }
0x9c: {  	s7 =	simm.s32 $0x0;
	s20 =	sshll.u32 s5, $0x1;
	s5 =	sadd.s32 s21, s3  }
0x9d: {  	[timem:s7], [sflag:s22] =	dma.local [hbm:s5], s20  }
0x9e: {  	_ =	swait.ge [sflag:s22], s20  }
0x9f: {  	s4 =	ssub.s32 $0x0, s20;
	[sflag:s22] =	ssyncset.done $0x0  }
0xa0: {  	[sflag:s22] =	ssyncadd.s32 s4;
	_ =	sdelay $0x1  }
0xa1: {  	s23 =	simm.s32 $0x1B8B  }
0xa2: {  	_ =	swait.ge [sflag:s23], $0x1  }
0xa3: {  	[sflag:s23] =	ssyncset.done $0x0  }
0xa4: {  	s25 =	simm.s32 $0x1B8E;
	s24 =	sld [smem:$0x3FFE];
	[sflag:s23] =	ssyncadd.s32 $0xFFFFFFFF  }
0xa5: {  	s26 =	simm.s32 $execute0_lowered;
	[smem:$0x3FD2] =	sst s25  }
0xa6: {  	s5 =	sshll.u32 s26, $0x1;
	_ =	strace $0x80000046;
	[dreg:$0x1] =	wrdreg $0xFFFFFFFF  }
0xa7: {  	s28 =	simm.s32 $_size_execute0_lowered;
	s3 =	sadd.s32 s3, s5;
	[dreg:$0x0] =	wrdreg $0x0  }
0xa8: {  	s5 =	sshll.u32 s28, $0x1;
	[dreg:$0x2] =	wrdreg s3  }
0xa9: {  	[dreg:$0x3] =	wrdreg s5  }
0xaa: {  	[dreg:$0x4] =	wrdreg $0xC0  }
0xab: {  	_ =	task [dreg:s7], $0x5FFFF  }
0xac: {  	[dreg:$0x1] =	wrdreg $0xFFFFFFFF  }
0xad: {  	[dreg:$0x0] =	wrdreg $0x60  }
0xae: {  	[dreg:$0x2] =	wrdreg s24  }
0xaf: {  	[dreg:$0x3] =	wrdreg s2  }
0xb0: {  	[dreg:$0x4] =	wrdreg $0x0  }
0xb1: {  	[dreg:$0x5] =	wrdreg $0x9  }
0xb2: {  	_ =	task.clear_ibuf [dreg:s7], $0x6FFFF;
	_ =	strace $0x90000046  }
0xb3: {  	s29 =	simm.s32 $0x9;
	_ =	strace $0x80000048  }
0xb4: {  	_ =	swait.ge [sflag:s29], $0x1  }
0xb5: {  	[sflag:s29] =	ssyncadd.s32 $0xFFFFFFFF  }
0xb6: {  	_ =	strace $0x90000048  }
0xb7: {  	_ =	sfence  }
0xb8: {  	s30 =	sld [smem:$0x0];
	_ =	sdelay $0x2  }
0xb9: {  	s31 =	sshll.u32 s1, $0xD;
	s1 =	sshrl.u32 s1, $0x2  }
0xba: {  	s3 =	sand.u32 $0x4000, s31;
	s1 =	sadd.s32 s1, s30  }
0xbb: {  	s0 =	sor.u32 s3, s0;
	s1 =	sshll.u32 s1, $0x11  }
0xbc: {  	s0 =	sor.u32 s1, s0  }
0xbd: {  	s0 =	sadd.s32 $0x8F2B, s0  }
0xbe: {  	[sflag:s0] =	ssyncadd.remote.s32 $0x1  }
0xbf: {  	_ =	sfence.sel $0xFFFF  }
0xc0: {  	[dreg:$0x0] =	wrdreg $0xFFFFFFFF;
	(pc) =	sbr.abs _section_cstart, $3  }
0xc1: {  	[dreg:$0x1] =	wrdreg $0xFFFFFFFF  }
0xc2: {  	_ =	task.clear_ibuf [dreg:s7], $0x2FFFF;
	_ =	strace $0x9FFFFFFF  }
0xc3: {  	(tm) =	ssettm $0x7FFFFFFF  }
tec
execute0_lowered:
.L_overlay_start_1:
0x0: {  	(tag) =	ssettag $0x1  }
0x1: {  	s0 =	rddreg [dreg:$0x0]  }
0x2: {  	s1 =	rddreg [dreg:$0x1]  }
0x3: {  	s2 =	rddreg [dreg:$0x2];
	s4 =	simm.s32 $0x0  }
0x4: {  	s3 =	srdreg.scid;
	s15 =	stileid.u32;
	s22 =	simm.s32 $0x14000  }
0x5: {  	s23 =	simm.s32 $0x14400;
	s28 =	simm.s32 $0x0;
	s29 =	simm.s32 $0x0  }
0x6: {  	[smem:$0x7FF] =	sst s4;
	s5 =	sadd.s32 $0x29A00, s0;
	s8 =	smul.u32 $0x50000, s15  }
0x7: {  	s3 =	sand.u32 $0x1, s3;
	s6 =	sadd.s32 $0x15A00, s0;
	s12 =	smul.u32 $0x14000, s15  }
0x8: {  	s7 =	sadd.s32 $0x1A00, s0;
	s0 =	sadd.s32 $0x77C00, s0;
	s15 =	smul.u32 $0x5000, s15  }
0x9: {  	_ =	strace $0x80000047;
	s9 =	ssub.s32 $0x2, s3;
	s18 =	smul.u32 $0x140000, s3  }
0xa: {  	s3 =	smul.u32 $0x50000, s3;
	s10 =	sshrl.u32 s9, $0x1;
	s8 =	sshrl.u32 s8, $0x2  }
0xb: {  	s13 =	sadd.s32 $0x4000, s12;
	s16 =	sadd.s32 $0x8000, s12;
	s17 =	sadd.s32 $0xC000, s12  }
0xc: {  	s19 =	sadd.s32 $0x10000, s12;
	s14 =	ssub.s32 s9, s10;
	s8 =	sadd.s32 s8, s2  }
0xd: {  	s9 =	sadd.s32 s13, s2;
	s10 =	sadd.s32 s16, s2;
	s11 =	sadd.s32 s17, s2  }
0xe: {  	s20 =	sadd.s32 s12, s18;
	s13 =	sadd.s32 s18, s13;
	s12 =	sadd.s32 s19, s2  }
0xf: {  	s25 =	sadd.s32 s18, s16;
	s26 =	sadd.s32 s18, s17;
	s30 =	sadd.s32 s18, s19  }
0x10: {  	s20 =	sshrl.u32 s20, $0x3;
	s21 =	sshrl.u32 s13, $0x3;
	s13 =	sadd.s32 s15, s3  }
0x11: {  	s3 =	sshrl.u32 s25, $0x3;
	s31 =	sshrl.u32 s26, $0x3;
	s19 =	sshrl.u32 s30, $0x3  }
0x12: {  	s25 =	simm.s32 $0x80;
	s26 =	simm.s32 $0x1;
	s24 =	sadd.s32 s0, s20  }
0x13: {  	s15 =	sadd.s32 s0, s21;
	s16 =	sadd.s32 s0, s3;
	s17 =	sadd.s32 s0, s31  }
0x14: {  	s18 =	sadd.s32 s0, s19;
	s19 =	smax.u32 s14, $0x1;
	s20 =	simm.s32 $0x14C00  }
0x15: {  	v0 =	vimm.f32 $0.0e+00;
	s21 =	simm.s32 $0x2;
	[dreg:$0x4] =	wrdreg s24;
	s24 =	simm.s32 $0x14800  }
.LBB2_1:
0x16: {  	s0 =	simm.s32 $0x0;
	s3 =	simm.s32 $0x200  }
.LBB2_2:
0x17: {  	p0 =	sne.s32 s3, $0xFE00;
	[tilespmem:s0+$0x14C70] =	vst v0  }
0x18: {  	[tilespmem:s0+$0x14C00] =	vst v0  }
0x19: {  	[tilespmem:s0+$0x14C10] =	vst v0  }
.Ltmp0:
0x1a: {  	[tilespmem:s0+$0x14C20] =	vst v0;
	(pc) =	sbr.rel @p0 .LBB2_2-.Ltmp0, $4  }
0x1b: {  	[tilespmem:s0+$0x14C30] =	vst v0  }
0x1c: {  	[tilespmem:s0+$0x14C40] =	vst v0  }
0x1d: {  	[tilespmem:s0+$0x14C50] =	vst v0  }
0x1e: {  	[tilespmem:s0+$0x14C60] =	vst v0;
	s0 =	sshra.s32 s3, $0x2;
	s3 =	sadd.s32 $0x200, s3  }
0x1f: {  	[tilespmem:s0+$0x14C70] =	vst v0  }
0x20: {  	[tilespmem:s0+$0x14C00] =	vst v0  }
0x21: {  	[tilespmem:s0+$0x14C10] =	vst v0  }
0x22: {  	[tilespmem:s0+$0x14C20] =	vst v0  }
0x23: {  	[tilespmem:s0+$0x14C30] =	vst v0  }
0x24: {  	[tilespmem:s0+$0x14C40] =	vst v0  }
0x25: {  	[tilespmem:s0+$0x14C50] =	vst v0  }
0x26: {  	[tilespmem:s0+$0x14C60] =	vst v0  }
0x27: {  	[spmem:s8] =	stream.linear.scatter [tilespmem:s20], [sflag:$0x2], $0x4000, $0x38;
	[tilespmem:$0x18C00] =	vst v63  }
0x28: {  	_ =	swait.ge [sflag:s21], $0x4000  }
0x29: {  	[sflag:s21] =	ssyncset.done $0x0  }
0x2a: {  	[sflag:s21] =	ssyncadd.s32 $0xFFFFC000  }
0x2b: {  	[spmem:s9] =	stream.linear.scatter [tilespmem:s20], [sflag:$0x2], $0x4000, $0x38;
	[tilespmem:$0x18C00] =	vst v63  }
0x2c: {  	_ =	swait.ge [sflag:s21], $0x4000  }
0x2d: {  	[sflag:s21] =	ssyncset.done $0x0  }
0x2e: {  	[sflag:s21] =	ssyncadd.s32 $0xFFFFC000  }
0x2f: {  	[spmem:s10] =	stream.linear.scatter [tilespmem:s20], [sflag:$0x2], $0x4000, $0x38;
	[tilespmem:$0x18C00] =	vst v63  }
0x30: {  	_ =	swait.ge [sflag:s21], $0x4000  }
0x31: {  	[sflag:s21] =	ssyncset.done $0x0  }
0x32: {  	[sflag:s21] =	ssyncadd.s32 $0xFFFFC000  }
0x33: {  	[spmem:s11] =	stream.linear.scatter [tilespmem:s20], [sflag:$0x2], $0x4000, $0x38;
	[tilespmem:$0x18C00] =	vst v63  }
0x34: {  	_ =	swait.ge [sflag:s21], $0x4000  }
0x35: {  	[sflag:s21] =	ssyncset.done $0x0  }
0x36: {  	[sflag:s21] =	ssyncadd.s32 $0xFFFFC000  }
0x37: {  	[spmem:s12] =	stream.linear.scatter [tilespmem:s20], [sflag:$0x2], $0x4000, $0x38;
	[tilespmem:$0x18C00] =	vst v63  }
0x38: {  	_ =	swait.ge [sflag:s21], $0x4000  }
0x39: {  	[sflag:s21] =	ssyncset.done $0x0  }
0x3a: {  	[sflag:s21] =	ssyncadd.s32 $0xFFFFC000  }
0x3b: {  	s30 =	simm.s32 $0x0;
	[bflag:$0x0] =	sbarrier.arrive $0xFFFF  }
.LBB2_4:
0x3c: {  	s0 =	sshll.u32 s30, $0xA  }
0x3d: {  	s0 =	sadd.s32 s0, s13  }
0x3e: {  	s0 =	sshrl.u32 s0, $0x3  }
0x3f: {  	s3 =	sadd.s32 s1, s0  }
0x40: {  	[tilespmem:s22], [sflag:$0x2] =	stream.linear.gather [hbm4b:s3+s29], $0x400, $0x38;
	[tilespmem:$0x18C00] =	vst v63  }
0x41: {  	_ =	swait.ge [sflag:s21], $0x400  }
0x42: {  	[sflag:s21] =	ssyncset.done $0x0  }
0x43: {  	s14 =	sadd.s32 s6, s0;
	[sflag:s21] =	ssyncadd.s32 $0xFFFFFC00  }
0x44: {  	[tilespmem:s23], [sflag:$0x2] =	stream.linear.gather [hbm4b:s14+s29], $0x400, $0x38;
	[tilespmem:$0x18C00] =	vst v63  }
0x45: {  	_ =	swait.ge [sflag:s21], $0x400  }
0x46: {  	[sflag:s21] =	ssyncset.done $0x0  }
0x47: {  	s0 =	sadd.s32 s7, s0;
	[sflag:s21] =	ssyncadd.s32 $0xFFFFFC00  }
0x48: {  	[tilespmem:s24], [sflag:$0x2] =	stream.linear.gather [hbm4b:s0+s29], $0x400, $0x38;
	[tilespmem:$0x18C00] =	vst v63  }
0x49: {  	_ =	swait.ge [sflag:s21], $0x400  }
0x4a: {  	[sflag:s21] =	ssyncset.done $0x0  }
0x4b: {  	s31 =	simm.s32 $0x0;
	[sflag:s21] =	ssyncadd.s32 $0xFFFFFC00  }
.LBB2_5:
0x4c: {  	s0 =	sshll.u32 s31, $0x7  }
0x4d: {  	s3 =	sadd.s32 $0x14000, s0;
	s14 =	sadd.s32 $0x14800, s0  }
0x4e: {  	[tilespmem:s20], [sflag:$0x1] =	stream.indirect.gather [hbm4b:s5+s25], $0x80, s3, s25, $0xb8;
	[tilespmem:$0x18C00] =	vst v63  }
0x4f: {  	v1 =	vmov s14;
	_ =	swait.ge [sflag:s26], $0x4000  }
0x50: {  	[sflag:s26] =	ssyncset.done $0x0  }
0x51: {  	s3 =	simm.s32 $0x0;
	[sflag:s26] =	ssyncadd.s32 $0xFFFFC000  }
.LBB2_6:
0x52: {  	s14 =	sshll.u32 s3, $0x4  }
0x53: {  	s14 =	sand.u32 $0x3FFFFFF0, s14  }
0x54: {  	v2 =	vld.idx.msk [tilespmem:v1+s14+$0x0 ss:$0x1], $0xffff;
	s14 =	sshll.u32 s3, $0xB  }
0x55: {  	s14 =	sand.u32 $0x3FFFF800, s14  }
0x56: {  	v3 =	vld [tilespmem:s14+$0x14C00]  }
0x57: {  	v4 =	vld [tilespmem:s14+$0x14C10]  }
0x58: {  	v5 =	vld [tilespmem:s14+$0x14C20]  }
0x59: {  	v7 =	vld [tilespmem:s14+$0x14C30];
	v6 =	vbroadcast v2, $0x0  }
0x5a: {  	v8 =	vld [tilespmem:s14+$0x14C40]  }
0x5b: {  	v9 =	vld [tilespmem:s14+$0x14C50];
	v3 =	vmul.f32 v6, v3  }
0x5c: {  	v10 =	vld [tilespmem:s14+$0x14C60];
	v4 =	vmul.f32 v4, v6  }
0x5d: {  	v24 =	vld [tilespmem:s14+$0x14C70];
	[tilespmem:s14+$0x14C00] =	vst v3;
	v3 =	vmul.f32 v5, v6  }
0x5e: {  	v26 =	vld [tilespmem:s14+$0x14C80];
	v25 =	vmul.f32 v7, v6;
	[tilespmem:s14+$0x14C10] =	vst v4  }
0x5f: {  	v27 =	vld [tilespmem:s14+$0x14C90];
	[tilespmem:s14+$0x14C20] =	vst v3;
	v3 =	vmul.f32 v8, v6  }
0x60: {  	v29 =	vld [tilespmem:s14+$0x14CA0];
	v28 =	vmul.f32 v9, v6;
	[tilespmem:s14+$0x14C30] =	vst v25  }
0x61: {  	v11 =	vld [tilespmem:s14+$0x14CB0];
	v30 =	vbroadcast v2, $0x1;
	[tilespmem:s14+$0x14C40] =	vst v3;
	v3 =	vmul.f32 v10, v6  }
0x62: {  	v32 =	vld [tilespmem:s14+$0x14CC0];
	v31 =	vmul.f32 v24, v6;
	[tilespmem:s14+$0x14C50] =	vst v28  }
0x63: {  	v33 =	vld [tilespmem:s14+$0x14CD0];
	[tilespmem:s14+$0x14C60] =	vst v3;
	v3 =	vmul.f32 v26, v30  }
0x64: {  	v35 =	vld [tilespmem:s14+$0x14CE0];
	v34 =	vmul.f32 v27, v30;
	[tilespmem:s14+$0x14C70] =	vst v31  }
0x65: {  	v36 =	vld [tilespmem:s14+$0x14CF0];
	[tilespmem:s14+$0x14C80] =	vst v3;
	v3 =	vmul.f32 v29, v30  }
0x66: {  	v38 =	vld [tilespmem:s14+$0x14D00];
	v37 =	vmul.f32 v11, v30;
	[tilespmem:s14+$0x14C90] =	vst v34  }
0x67: {  	v39 =	vld [tilespmem:s14+$0x14D10];
	[tilespmem:s14+$0x14CA0] =	vst v3;
	v3 =	vmul.f32 v32, v30  }
0x68: {  	v41 =	vld [tilespmem:s14+$0x14D20];
	v40 =	vmul.f32 v33, v30;
	[tilespmem:s14+$0x14CB0] =	vst v37  }
0x69: {  	v43 =	vld [tilespmem:s14+$0x14D30];
	v42 =	vbroadcast v2, $0x2;
	[tilespmem:s14+$0x14CC0] =	vst v3;
	v3 =	vmul.f32 v35, v30  }
0x6a: {  	v45 =	vld [tilespmem:s14+$0x14D40];
	v44 =	vmul.f32 v36, v30;
	[tilespmem:s14+$0x14CD0] =	vst v40  }
0x6b: {  	v46 =	vld [tilespmem:s14+$0x14D50];
	[tilespmem:s14+$0x14CE0] =	vst v3;
	v3 =	vmul.f32 v38, v42  }
0x6c: {  	v48 =	vld [tilespmem:s14+$0x14D60];
	v47 =	vmul.f32 v39, v42;
	[tilespmem:s14+$0x14CF0] =	vst v44  }
0x6d: {  	v49 =	vld [tilespmem:s14+$0x14D70];
	[tilespmem:s14+$0x14D00] =	vst v3;
	v3 =	vmul.f32 v41, v42  }
0x6e: {  	v51 =	vld [tilespmem:s14+$0x14D80];
	v50 =	vmul.f32 v43, v42;
	[tilespmem:s14+$0x14D10] =	vst v47  }
0x6f: {  	v52 =	vld [tilespmem:s14+$0x14D90];
	[tilespmem:s14+$0x14D20] =	vst v3;
	v3 =	vmul.f32 v45, v42  }
0x70: {  	v54 =	vld [tilespmem:s14+$0x14DA0];
	v53 =	vmul.f32 v46, v42;
	[tilespmem:s14+$0x14D30] =	vst v50  }
0x71: {  	v56 =	vld [tilespmem:s14+$0x14DB0];
	v55 =	vbroadcast v2, $0x3;
	[tilespmem:s14+$0x14D40] =	vst v3;
	v3 =	vmul.f32 v48, v42  }
0x72: {  	v58 =	vld [tilespmem:s14+$0x14DC0];
	v57 =	vmul.f32 v49, v42;
	[tilespmem:s14+$0x14D50] =	vst v53  }
0x73: {  	v59 =	vld [tilespmem:s14+$0x14DD0];
	[tilespmem:s14+$0x14D60] =	vst v3;
	v3 =	vmul.f32 v51, v55  }
0x74: {  	v61 =	vld [tilespmem:s14+$0x14DE0];
	v60 =	vmul.f32 v52, v55;
	[tilespmem:s14+$0x14D70] =	vst v57  }
0x75: {  	v62 =	vld [tilespmem:s14+$0x14DF0];
	[tilespmem:s14+$0x14D80] =	vst v3;
	v3 =	vmul.f32 v54, v55  }
0x76: {  	v12 =	vld [tilespmem:s14+$0x14E00];
	v63 =	vmul.f32 v56, v55;
	[tilespmem:s14+$0x14D90] =	vst v60  }
0x77: {  	v13 =	vld [tilespmem:s14+$0x14E10];
	[tilespmem:s14+$0x14DA0] =	vst v3;
	v3 =	vmul.f32 v58, v55  }
0x78: {  	v15 =	vld [tilespmem:s14+$0x14E20];
	v14 =	vmul.f32 v59, v55;
	[tilespmem:s14+$0x14DB0] =	vst v63  }
0x79: {  	v17 =	vld [tilespmem:s14+$0x14E30];
	v16 =	vbroadcast v2, $0x4;
	[tilespmem:s14+$0x14DC0] =	vst v3;
	v3 =	vmul.f32 v61, v55  }
0x7a: {  	v19 =	vld [tilespmem:s14+$0x14E40];
	v18 =	vmul.f32 v62, v55;
	[tilespmem:s14+$0x14DD0] =	vst v14  }
0x7b: {  	v20 =	vld [tilespmem:s14+$0x14E50];
	[tilespmem:s14+$0x14DE0] =	vst v3;
	v3 =	vmul.f32 v12, v16  }
0x7c: {  	v22 =	vld [tilespmem:s14+$0x14E60];
	v21 =	vmul.f32 v13, v16;
	[tilespmem:s14+$0x14DF0] =	vst v18  }
0x7d: {  	v23 =	vld [tilespmem:s14+$0x14E70];
	[tilespmem:s14+$0x14E00] =	vst v3;
	v3 =	vmul.f32 v15, v16  }
0x7e: {  	v24 =	vmul.f32 v17, v16;
	[tilespmem:s14+$0x14E10] =	vst v21;
	v25 =	vld [tilespmem:s14+$0x14E80]  }
0x7f: {  	v33 =	vld [tilespmem:s14+$0x14ED0];
	[tilespmem:s14+$0x14E20] =	vst v3;
	v3 =	vmul.f32 v19, v16  }
0x80: {  	v27 =	vmul.f32 v20, v16;
	[tilespmem:s14+$0x14E30] =	vst v24;
	v28 =	vld [tilespmem:s14+$0x14EA0]  }
0x81: {  	v36 =	vld [tilespmem:s14+$0x14EF0];
	v29 =	vbroadcast v2, $0x5;
	[tilespmem:s14+$0x14E40] =	vst v3;
	v3 =	vmul.f32 v22, v16  }
0x82: {  	[tilespmem:s14+$0x14E50] =	vst v27;
	v31 =	vmul.f32 v23, v16;
	v32 =	vld [tilespmem:s14+$0x14EC0]  }
0x83: {  	v26 =	vld [tilespmem:s14+$0x14E90];
	[tilespmem:s14+$0x14E60] =	vst v3;
	v3 =	vmul.f32 v25, v29  }
0x84: {  	[tilespmem:s14+$0x14E70] =	vst v31;
	v40 =	vmul.f32 v33, v29;
	v35 =	vld [tilespmem:s14+$0x14EE0]  }
0x85: {  	v30 =	vld [tilespmem:s14+$0x14EB0];
	[tilespmem:s14+$0x14E80] =	vst v3;
	v3 =	vmul.f32 v28, v29  }
0x86: {  	v44 =	vmul.f32 v36, v29;
	[tilespmem:s14+$0x14ED0] =	vst v40;
	v38 =	vld [tilespmem:s14+$0x14F00]  }
0x87: {  	v39 =	vld [tilespmem:s14+$0x14F10];
	[tilespmem:s14+$0x14EA0] =	vst v3;
	v3 =	vmul.f32 v32, v29  }
0x88: {  	v34 =	vmul.f32 v26, v29;
	[tilespmem:s14+$0x14EF0] =	vst v44;
	v41 =	vld [tilespmem:s14+$0x14F20]  }
0x89: {  	v43 =	vld [tilespmem:s14+$0x14F30];
	v42 =	vbroadcast v2, $0x6;
	[tilespmem:s14+$0x14EC0] =	vst v3;
	v3 =	vmul.f32 v35, v29  }
0x8a: {  	[tilespmem:s14+$0x14E90] =	vst v34;
	v37 =	vmul.f32 v30, v29;
	v45 =	vld [tilespmem:s14+$0x14F40]  }
0x8b: {  	v46 =	vld [tilespmem:s14+$0x14F50];
	[tilespmem:s14+$0x14EE0] =	vst v3;
	v3 =	vmul.f32 v38, v42  }
0x8c: {  	[tilespmem:s14+$0x14EB0] =	vst v37;
	v48 =	vld [tilespmem:s14+$0x14F60];
	v47 =	vmul.f32 v39, v42  }
0x8d: {  	v49 =	vld [tilespmem:s14+$0x14F70];
	[tilespmem:s14+$0x14F00] =	vst v3;
	v3 =	vmul.f32 v41, v42  }
0x8e: {  	v50 =	vmul.f32 v43, v42;
	v51 =	vld [tilespmem:s14+$0x14F80];
	[tilespmem:s14+$0x14F10] =	vst v47  }
0x8f: {  	v52 =	vld [tilespmem:s14+$0x14F90];
	[tilespmem:s14+$0x14F20] =	vst v3;
	v3 =	vmul.f32 v45, v42  }
0x90: {  	v53 =	vmul.f32 v46, v42;
	[tilespmem:s14+$0x14F30] =	vst v50;
	v54 =	vld [tilespmem:s14+$0x14FA0]  }
0x91: {  	v56 =	vld [tilespmem:s14+$0x14FB0];
	v55 =	vbroadcast v2, $0x7;
	[tilespmem:s14+$0x14F40] =	vst v3;
	v3 =	vmul.f32 v48, v42  }
0x92: {  	v57 =	vmul.f32 v49, v42;
	[tilespmem:s14+$0x14F50] =	vst v53;
	v58 =	vld [tilespmem:s14+$0x14FC0]  }
0x93: {  	v59 =	vld [tilespmem:s14+$0x14FD0];
	[tilespmem:s14+$0x14F60] =	vst v3;
	v3 =	vmul.f32 v51, v55  }
0x94: {  	[tilespmem:s14+$0x14F70] =	vst v57;
	v61 =	vld [tilespmem:s14+$0x14FE0];
	v60 =	vmul.f32 v52, v55  }
0x95: {  	v62 =	vld [tilespmem:s14+$0x14FF0];
	[tilespmem:s14+$0x14F80] =	vst v3;
	v3 =	vmul.f32 v54, v55  }
0x96: {  	v63 =	vmul.f32 v56, v55;
	v12 =	vld [tilespmem:s14+$0x15000];
	[tilespmem:s14+$0x14F90] =	vst v60  }
0x97: {  	v13 =	vld [tilespmem:s14+$0x15010];
	[tilespmem:s14+$0x14FA0] =	vst v3;
	v3 =	vmul.f32 v58, v55  }
0x98: {  	v14 =	vmul.f32 v59, v55;
	[tilespmem:s14+$0x14FB0] =	vst v63;
	v15 =	vld [tilespmem:s14+$0x15020]  }
0x99: {  	v17 =	vld [tilespmem:s14+$0x15030];
	v16 =	vbroadcast v2, $0x8;
	[tilespmem:s14+$0x14FC0] =	vst v3;
	v3 =	vmul.f32 v61, v55  }
0x9a: {  	v18 =	vmul.f32 v62, v55;
	[tilespmem:s14+$0x14FD0] =	vst v14;
	v19 =	vld [tilespmem:s14+$0x15040]  }
0x9b: {  	v20 =	vld [tilespmem:s14+$0x15050];
	[tilespmem:s14+$0x14FE0] =	vst v3;
	v3 =	vmul.f32 v12, v16  }
0x9c: {  	[tilespmem:s14+$0x14FF0] =	vst v18;
	v22 =	vld [tilespmem:s14+$0x15060];
	v21 =	vmul.f32 v13, v16  }
0x9d: {  	v23 =	vld [tilespmem:s14+$0x15070];
	[tilespmem:s14+$0x15000] =	vst v3;
	v3 =	vmul.f32 v15, v16  }
0x9e: {  	v24 =	vmul.f32 v17, v16;
	v25 =	vld [tilespmem:s14+$0x15080];
	[tilespmem:s14+$0x15010] =	vst v21  }
0x9f: {  	v26 =	vld [tilespmem:s14+$0x15090];
	[tilespmem:s14+$0x15020] =	vst v3;
	v3 =	vmul.f32 v19, v16  }
0xa0: {  	v27 =	vmul.f32 v20, v16;
	[tilespmem:s14+$0x15030] =	vst v24;
	v28 =	vld [tilespmem:s14+$0x150A0]  }
0xa1: {  	v30 =	vld [tilespmem:s14+$0x150B0];
	v29 =	vbroadcast v2, $0x9;
	[tilespmem:s14+$0x15040] =	vst v3;
	v3 =	vmul.f32 v22, v16  }
0xa2: {  	v31 =	vmul.f32 v23, v16;
	[tilespmem:s14+$0x15050] =	vst v27;
	v32 =	vld [tilespmem:s14+$0x150C0]  }
0xa3: {  	v33 =	vld [tilespmem:s14+$0x150D0];
	[tilespmem:s14+$0x15060] =	vst v3;
	v3 =	vmul.f32 v25, v29  }
0xa4: {  	[tilespmem:s14+$0x15070] =	vst v31;
	v35 =	vld [tilespmem:s14+$0x150E0];
	v34 =	vmul.f32 v26, v29  }
0xa5: {  	v36 =	vld [tilespmem:s14+$0x150F0];
	[tilespmem:s14+$0x15080] =	vst v3;
	v3 =	vmul.f32 v28, v29  }
0xa6: {  	v37 =	vmul.f32 v30, v29;
	v38 =	vld [tilespmem:s14+$0x15100];
	[tilespmem:s14+$0x15090] =	vst v34  }
0xa7: {  	v39 =	vld [tilespmem:s14+$0x15110];
	[tilespmem:s14+$0x150A0] =	vst v3;
	v3 =	vmul.f32 v32, v29  }
0xa8: {  	v40 =	vmul.f32 v33, v29;
	[tilespmem:s14+$0x150B0] =	vst v37;
	v41 =	vld [tilespmem:s14+$0x15120]  }
0xa9: {  	v43 =	vld [tilespmem:s14+$0x15130];
	v42 =	vbroadcast v2, $0xA;
	[tilespmem:s14+$0x150C0] =	vst v3;
	v3 =	vmul.f32 v35, v29  }
0xaa: {  	v44 =	vmul.f32 v36, v29;
	[tilespmem:s14+$0x150D0] =	vst v40;
	v45 =	vld [tilespmem:s14+$0x15140]  }
0xab: {  	v46 =	vld [tilespmem:s14+$0x15150];
	[tilespmem:s14+$0x150E0] =	vst v3;
	v3 =	vmul.f32 v38, v42  }
0xac: {  	[tilespmem:s14+$0x150F0] =	vst v44;
	v48 =	vld [tilespmem:s14+$0x15160];
	v47 =	vmul.f32 v39, v42  }
0xad: {  	v49 =	vld [tilespmem:s14+$0x15170];
	[tilespmem:s14+$0x15100] =	vst v3;
	v3 =	vmul.f32 v41, v42  }
0xae: {  	v50 =	vmul.f32 v43, v42;
	v51 =	vld [tilespmem:s14+$0x15180];
	[tilespmem:s14+$0x15110] =	vst v47  }
0xaf: {  	v52 =	vld [tilespmem:s14+$0x15190];
	[tilespmem:s14+$0x15120] =	vst v3;
	v3 =	vmul.f32 v45, v42  }
0xb0: {  	v53 =	vmul.f32 v46, v42;
	[tilespmem:s14+$0x15130] =	vst v50;
	v54 =	vld [tilespmem:s14+$0x151A0]  }
0xb1: {  	v56 =	vld [tilespmem:s14+$0x151B0];
	v55 =	vbroadcast v2, $0xB;
	[tilespmem:s14+$0x15140] =	vst v3;
	v3 =	vmul.f32 v48, v42  }
0xb2: {  	v57 =	vmul.f32 v49, v42;
	[tilespmem:s14+$0x15150] =	vst v53;
	v58 =	vld [tilespmem:s14+$0x151C0]  }
0xb3: {  	v59 =	vld [tilespmem:s14+$0x151D0];
	[tilespmem:s14+$0x15160] =	vst v3;
	v3 =	vmul.f32 v51, v55  }
0xb4: {  	[tilespmem:s14+$0x15170] =	vst v57;
	v61 =	vld [tilespmem:s14+$0x151E0];
	v60 =	vmul.f32 v52, v55  }
0xb5: {  	v62 =	vld [tilespmem:s14+$0x151F0];
	[tilespmem:s14+$0x15180] =	vst v3;
	v3 =	vmul.f32 v54, v55  }
0xb6: {  	v63 =	vmul.f32 v56, v55;
	v12 =	vld [tilespmem:s14+$0x15200];
	[tilespmem:s14+$0x15190] =	vst v60  }
0xb7: {  	v13 =	vld [tilespmem:s14+$0x15210];
	[tilespmem:s14+$0x151A0] =	vst v3;
	v3 =	vmul.f32 v58, v55  }
0xb8: {  	v14 =	vmul.f32 v59, v55;
	[tilespmem:s14+$0x151B0] =	vst v63;
	v15 =	vld [tilespmem:s14+$0x15220]  }
0xb9: {  	v17 =	vld [tilespmem:s14+$0x15230];
	v16 =	vbroadcast v2, $0xC;
	[tilespmem:s14+$0x151C0] =	vst v3;
	v3 =	vmul.f32 v61, v55  }
0xba: {  	v18 =	vmul.f32 v62, v55;
	[tilespmem:s14+$0x151D0] =	vst v14;
	v19 =	vld [tilespmem:s14+$0x15240]  }
0xbb: {  	v20 =	vld [tilespmem:s14+$0x15250];
	[tilespmem:s14+$0x151E0] =	vst v3;
	v3 =	vmul.f32 v12, v16  }
0xbc: {  	[tilespmem:s14+$0x151F0] =	vst v18;
	v22 =	vld [tilespmem:s14+$0x15260];
	v21 =	vmul.f32 v13, v16  }
0xbd: {  	v23 =	vld [tilespmem:s14+$0x15270];
	[tilespmem:s14+$0x15200] =	vst v3;
	v3 =	vmul.f32 v15, v16  }
0xbe: {  	v24 =	vmul.f32 v17, v16;
	v25 =	vld [tilespmem:s14+$0x15280];
	[tilespmem:s14+$0x15210] =	vst v21  }
0xbf: {  	v26 =	vld [tilespmem:s14+$0x15290];
	[tilespmem:s14+$0x15220] =	vst v3;
	v3 =	vmul.f32 v19, v16  }
0xc0: {  	v27 =	vmul.f32 v20, v16;
	[tilespmem:s14+$0x15230] =	vst v24;
	v28 =	vld [tilespmem:s14+$0x152A0]  }
0xc1: {  	v30 =	vld [tilespmem:s14+$0x152B0];
	v29 =	vbroadcast v2, $0xD;
	[tilespmem:s14+$0x15240] =	vst v3;
	v3 =	vmul.f32 v22, v16  }
0xc2: {  	v31 =	vmul.f32 v23, v16;
	[tilespmem:s14+$0x15250] =	vst v27;
	v32 =	vld [tilespmem:s14+$0x152C0]  }
0xc3: {  	v33 =	vld [tilespmem:s14+$0x152D0];
	[tilespmem:s14+$0x15260] =	vst v3;
	v3 =	vmul.f32 v25, v29  }
0xc4: {  	[tilespmem:s14+$0x15270] =	vst v31;
	v35 =	vld [tilespmem:s14+$0x152E0];
	v34 =	vmul.f32 v26, v29  }
0xc5: {  	v36 =	vld [tilespmem:s14+$0x152F0];
	[tilespmem:s14+$0x15280] =	vst v3;
	v3 =	vmul.f32 v28, v29  }
0xc6: {  	v37 =	vmul.f32 v30, v29;
	v38 =	vld [tilespmem:s14+$0x15300];
	[tilespmem:s14+$0x15290] =	vst v34  }
0xc7: {  	v39 =	vld [tilespmem:s14+$0x15310];
	[tilespmem:s14+$0x152A0] =	vst v3;
	v3 =	vmul.f32 v32, v29  }
0xc8: {  	v40 =	vmul.f32 v33, v29;
	[tilespmem:s14+$0x152B0] =	vst v37;
	v41 =	vld [tilespmem:s14+$0x15320]  }
0xc9: {  	v43 =	vld [tilespmem:s14+$0x15330];
	v42 =	vbroadcast v2, $0xE;
	[tilespmem:s14+$0x152C0] =	vst v3;
	v3 =	vmul.f32 v35, v29  }
0xca: {  	v44 =	vmul.f32 v36, v29;
	[tilespmem:s14+$0x152D0] =	vst v40;
	v45 =	vld [tilespmem:s14+$0x15340]  }
0xcb: {  	v46 =	vld [tilespmem:s14+$0x15350];
	[tilespmem:s14+$0x152E0] =	vst v3;
	v3 =	vmul.f32 v38, v42  }
0xcc: {  	[tilespmem:s14+$0x152F0] =	vst v44;
	v48 =	vld [tilespmem:s14+$0x15360];
	v47 =	vmul.f32 v39, v42  }
0xcd: {  	v49 =	vld [tilespmem:s14+$0x15370];
	[tilespmem:s14+$0x15300] =	vst v3;
	v3 =	vmul.f32 v41, v42  }
0xce: {  	v50 =	vmul.f32 v43, v42;
	v51 =	vld [tilespmem:s14+$0x15380];
	[tilespmem:s14+$0x15310] =	vst v47  }
0xcf: {  	v52 =	vld [tilespmem:s14+$0x15390];
	[tilespmem:s14+$0x15320] =	vst v3;
	v3 =	vmul.f32 v45, v42  }
0xd0: {  	v53 =	vmul.f32 v46, v42;
	[tilespmem:s14+$0x15330] =	vst v50;
	v54 =	vld [tilespmem:s14+$0x153A0]  }
0xd1: {  	v2 =	vbroadcast v2, $0xF;
	v58 =	vld [tilespmem:s14+$0x153D0];
	[tilespmem:s14+$0x15340] =	vst v3;
	v3 =	vmul.f32 v48, v42  }
0xd2: {  	v57 =	vld [tilespmem:s14+$0x153C0];
	v56 =	vmul.f32 v49, v42;
	[tilespmem:s14+$0x15350] =	vst v53  }
0xd3: {  	v55 =	vld [tilespmem:s14+$0x153B0];
	[tilespmem:s14+$0x15360] =	vst v3;
	v3 =	vmul.f32 v51, v2  }
0xd4: {  	v60 =	vld [tilespmem:s14+$0x153E0];
	v59 =	vmul.f32 v52, v2;
	[tilespmem:s14+$0x15370] =	vst v56  }
0xd5: {  	v61 =	vld [tilespmem:s14+$0x153F0];
	[tilespmem:s14+$0x15380] =	vst v3;
	v3 =	vmul.f32 v54, v2  }
0xd6: {  	[tilespmem:s14+$0x15390] =	vst v59;
	v63 =	vmul.f32 v58, v2  }
0xd7: {  	p0 =	sne.s32 s3, $0x7;
	[tilespmem:s14+$0x153A0] =	vst v3;
	v3 =	vmul.f32 v57, v2  }
.Ltmp1:
0xd8: {  	v62 =	vmul.f32 v55, v2;
	[tilespmem:s14+$0x153D0] =	vst v63;
	(pc) =	sbr.rel @p0 .LBB2_6-.Ltmp1, $4  }
0xd9: {  	[tilespmem:s14+$0x153C0] =	vst v3;
	v3 =	vmul.f32 v60, v2  }
0xda: {  	[tilespmem:s14+$0x153B0] =	vst v62;
	v2 =	vmul.f32 v61, v2  }
0xdb: {  	[tilespmem:s14+$0x153E0] =	vst v3  }
0xdc: {  	s3 =	sadd.s32 $0x1, s3;
	[tilespmem:s14+$0x153F0] =	vst v2  }
0xdd: {  	s31 =	sadd.s32 $0x1, s31  }
0xde: {  	p0 =	sne.s32 s31, $0x8  }
.Ltmp2:
0xdf: {  	s0 =	sadd.s32 $0x14400, s0;
	(pc) =	sbr.rel @p0 .LBB2_5-.Ltmp2, $4  }
0xe0: {  	[spmem:s2] =	stream.indirect.scatter.add.f32 [tilespmem:s20], [sflag:$0x2], $0x80, s0, s25, $0xb8;
	[tilespmem:$0x18C00] =	vst v63  }
0xe1: {  	_ =	swait.ge [sflag:s21], $0x4000  }
0xe2: {  	[sflag:s21] =	ssyncset.done $0x0  }
0xe3: {  	[sflag:s21] =	ssyncadd.s32 $0xFFFFC000  }
0xe4: {  	s30 =	sadd.s32 $0x1, s30  }
0xe5: {  	p0 =	sne.s32 s30, $0x14  }
.Ltmp3:
0xe6: {  	_ = 	snop;
	(pc) =	sbr.rel @p0 .LBB2_4-.Ltmp3, $1  }
0xe7: {  	_ =	sdelay $0x3  }
0xe8: {  	[bflag:$0x0] =	sbarrier.arrive $0xFFFF  }
0xe9: {  	[tilespmem:s20], [sflag:$0x2] =	stream.linear.gather [spmem:s8], $0x4000, $0x38;
	[tilespmem:$0x18C00] =	vst v63  }
0xea: {  	_ =	swait.ge [sflag:s21], $0x4000  }
0xeb: {  	[sflag:s21] =	ssyncset.done $0x0  }
0xec: {  	s0 =	rddreg [dreg:$0x4];
	[sflag:s21] =	ssyncadd.s32 $0xFFFFC000  }
0xed: {  	[hbm4b:s0+s4] =	stream.linear.scatter [tilespmem:s20], [sflag:$0x2], $0x4000, $0x38;
	[tilespmem:$0x18C00] =	vst v63  }
0xee: {  	_ =	swait.ge [sflag:s21], $0x4000  }
0xef: {  	[sflag:s21] =	ssyncset.done $0x0  }
0xf0: {  	[sflag:s21] =	ssyncadd.s32 $0xFFFFC000  }
0xf1: {  	[tilespmem:s20], [sflag:$0x2] =	stream.linear.gather [spmem:s9], $0x4000, $0x38;
	[tilespmem:$0x18C00] =	vst v63  }
0xf2: {  	_ =	swait.ge [sflag:s21], $0x4000  }
0xf3: {  	[sflag:s21] =	ssyncset.done $0x0  }
0xf4: {  	[sflag:s21] =	ssyncadd.s32 $0xFFFFC000  }
0xf5: {  	[hbm4b:s15+s4] =	stream.linear.scatter [tilespmem:s20], [sflag:$0x2], $0x4000, $0x38;
	[tilespmem:$0x18C00] =	vst v63  }
0xf6: {  	_ =	swait.ge [sflag:s21], $0x4000  }
0xf7: {  	[sflag:s21] =	ssyncset.done $0x0  }
0xf8: {  	[sflag:s21] =	ssyncadd.s32 $0xFFFFC000  }
0xf9: {  	[tilespmem:s20], [sflag:$0x2] =	stream.linear.gather [spmem:s10], $0x4000, $0x38;
	[tilespmem:$0x18C00] =	vst v63  }
0xfa: {  	_ =	swait.ge [sflag:s21], $0x4000  }
0xfb: {  	[sflag:s21] =	ssyncset.done $0x0  }
0xfc: {  	[sflag:s21] =	ssyncadd.s32 $0xFFFFC000  }
0xfd: {  	[hbm4b:s16+s4] =	stream.linear.scatter [tilespmem:s20], [sflag:$0x2], $0x4000, $0x38;
	[tilespmem:$0x18C00] =	vst v63  }
0xfe: {  	_ =	swait.ge [sflag:s21], $0x4000  }
0xff: {  	[sflag:s21] =	ssyncset.done $0x0  }
0x100: {  	[sflag:s21] =	ssyncadd.s32 $0xFFFFC000  }
0x101: {  	[tilespmem:s20], [sflag:$0x2] =	stream.linear.gather [spmem:s11], $0x4000, $0x38;
	[tilespmem:$0x18C00] =	vst v63  }
0x102: {  	_ =	swait.ge [sflag:s21], $0x4000  }
0x103: {  	[sflag:s21] =	ssyncset.done $0x0  }
0x104: {  	[sflag:s21] =	ssyncadd.s32 $0xFFFFC000  }
0x105: {  	[hbm4b:s17+s4] =	stream.linear.scatter [tilespmem:s20], [sflag:$0x2], $0x4000, $0x38;
	[tilespmem:$0x18C00] =	vst v63  }
0x106: {  	_ =	swait.ge [sflag:s21], $0x4000  }
0x107: {  	[sflag:s21] =	ssyncset.done $0x0  }
0x108: {  	[sflag:s21] =	ssyncadd.s32 $0xFFFFC000  }
0x109: {  	[tilespmem:s20], [sflag:$0x2] =	stream.linear.gather [spmem:s12], $0x4000, $0x38;
	[tilespmem:$0x18C00] =	vst v63  }
0x10a: {  	s28 =	sadd.s32 $0x1, s28;
	_ =	swait.ge [sflag:s21], $0x4000  }
0x10b: {  	p0 =	sne.s32 s28, s19;
	[sflag:s21] =	ssyncset.done $0x0  }
.Ltmp4:
0x10c: {  	[sflag:s21] =	ssyncadd.s32 $0xFFFFC000;
	(pc) =	sbr.rel @p0 .LBB2_1-.Ltmp4, $4  }
0x10d: {  	[hbm4b:s18+s4] =	stream.linear.scatter [tilespmem:s20], [sflag:$0x2], $0x4000, $0x38;
	[tilespmem:$0x18C00] =	vst v63  }
0x10e: {  	_ =	swait.ge [sflag:s21], $0x4000  }
0x10f: {  	[sflag:s21] =	ssyncset.done $0x0  }
0x110: {  	[sflag:s21] =	ssyncadd.s32 $0xFFFFC000  }
0x111: {  	_ =	sfence.sel $0x180000  }
0x112: {  	[bflag:$0x0] =	sbarrier.arrive $0xFFFF  }
0x113: {  	_ =	strace $0x90000047  }
0x114: {  	s0 =	stileid.u32;
	[bflag:$0x2] =	sbarrier.arrive $0xFFFF  }
0x115: {  	p0 =	sne.s32 s0, $0x0;
	s0 =	rddreg [dreg:$0x3]  }
0x116: {  	s0 =	sadd.s32 @!p0 $0x100000, s0  }
0x117: {  	[sflag:s0] =	ssyncadd.tile.s32 @!p0 $0x1;
	_ =	shalt  }
.Lfunc_end2:
_tile_overlayer_lowered:
.L_overlay_start_2:
0x118: {  	(tag) =	ssettag $0x2  }
0x119: {  	s0 =	rddreg [dreg:$0x0];
	s2 =	stileid.u32  }
0x11a: {  	s1 =	rddreg [dreg:$0x1];
	p0 =	sne.s32 s2, $0x0  }
0x11b: {  	s3 =	rddreg [dreg:$0x2];
	[bflag:$0x3] =	sbarrier.arrive $0xFFFF;
	s2 =	simm.s32 @!p0 $0x1C02  }
0x11c: {  	[timem:s3], [sflag:s2] =	dma.local @!p0 [hbm:s0], s1  }
0x11d: {  	s0 =	simm.s32 @!p0 $0x2  }
0x11e: {  	_ =	swait.ge @!p0 [sflag:s0], s1  }
0x11f: {  	s1 =	ssub.s32 @!p0 $0x0, s1;
	[sflag:s0] =	ssyncset.done @!p0 $0x0  }
0x120: {  	[sflag:s0] =	ssyncadd.s32 @!p0 s1  }
0x121: {  	[bflag:$0x3] =	sbarrier.arrive $0xFFFF  }
0x122: {  	_ =	shalt  }

</sc_bundles>
